<compile_context>
chip_gen: v7x
topology: tpu7x:2x2x1
jax: 0.10.2.dev20260603
libtpu: 0.0.44.dev20260713+nightly
codegen_flags: <defaults>
</compile_context>

<pallas_src>
import functools

import jax
import jax.numpy as jnp
from jax import lax
from jax.experimental import pallas as pl
from jax.experimental.pallas import tpu as pltpu
from jax.experimental.pallas import tpu_sc as plsc

NC = 2
NS = 16
NW = NC * NS
LANES = 16

CHUNK = 48


def _sc_mesh():
    return plsc.VectorSubcoreMesh(
        core_axis_name="c", subcore_axis_name="s", num_cores=NC, num_subcores=NS
    )


def _sc_hist(dst, n_nodes, n_bins):
    (E,) = dst.shape
    e_per_w = E // NW
    assert E % NW == 0 and e_per_w % LANES == 0 and n_bins % LANES == 0

    @functools.partial(
        pl.kernel,
        out_type=jax.ShapeDtypeStruct((NW, n_bins), jnp.float32),
        mesh=_sc_mesh(),
        compiler_params=pltpu.CompilerParams(needs_layout_passes=False),
        scratch_types=[
            pltpu.VMEM((e_per_w,), jnp.int32),
            pltpu.VMEM((n_bins,), jnp.float32),
        ],
    )
    def hist_kernel(dst_hbm, out_hbm, dst_v, hist_v):
        wid = lax.axis_index("s") * NC + lax.axis_index("c")
        pltpu.sync_copy(dst_hbm.at[pl.ds(wid * e_per_w, e_per_w)], dst_v)
        zeros16 = jnp.zeros((LANES,), jnp.float32)

        def zero_body(i, _):
            hist_v[pl.ds(i * LANES, LANES)] = zeros16
            return 0

        lax.fori_loop(0, n_bins // LANES, zero_body, 0)
        ones16 = jnp.ones((LANES,), jnp.float32)

        def acc_body(i, _):
            idx = dst_v[pl.ds(i * LANES, LANES)]
            plsc.addupdate_scatter(hist_v, [idx], ones16)
            return 0

        lax.fori_loop(0, e_per_w // LANES, acc_body, 0)
        pltpu.sync_copy(hist_v, out_hbm.at[wid])

    return hist_kernel(dst)


NBUF = 3


def _sc_aggregate(y, src3, dst3, zeros_init, cpw_f, cpw_s):
    n_nodes, feat = y.shape
    cpw = src3.shape[1] // CHUNK
    n_acc = zeros_init.shape[0]
    rpt = n_acc // NS
    assert cpw_f % NBUF == 0 and cpw_s % NBUF == 0 and cpw == cpw_f
    assert n_acc % NS == 0 and rpt % 8 == 0

    @functools.partial(
        pl.kernel,
        out_type=jax.ShapeDtypeStruct((NC, n_acc, feat), jnp.float32),
        mesh=_sc_mesh(),
        compiler_params=pltpu.CompilerParams(needs_layout_passes=False),
        scratch_types=[
            pltpu.VMEM((cpw * CHUNK,), jnp.int32),
            pltpu.VMEM((cpw * CHUNK,), jnp.int32),
            pltpu.VMEM((NBUF, CHUNK, feat), jnp.float32),
            pltpu.VMEM_SHARED((n_acc, feat), jnp.float32),
            pltpu.SemaphoreType.DMA((NBUF,)),
            pltpu.SemaphoreType.DMA((NBUF,)),
        ],
    )
    def agg_kernel(y_hbm, src_hbm, dst_hbm, zero_hbm, out_hbm, src_v, dst_v,
                   rows_v, acc_sh, gsem, ssem):
        cid = lax.axis_index("c")
        sid = lax.axis_index("s")
        wid = sid * NC + cid
        ngroups = jnp.where(cid == 0, cpw_f // NBUF, cpw_s // NBUF)

        pltpu.sync_copy(src_hbm.at[wid], src_v)
        pltpu.sync_copy(dst_hbm.at[wid], dst_v)
        pltpu.sync_copy(
            zero_hbm.at[pl.ds(sid * rpt, rpt)], acc_sh.at[pl.ds(sid * rpt, rpt)]
        )
        plsc.subcore_barrier()

        def start_gather(b, j):
            pltpu.async_copy(
                y_hbm.at[src_v.at[pl.ds(j * CHUNK, CHUNK)]], rows_v.at[b], gsem.at[b]
            )

        for b in range(NBUF):
            start_gather(b, b)

        def group_body(g, _):
            sdescs = []
            for b in range(NBUF):
                j = g * NBUF + b
                pltpu.make_async_copy(
                    y_hbm.at[pl.ds(0, CHUNK)], rows_v.at[b], gsem.at[b]
                ).wait()
                sdescs.append(
                    pltpu.async_copy(
                        rows_v.at[b],
                        acc_sh.at[dst_v.at[pl.ds(j * CHUNK, CHUNK)]],
                        ssem.at[b],
                        add=True,
                    )
                )
            for b in range(NBUF):
                sdescs[b].wait()

                @pl.when(g < ngroups - 1)
                def _():
                    start_gather(b, g * NBUF + b + NBUF)

            return 0

        lax.fori_loop(0, ngroups, group_body, 0)
        plsc.subcore_barrier()

        pltpu.sync_copy(
            acc_sh.at[pl.ds(sid * rpt, rpt)], out_hbm.at[cid, pl.ds(sid * rpt, rpt)]
        )

    return agg_kernel(y, src3, dst3, zeros_init)


def _tc_prescale(hist_t, x, w1):
    n_nodes, gene = x.shape
    hidden = w1.shape[1]
    blk = 2000
    nblk = n_nodes // blk
    assert n_nodes % blk == 0

    def body(hist_ref, x_ref, w1_ref, y1_ref, dinv_ref):
        deg = jnp.sum(hist_ref[...], axis=1, keepdims=True) + 1.0
        dinv = lax.rsqrt(deg)
        dinv_ref[...] = dinv
        y1_ref[...] = dinv * jnp.dot(
            x_ref[...], w1_ref[...], preferred_element_type=jnp.float32
        )

    return pl.pallas_call(
        body,
        grid=(nblk,),
        in_specs=[
            pl.BlockSpec((blk, NW), lambda i: (i, 0)),
            pl.BlockSpec((blk, gene), lambda i: (i, 0)),
            pl.BlockSpec((gene, hidden), lambda i: (0, 0)),
        ],
        out_specs=[
            pl.BlockSpec((blk, hidden), lambda i: (i, 0)),
            pl.BlockSpec((blk, 1), lambda i: (i, 0)),
        ],
        out_shape=[
            jax.ShapeDtypeStruct((n_nodes, hidden), jnp.float32),
            jax.ShapeDtypeStruct((n_nodes, 1), jnp.float32),
        ],
    )(hist_t, x, w1)


def _tc_mid(z1p, y1, dinv, b1, w2):
    n_nodes, hidden = y1.shape
    feat = w2.shape[1]
    blk = 2000
    nblk = n_nodes // blk

    def body(z_ref, y1_ref, dinv_ref, b1_ref, w2_ref, y2_ref):
        dinv = dinv_ref[...]
        s1 = jax.nn.relu(dinv * (z_ref[0] + z_ref[1] + y1_ref[...]) + b1_ref[...])
        y2_ref[...] = dinv * jnp.dot(
            s1, w2_ref[...], preferred_element_type=jnp.float32
        )

    return pl.pallas_call(
        body,
        grid=(nblk,),
        in_specs=[
            pl.BlockSpec((NC, blk, hidden), lambda i: (0, i, 0)),
            pl.BlockSpec((blk, hidden), lambda i: (i, 0)),
            pl.BlockSpec((blk, 1), lambda i: (i, 0)),
            pl.BlockSpec((1, hidden), lambda i: (0, 0)),
            pl.BlockSpec((hidden, feat), lambda i: (0, 0)),
        ],
        out_specs=pl.BlockSpec((blk, feat), lambda i: (i, 0)),
        out_shape=jax.ShapeDtypeStruct((n_nodes, feat), jnp.float32),
    )(z1p, y1, dinv, b1, w2)


def _tc_final(z2p, y2, dinv, b2, data_t):
    n_nodes, feat = y2.shape
    batch = data_t.shape[1]
    blk = 2000
    nblk = n_nodes // blk

    def body(z_ref, y2_ref, dinv_ref, b2_ref, data_ref, out_ref):
        h2 = dinv_ref[...] * (z_ref[0] + z_ref[1] + y2_ref[...]) + b2_ref[...]
        part = lax.dot_general(
            data_ref[...], h2, (((0,), (0,)), ((), ())),
            preferred_element_type=jnp.float32,
        )

        @pl.when(pl.program_id(0) == 0)
        def _():
            out_ref[...] = jnp.zeros_like(out_ref)

        out_ref[...] += part

    return pl.pallas_call(
        body,
        grid=(nblk,),
        in_specs=[
            pl.BlockSpec((NC, blk, feat), lambda i: (0, i, 0)),
            pl.BlockSpec((blk, feat), lambda i: (i, 0)),
            pl.BlockSpec((blk, 1), lambda i: (i, 0)),
            pl.BlockSpec((1, feat), lambda i: (0, 0)),
            pl.BlockSpec((blk, batch), lambda i: (i, 0)),
        ],
        out_specs=pl.BlockSpec((batch, feat), lambda i: (0, 0)),
        out_shape=jax.ShapeDtypeStruct((batch, feat), jnp.float32),
    )(z2p, y2, dinv, b2, data_t)


def kernel(data, x, edge_index, W1, b1, W2, b2):
    n_nodes = x.shape[0]
    E = edge_index.shape[1]
    n_acc = -(-n_nodes // (8 * NS)) * (8 * NS)

    e_fast = (E * 3) // 4
    cpw_f = -(-e_fast // (NS * CHUNK) // NBUF) * NBUF
    cpw_s = -(-(E - e_fast) // (NS * CHUNK) // NBUF) * NBUF
    L = cpw_f * CHUNK

    def pack(s_part, d_part, cpw_used):
        used = NS * cpw_used * CHUNK
        pad = used - s_part.shape[0]
        s2 = jnp.concatenate([s_part, jnp.zeros((pad,), jnp.int32)])
        pad_dst = n_nodes + (jnp.arange(pad, dtype=jnp.int32) % (n_acc - n_nodes))
        d2 = jnp.concatenate([d_part, pad_dst])
        s2 = s2.reshape(NS, cpw_used * CHUNK)
        d2 = d2.reshape(NS, cpw_used * CHUNK)
        tail = L - cpw_used * CHUNK
        if tail:
            zs = jnp.zeros((NS, tail), jnp.int32)
            s2 = jnp.concatenate([s2, zs], axis=1)
            d2 = jnp.concatenate([d2, zs], axis=1)
        return s2, d2

    src = edge_index[0]
    dst = edge_index[1]
    src_f, dst_f = pack(src[:e_fast], dst[:e_fast], cpw_f)
    src_s, dst_s = pack(src[e_fast:], dst[e_fast:], cpw_s)
    src3 = jnp.stack([src_f, src_s], axis=1).reshape(NW, L)
    dst3 = jnp.stack([dst_f, dst_s], axis=1).reshape(NW, L)

    zeros_init = jnp.zeros((n_acc, x.shape[1]), jnp.float32)
    hist = _sc_hist(dst, n_nodes, n_nodes)
    hist_t = hist.T

    y1, dinv = _tc_prescale(hist_t, x, W1)
    z1p = _sc_aggregate(y1, src3, dst3, zeros_init, cpw_f, cpw_s)
    y2 = _tc_mid(z1p, y1, dinv, b1.reshape(1, -1), W2)
    z2p = _sc_aggregate(y2, src3, dst3, zeros_init, cpw_f, cpw_s)
    return _tc_final(z2p, y2, dinv, b2.reshape(1, -1), data.T)

# --- scband reference (transcript-rebuilt; emitter-appended) ---
"""Pipeline reference for scband-gcn-84318797955093 (READ-ONLY COPY).

The authoritative reference and input builder live on the scoring server;
editing this copy changes nothing except your own understanding.
"""

import jax, jax.numpy as jnp
import numpy as np


def gcn_conv(x, edge_index, W, b):
    # PyG GCNConv: D^{-1/2} (A + I) D^{-1/2} X W + b  (add_self_loops=True, normalize=True)
    N = x.shape[0]
    self_idx = jnp.arange(N, dtype=edge_index.dtype)
    src = jnp.concatenate([edge_index[0], self_idx])
    dst = jnp.concatenate([edge_index[1], self_idx])
    deg = jnp.zeros((N,), x.dtype).at[dst].add(1.0)
    dinv = jnp.where(deg > 0, 1.0 / jnp.sqrt(deg), 0.0)
    norm = dinv[src] * dinv[dst]
    h = x @ W
    msg = h[src] * norm[:, None]
    out = jnp.zeros((N, h.shape[1]), x.dtype).at[dst].add(msg)
    return out + b


def setup_inputs(seed: int = 0):
    key = jax.random.key(seed)
    ks = jax.random.split(key, 8)
    N, E = 10000, 320000
    gene_dim, hidden_dim, feature_dim, B = 128, 128, 128, 256
    x = jax.random.normal(ks[0], (N, gene_dim), dtype=jnp.float32)
    edge_index = jax.random.randint(ks[1], (2, E), 0, N, dtype=jnp.int32)
    data = jax.random.normal(ks[2], (B, N), dtype=jnp.float32)
    W1 = jax.random.normal(ks[3], (gene_dim, hidden_dim), dtype=jnp.float32) * (1.0 / np.sqrt(gene_dim))
    b1 = jnp.zeros((hidden_dim,), dtype=jnp.float32)
    W2 = jax.random.normal(ks[4], (hidden_dim, feature_dim), dtype=jnp.float32) * (1.0 / np.sqrt(hidden_dim))
    b2 = jnp.zeros((feature_dim,), dtype=jnp.float32)
    return {"data": data, "x": x, "edge_index": edge_index, "W1": W1, "b1": b1, "W2": W2, "b2": b2}


def reference(data, x, edge_index, W1, b1, W2, b2):
    h = jax.nn.relu(gcn_conv(x, edge_index, W1, b1))
    h = gcn_conv(h, edge_index, W2, b2)
    out = data @ h
    return out

if __name__ == "__main__":
    import jax
    _d = setup_inputs()
    print(jax.jit(kernel)(*tuple(_d.values())))

</pallas_src>

<mosaic_0001>
#map = affine_map<(d0, d1) -> (0, 0)>
#map1 = affine_map<(d0, d1) -> (0, 0, 0)>
module attributes {stable_mosaic.version = 14 : i64} {
  func.func @agg_kernel(%arg0: i32, %arg1: i32, %arg2: memref<10000x128xf32, #tpu.memory_space<hbm>>, %arg3: memref<32x15120xi32, #tpu.memory_space<hbm>>, %arg4: memref<32x15120xi32, #tpu.memory_space<hbm>>, %arg5: memref<10112x128xf32, #tpu.memory_space<hbm>>, %arg6: memref<2x10112x128xf32, #tpu.memory_space<hbm>>, %arg7: memref<15120xi32, #tpu.memory_space<vmem>>, %arg8: memref<15120xi32, #tpu.memory_space<vmem>>, %arg9: memref<3x48x128xf32, #tpu.memory_space<vmem>>, %arg10: memref<10112x128xf32, #tpu.memory_space<vmem_shared>>, %arg11: memref<3x!tpu.dma_semaphore, #tpu.memory_space<semaphore_mem>>, %arg12: memref<3x!tpu.dma_semaphore, #tpu.memory_space<semaphore_mem>>) attributes {dimension_semantics = [#tpu.dimension_semantics<core_parallel>, #tpu.dimension_semantics<subcore_parallel>], iteration_bounds = array<i64: 2, 16>, scalar_prefetch = 0 : i64, scratch_operands = 6 : i64, tpu.core_type = #tpu.core_type<sc_vector_subcore>, window_params = [{transform_indices = #map}, {transform_indices = #map}, {transform_indices = #map}, {transform_indices = #map}, {transform_indices = #map1}]} {
    %mul3A = arith.constant 2 : i32
    %mul3A_0 = arith.muli %arg1, %mul3A : i32
    %add3A = arith.addi %mul3A_0, %arg0 : i32
    %eq3A = arith.constant 0 : i32
    %eq3A_1 = arith.cmpi eq, %arg0, %eq3A : i32
    %jit3A = arith.constant 105 : i32
    %jit3A_2 = arith.constant 35 : i32
    %select_n3A = arith.select %eq3A_1, %jit3A, %jit3A_2 : i32
    "tpu.region"() ({
      %run_scoped3A = tpu.sem_alloc : memref<!tpu.dma_semaphore, #tpu.memory_space<semaphore_mem>>
      %dma_start3A_61 = arith.constant 0 : i32
      %dma_start3A_62 = tpu.memref_slice %arg3[%add3A, %dma_start3A_61] : memref<32x15120xi32, #tpu.memory_space<hbm>> -> memref<1x15120xi32, #tpu.memory_space<hbm>>
      %dma_start3A_63 = tpu.memref_squeeze %dma_start3A_62 : memref<1x15120xi32, #tpu.memory_space<hbm>> -> memref<15120xi32, #tpu.memory_space<hbm>>
      %dma_start3A_64 = arith.constant 0 : i32
      %dma_start3A_65 = tpu.memref_slice %arg3[%add3A, %dma_start3A_64] : memref<32x15120xi32, #tpu.memory_space<hbm>> -> memref<1x15120xi32, #tpu.memory_space<hbm>>
      %dma_start3A_66 = tpu.memref_squeeze %dma_start3A_65 : memref<1x15120xi32, #tpu.memory_space<hbm>> -> memref<15120xi32, #tpu.memory_space<hbm>>
      tpu.enqueue_dma source(%dma_start3A_66 : memref<15120xi32, #tpu.memory_space<hbm>>) target(%arg7 : memref<15120xi32, #tpu.memory_space<vmem>>) target_semaphore(%run_scoped3A : memref<!tpu.dma_semaphore, #tpu.memory_space<semaphore_mem>>)
      %dma_wait3A = arith.constant 0 : i32
      %dma_wait3A_67 = tpu.memref_slice %arg3[%add3A, %dma_wait3A] : memref<32x15120xi32, #tpu.memory_space<hbm>> -> memref<1x15120xi32, #tpu.memory_space<hbm>>
      %dma_wait3A_68 = tpu.memref_squeeze %dma_wait3A_67 : memref<1x15120xi32, #tpu.memory_space<hbm>> -> memref<15120xi32, #tpu.memory_space<hbm>>
      %dma_wait3A_69 = arith.constant 0 : i32
      %dma_wait3A_70 = tpu.memref_slice %arg3[%add3A, %dma_wait3A_69] : memref<32x15120xi32, #tpu.memory_space<hbm>> -> memref<1x15120xi32, #tpu.memory_space<hbm>>
      %dma_wait3A_71 = tpu.memref_squeeze %dma_wait3A_70 : memref<1x15120xi32, #tpu.memory_space<hbm>> -> memref<15120xi32, #tpu.memory_space<hbm>>
      tpu.wait_dma2 semaphore(%run_scoped3A : memref<!tpu.dma_semaphore, #tpu.memory_space<semaphore_mem>>) src(%dma_wait3A_71 : memref<15120xi32, #tpu.memory_space<hbm>>) dst(%arg7 : memref<15120xi32, #tpu.memory_space<vmem>>)
      tpu.yield
    }) : () -> ()
    "tpu.region"() ({
      %run_scoped3A = tpu.sem_alloc : memref<!tpu.dma_semaphore, #tpu.memory_space<semaphore_mem>>
      %dma_start3A_61 = arith.constant 0 : i32
      %dma_start3A_62 = tpu.memref_slice %arg4[%add3A, %dma_start3A_61] : memref<32x15120xi32, #tpu.memory_space<hbm>> -> memref<1x15120xi32, #tpu.memory_space<hbm>>
      %dma_start3A_63 = tpu.memref_squeeze %dma_start3A_62 : memref<1x15120xi32, #tpu.memory_space<hbm>> -> memref<15120xi32, #tpu.memory_space<hbm>>
      %dma_start3A_64 = arith.constant 0 : i32
      %dma_start3A_65 = tpu.memref_slice %arg4[%add3A, %dma_start3A_64] : memref<32x15120xi32, #tpu.memory_space<hbm>> -> memref<1x15120xi32, #tpu.memory_space<hbm>>
      %dma_start3A_66 = tpu.memref_squeeze %dma_start3A_65 : memref<1x15120xi32, #tpu.memory_space<hbm>> -> memref<15120xi32, #tpu.memory_space<hbm>>
      tpu.enqueue_dma source(%dma_start3A_66 : memref<15120xi32, #tpu.memory_space<hbm>>) target(%arg8 : memref<15120xi32, #tpu.memory_space<vmem>>) target_semaphore(%run_scoped3A : memref<!tpu.dma_semaphore, #tpu.memory_space<semaphore_mem>>)
      %dma_wait3A = arith.constant 0 : i32
      %dma_wait3A_67 = tpu.memref_slice %arg4[%add3A, %dma_wait3A] : memref<32x15120xi32, #tpu.memory_space<hbm>> -> memref<1x15120xi32, #tpu.memory_space<hbm>>
      %dma_wait3A_68 = tpu.memref_squeeze %dma_wait3A_67 : memref<1x15120xi32, #tpu.memory_space<hbm>> -> memref<15120xi32, #tpu.memory_space<hbm>>
      %dma_wait3A_69 = arith.constant 0 : i32
      %dma_wait3A_70 = tpu.memref_slice %arg4[%add3A, %dma_wait3A_69] : memref<32x15120xi32, #tpu.memory_space<hbm>> -> memref<1x15120xi32, #tpu.memory_space<hbm>>
      %dma_wait3A_71 = tpu.memref_squeeze %dma_wait3A_70 : memref<1x15120xi32, #tpu.memory_space<hbm>> -> memref<15120xi32, #tpu.memory_space<hbm>>
      tpu.wait_dma2 semaphore(%run_scoped3A : memref<!tpu.dma_semaphore, #tpu.memory_space<semaphore_mem>>) src(%dma_wait3A_71 : memref<15120xi32, #tpu.memory_space<hbm>>) dst(%arg8 : memref<15120xi32, #tpu.memory_space<vmem>>)
      tpu.yield
    }) : () -> ()
    %mul3A_3 = arith.constant 632 : i32
    %mul3A_4 = arith.muli %arg1, %mul3A_3 : i32
    %mul3A_5 = arith.constant 632 : i32
    %mul3A_6 = arith.muli %arg1, %mul3A_5 : i32
    "tpu.region"() ({
      %run_scoped3A = tpu.sem_alloc : memref<!tpu.dma_semaphore, #tpu.memory_space<semaphore_mem>>
      %dma_start3A_61 = arith.constant 0 : i32
      %dma_start3A_62 = tpu.memref_slice %arg10[%mul3A_6, %dma_start3A_61] : memref<10112x128xf32, #tpu.memory_space<vmem_shared>> -> memref<632x128xf32, #tpu.memory_space<vmem_shared>>
      %dma_start3A_63 = arith.constant 0 : i32
      %dma_start3A_64 = tpu.memref_slice %arg5[%mul3A_4, %dma_start3A_63] : memref<10112x128xf32, #tpu.memory_space<hbm>> -> memref<632x128xf32, #tpu.memory_space<hbm>>
      tpu.enqueue_dma source(%dma_start3A_64 : memref<632x128xf32, #tpu.memory_space<hbm>>) target(%dma_start3A_62 : memref<632x128xf32, #tpu.memory_space<vmem_shared>>) target_semaphore(%run_scoped3A : memref<!tpu.dma_semaphore, #tpu.memory_space<semaphore_mem>>)
      %dma_wait3A = arith.constant 0 : i32
      %dma_wait3A_65 = tpu.memref_slice %arg10[%mul3A_6, %dma_wait3A] : memref<10112x128xf32, #tpu.memory_space<vmem_shared>> -> memref<632x128xf32, #tpu.memory_space<vmem_shared>>
      %dma_wait3A_66 = arith.constant 0 : i32
      %dma_wait3A_67 = tpu.memref_slice %arg5[%mul3A_4, %dma_wait3A_66] : memref<10112x128xf32, #tpu.memory_space<hbm>> -> memref<632x128xf32, #tpu.memory_space<hbm>>
      tpu.wait_dma2 semaphore(%run_scoped3A : memref<!tpu.dma_semaphore, #tpu.memory_space<semaphore_mem>>) src(%dma_wait3A_67 : memref<632x128xf32, #tpu.memory_space<hbm>>) dst(%dma_wait3A_65 : memref<632x128xf32, #tpu.memory_space<vmem_shared>>)
      tpu.yield
    }) : () -> ()
    %barrier3A = arith.constant 0 : index
    tpu.barrier barrier_id(%barrier3A)
    %dma_start3A = arith.constant 0 : i32
    %dma_start3A_7 = arith.constant 0 : i32
    %dma_start3A_8 = arith.constant 0 : i32
    %dma_start3A_9 = arith.constant 0 : i32
    %dma_start3A_10 = tpu.memref_slice %arg9[%dma_start3A, %dma_start3A_8, %dma_start3A_9] : memref<3x48x128xf32, #tpu.memory_space<vmem>> -> memref<1x48x128xf32, #tpu.memory_space<vmem>>
    %dma_start3A_11 = tpu.memref_squeeze %dma_start3A_10 : memref<1x48x128xf32, #tpu.memory_space<vmem>> -> memref<48x128xf32, #tpu.memory_space<vmem>>
    %dma_start3A_12 = arith.constant 0 : i32
    %dma_start3A_13 = tpu.memref_slice %arg7[%dma_start3A_12] : memref<15120xi32, #tpu.memory_space<vmem>> -> memref<48xi32, #tpu.memory_space<vmem>>
    %dma_start3A_14 = arith.constant 0 : i32
    %dma_start3A_15 = arith.constant 0 : i32
    %dma_start3A_16 = tpu.memref_slice %arg2[%dma_start3A_14, %dma_start3A_15] : memref<10000x128xf32, #tpu.memory_space<hbm>> -> memref<10000x128xf32, #tpu.memory_space<hbm>>
    %dma_start3A_17 = tpu.memref_slice %arg11[%dma_start3A_7] : memref<3x!tpu.dma_semaphore, #tpu.memory_space<semaphore_mem>> -> memref<1x!tpu.dma_semaphore, #tpu.memory_space<semaphore_mem>>
    %dma_start3A_18 = tpu.memref_squeeze %dma_start3A_17 : memref<1x!tpu.dma_semaphore, #tpu.memory_space<semaphore_mem>> -> memref<!tpu.dma_semaphore, #tpu.memory_space<semaphore_mem>>
    tpu.enqueue_indirect_dma source(%dma_start3A_16 : memref<10000x128xf32, #tpu.memory_space<hbm>>) target(%dma_start3A_11 : memref<48x128xf32, #tpu.memory_space<vmem>>) offsets(%dma_start3A_13 : memref<48xi32, #tpu.memory_space<vmem>>) semaphore(%dma_start3A_18 : memref<!tpu.dma_semaphore, #tpu.memory_space<semaphore_mem>>)
    %dma_start3A_19 = arith.constant 1 : i32
    %dma_start3A_20 = arith.constant 1 : i32
    %dma_start3A_21 = arith.constant 0 : i32
    %dma_start3A_22 = arith.constant 0 : i32
    %dma_start3A_23 = tpu.memref_slice %arg9[%dma_start3A_19, %dma_start3A_21, %dma_start3A_22] : memref<3x48x128xf32, #tpu.memory_space<vmem>> -> memref<1x48x128xf32, #tpu.memory_space<vmem>>
    %dma_start3A_24 = tpu.memref_squeeze %dma_start3A_23 : memref<1x48x128xf32, #tpu.memory_space<vmem>> -> memref<48x128xf32, #tpu.memory_space<vmem>>
    %dma_start3A_25 = arith.constant 48 : i32
    %dma_start3A_26 = tpu.memref_slice %arg7[%dma_start3A_25] : memref<15120xi32, #tpu.memory_space<vmem>> -> memref<48xi32, #tpu.memory_space<vmem>>
    %dma_start3A_27 = arith.constant 0 : i32
    %dma_start3A_28 = arith.constant 0 : i32
    %dma_start3A_29 = tpu.memref_slice %arg2[%dma_start3A_27, %dma_start3A_28] : memref<10000x128xf32, #tpu.memory_space<hbm>> -> memref<10000x128xf32, #tpu.memory_space<hbm>>
    %dma_start3A_30 = tpu.memref_slice %arg11[%dma_start3A_20] : memref<3x!tpu.dma_semaphore, #tpu.memory_space<semaphore_mem>> -> memref<1x!tpu.dma_semaphore, #tpu.memory_space<semaphore_mem>>
    %dma_start3A_31 = tpu.memref_squeeze %dma_start3A_30 : memref<1x!tpu.dma_semaphore, #tpu.memory_space<semaphore_mem>> -> memref<!tpu.dma_semaphore, #tpu.memory_space<semaphore_mem>>
    tpu.enqueue_indirect_dma source(%dma_start3A_29 : memref<10000x128xf32, #tpu.memory_space<hbm>>) target(%dma_start3A_24 : memref<48x128xf32, #tpu.memory_space<vmem>>) offsets(%dma_start3A_26 : memref<48xi32, #tpu.memory_space<vmem>>) semaphore(%dma_start3A_31 : memref<!tpu.dma_semaphore, #tpu.memory_space<semaphore_mem>>)
    %dma_start3A_32 = arith.constant 2 : i32
    %dma_start3A_33 = arith.constant 2 : i32
    %dma_start3A_34 = arith.constant 0 : i32
    %dma_start3A_35 = arith.constant 0 : i32
    %dma_start3A_36 = tpu.memref_slice %arg9[%dma_start3A_32, %dma_start3A_34, %dma_start3A_35] : memref<3x48x128xf32, #tpu.memory_space<vmem>> -> memref<1x48x128xf32, #tpu.memory_space<vmem>>
    %dma_start3A_37 = tpu.memref_squeeze %dma_start3A_36 : memref<1x48x128xf32, #tpu.memory_space<vmem>> -> memref<48x128xf32, #tpu.memory_space<vmem>>
    %dma_start3A_38 = arith.constant 96 : i32
    %dma_start3A_39 = tpu.memref_slice %arg7[%dma_start3A_38] : memref<15120xi32, #tpu.memory_space<vmem>> -> memref<48xi32, #tpu.memory_space<vmem>>
    %dma_start3A_40 = arith.constant 0 : i32
    %dma_start3A_41 = arith.constant 0 : i32
    %dma_start3A_42 = tpu.memref_slice %arg2[%dma_start3A_40, %dma_start3A_41] : memref<10000x128xf32, #tpu.memory_space<hbm>> -> memref<10000x128xf32, #tpu.memory_space<hbm>>
    %dma_start3A_43 = tpu.memref_slice %arg11[%dma_start3A_33] : memref<3x!tpu.dma_semaphore, #tpu.memory_space<semaphore_mem>> -> memref<1x!tpu.dma_semaphore, #tpu.memory_space<semaphore_mem>>
    %dma_start3A_44 = tpu.memref_squeeze %dma_start3A_43 : memref<1x!tpu.dma_semaphore, #tpu.memory_space<semaphore_mem>> -> memref<!tpu.dma_semaphore, #tpu.memory_space<semaphore_mem>>
    tpu.enqueue_indirect_dma source(%dma_start3A_42 : memref<10000x128xf32, #tpu.memory_space<hbm>>) target(%dma_start3A_37 : memref<48x128xf32, #tpu.memory_space<vmem>>) offsets(%dma_start3A_39 : memref<48xi32, #tpu.memory_space<vmem>>) semaphore(%dma_start3A_44 : memref<!tpu.dma_semaphore, #tpu.memory_space<semaphore_mem>>)
    %while3A = arith.constant 0 : i32
    %while3A_45 = arith.constant 0 : i32
    %while3A_46 = arith.subi %select_n3A, %while3A : i32
    %while3A_47 = arith.addi %while3A, %while3A_46 : i32
    %while3A_48 = arith.constant 1 : i32
    %while3A_49 = arith.divsi %while3A_46, %while3A_48 : i32
    %while3A_50 = arith.muli %while3A_49, %while3A_48 : i32
    %while3A_51 = arith.addi %while3A, %while3A_50 : i32
    %while3A_52 = arith.constant 1 : i32
    %while3A_53 = scf.for %while3A_61 = %while3A to %while3A_51 step %while3A_52 iter_args(%while3A_62 = %while3A_45) -> (i32)  : i32 {
      %mul3A_63 = arith.constant 3 : i32
      %mul3A_64 = arith.muli %while3A_61, %mul3A_63 : i32
      %add3A_65 = arith.constant 0 : i32
      %add3A_66 = arith.addi %mul3A_64, %add3A_65 : i32
      %dma_wait3A = arith.constant 0 : i32
      %dma_wait3A_67 = arith.constant 0 : i32
      %dma_wait3A_68 = arith.constant 0 : i32
      %dma_wait3A_69 = arith.constant 0 : i32
      %dma_wait3A_70 = tpu.memref_slice %arg9[%dma_wait3A, %dma_wait3A_68, %dma_wait3A_69] : memref<3x48x128xf32, #tpu.memory_space<vmem>> -> memref<1x48x128xf32, #tpu.memory_space<vmem>>
      %dma_wait3A_71 = tpu.memref_squeeze %dma_wait3A_70 : memref<1x48x128xf32, #tpu.memory_space<vmem>> -> memref<48x128xf32, #tpu.memory_space<vmem>>
      %dma_wait3A_72 = arith.constant 0 : i32
      %dma_wait3A_73 = arith.constant 0 : i32
      %dma_wait3A_74 = tpu.memref_slice %arg2[%dma_wait3A_72, %dma_wait3A_73] : memref<10000x128xf32, #tpu.memory_space<hbm>> -> memref<48x128xf32, #tpu.memory_space<hbm>>
      %dma_wait3A_75 = tpu.memref_slice %arg11[%dma_wait3A_67] : memref<3x!tpu.dma_semaphore, #tpu.memory_space<semaphore_mem>> -> memref<1x!tpu.dma_semaphore, #tpu.memory_space<semaphore_mem>>
      %dma_wait3A_76 = tpu.memref_squeeze %dma_wait3A_75 : memref<1x!tpu.dma_semaphore, #tpu.memory_space<semaphore_mem>> -> memref<!tpu.dma_semaphore, #tpu.memory_space<semaphore_mem>>
      %dma_wait3A_77 = arith.constant 0 : i32
      %dma_wait3A_78 = arith.constant 0 : i32
      %dma_wait3A_79 = tpu.memref_slice %arg9[%dma_wait3A, %dma_wait3A_77, %dma_wait3A_78] : memref<3x48x128xf32, #tpu.memory_space<vmem>> -> memref<1x48x128xf32, #tpu.memory_space<vmem>>
      %dma_wait3A_80 = tpu.memref_squeeze %dma_wait3A_79 : memref<1x48x128xf32, #tpu.memory_space<vmem>> -> memref<48x128xf32, #tpu.memory_space<vmem>>
      %dma_wait3A_81 = arith.constant 0 : i32
      %dma_wait3A_82 = arith.constant 0 : i32
      %dma_wait3A_83 = tpu.memref_slice %arg2[%dma_wait3A_81, %dma_wait3A_82] : memref<10000x128xf32, #tpu.memory_space<hbm>> -> memref<48x128xf32, #tpu.memory_space<hbm>>
      tpu.wait_dma2 semaphore(%dma_wait3A_76 : memref<!tpu.dma_semaphore, #tpu.memory_space<semaphore_mem>>) src(%dma_wait3A_83 : memref<48x128xf32, #tpu.memory_space<hbm>>) dst(%dma_wait3A_80 : memref<48x128xf32, #tpu.memory_space<vmem>>)
      %mul3A_84 = arith.constant 48 : i32
      %mul3A_85 = arith.muli %add3A_66, %mul3A_84 : i32
      %dma_start3A_86 = arith.constant 0 : i32
      %dma_start3A_87 = arith.constant 0 : i32
      %dma_start3A_88 = arith.constant 0 : i32
      %dma_start3A_89 = arith.constant 0 : i32
      %dma_start3A_90 = tpu.memref_slice %arg9[%dma_start3A_86, %dma_start3A_88, %dma_start3A_89] : memref<3x48x128xf32, #tpu.memory_space<vmem>> -> memref<1x48x128xf32, #tpu.memory_space<vmem>>
      %dma_start3A_91 = tpu.memref_squeeze %dma_start3A_90 : memref<1x48x128xf32, #tpu.memory_space<vmem>> -> memref<48x128xf32, #tpu.memory_space<vmem>>
      %dma_start3A_92 = tpu.memref_slice %arg8[%mul3A_85] : memref<15120xi32, #tpu.memory_space<vmem>> -> memref<48xi32, #tpu.memory_space<vmem>>
      %dma_start3A_93 = arith.constant 0 : i32
      %dma_start3A_94 = arith.constant 0 : i32
      %dma_start3A_95 = tpu.memref_slice %arg10[%dma_start3A_93, %dma_start3A_94] : memref<10112x128xf32, #tpu.memory_space<vmem_shared>> -> memref<10112x128xf32, #tpu.memory_space<vmem_shared>>
      %dma_start3A_96 = tpu.memref_slice %arg12[%dma_start3A_87] : memref<3x!tpu.dma_semaphore, #tpu.memory_space<semaphore_mem>> -> memref<1x!tpu.dma_semaphore, #tpu.memory_space<semaphore_mem>>
      %dma_start3A_97 = tpu.memref_squeeze %dma_start3A_96 : memref<1x!tpu.dma_semaphore, #tpu.memory_space<semaphore_mem>> -> memref<!tpu.dma_semaphore, #tpu.memory_space<semaphore_mem>>
      tpu.enqueue_indirect_dma source(%dma_start3A_91 : memref<48x128xf32, #tpu.memory_space<vmem>>) target(%dma_start3A_95 : memref<10112x128xf32, #tpu.memory_space<vmem_shared>>) offsets(%dma_start3A_92 : memref<48xi32, #tpu.memory_space<vmem>>) semaphore(%dma_start3A_97 : memref<!tpu.dma_semaphore, #tpu.memory_space<semaphore_mem>>) {add = true}
      %mul3A_98 = arith.constant 3 : i32
      %mul3A_99 = arith.muli %while3A_61, %mul3A_98 : i32
      %add3A_100 = arith.constant 1 : i32
      %add3A_101 = arith.addi %mul3A_99, %add3A_100 : i32
      %dma_wait3A_102 = arith.constant 1 : i32
      %dma_wait3A_103 = arith.constant 1 : i32
      %dma_wait3A_104 = arith.constant 0 : i32
      %dma_wait3A_105 = arith.constant 0 : i32
      %dma_wait3A_106 = tpu.memref_slice %arg9[%dma_wait3A_102, %dma_wait3A_104, %dma_wait3A_105] : memref<3x48x128xf32, #tpu.memory_space<vmem>> -> memref<1x48x128xf32, #tpu.memory_space<vmem>>
      %dma_wait3A_107 = tpu.memref_squeeze %dma_wait3A_106 : memref<1x48x128xf32, #tpu.memory_space<vmem>> -> memref<48x128xf32, #tpu.memory_space<vmem>>
      %dma_wait3A_108 = arith.constant 0 : i32
      %dma_wait3A_109 = arith.constant 0 : i32
      %dma_wait3A_110 = tpu.memref_slice %arg2[%dma_wait3A_108, %dma_wait3A_109] : memref<10000x128xf32, #tpu.memory_space<hbm>> -> memref<48x128xf32, #tpu.memory_space<hbm>>
      %dma_wait3A_111 = tpu.memref_slice %arg11[%dma_wait3A_103] : memref<3x!tpu.dma_semaphore, #tpu.memory_space<semaphore_mem>> -> memref<1x!tpu.dma_semaphore, #tpu.memory_space<semaphore_mem>>
      %dma_wait3A_112 = tpu.memref_squeeze %dma_wait3A_111 : memref<1x!tpu.dma_semaphore, #tpu.memory_space<semaphore_mem>> -> memref<!tpu.dma_semaphore, #tpu.memory_space<semaphore_mem>>
      %dma_wait3A_113 = arith.constant 0 : i32
      %dma_wait3A_114 = arith.constant 0 : i32
      %dma_wait3A_115 = tpu.memref_slice %arg9[%dma_wait3A_102, %dma_wait3A_113, %dma_wait3A_114] : memref<3x48x128xf32, #tpu.memory_space<vmem>> -> memref<1x48x128xf32, #tpu.memory_space<vmem>>
      %dma_wait3A_116 = tpu.memref_squeeze %dma_wait3A_115 : memref<1x48x128xf32, #tpu.memory_space<vmem>> -> memref<48x128xf32, #tpu.memory_space<vmem>>
      %dma_wait3A_117 = arith.constant 0 : i32
      %dma_wait3A_118 = arith.constant 0 : i32
      %dma_wait3A_119 = tpu.memref_slice %arg2[%dma_wait3A_117, %dma_wait3A_118] : memref<10000x128xf32, #tpu.memory_space<hbm>> -> memref<48x128xf32, #tpu.memory_space<hbm>>
      tpu.wait_dma2 semaphore(%dma_wait3A_112 : memref<!tpu.dma_semaphore, #tpu.memory_space<semaphore_mem>>) src(%dma_wait3A_119 : memref<48x128xf32, #tpu.memory_space<hbm>>) dst(%dma_wait3A_116 : memref<48x128xf32, #tpu.memory_space<vmem>>)
      %mul3A_120 = arith.constant 48 : i32
      %mul3A_121 = arith.muli %add3A_101, %mul3A_120 : i32
      %dma_start3A_122 = arith.constant 1 : i32
      %dma_start3A_123 = arith.constant 1 : i32
      %dma_start3A_124 = arith.constant 0 : i32
      %dma_start3A_125 = arith.constant 0 : i32
      %dma_start3A_126 = tpu.memref_slice %arg9[%dma_start3A_122, %dma_start3A_124, %dma_start3A_125] : memref<3x48x128xf32, #tpu.memory_space<vmem>> -> memref<1x48x128xf32, #tpu.memory_space<vmem>>
      %dma_start3A_127 = tpu.memref_squeeze %dma_start3A_126 : memref<1x48x128xf32, #tpu.memory_space<vmem>> -> memref<48x128xf32, #tpu.memory_space<vmem>>
      %dma_start3A_128 = tpu.memref_slice %arg8[%mul3A_121] : memref<15120xi32, #tpu.memory_space<vmem>> -> memref<48xi32, #tpu.memory_space<vmem>>
      %dma_start3A_129 = arith.constant 0 : i32
      %dma_start3A_130 = arith.constant 0 : i32
      %dma_start3A_131 = tpu.memref_slice %arg10[%dma_start3A_129, %dma_start3A_130] : memref<10112x128xf32, #tpu.memory_space<vmem_shared>> -> memref<10112x128xf32, #tpu.memory_space<vmem_shared>>
      %dma_start3A_132 = tpu.memref_slice %arg12[%dma_start3A_123] : memref<3x!tpu.dma_semaphore, #tpu.memory_space<semaphore_mem>> -> memref<1x!tpu.dma_semaphore, #tpu.memory_space<semaphore_mem>>
      %dma_start3A_133 = tpu.memref_squeeze %dma_start3A_132 : memref<1x!tpu.dma_semaphore, #tpu.memory_space<semaphore_mem>> -> memref<!tpu.dma_semaphore, #tpu.memory_space<semaphore_mem>>
      tpu.enqueue_indirect_dma source(%dma_start3A_127 : memref<48x128xf32, #tpu.memory_space<vmem>>) target(%dma_start3A_131 : memref<10112x128xf32, #tpu.memory_space<vmem_shared>>) offsets(%dma_start3A_128 : memref<48xi32, #tpu.memory_space<vmem>>) semaphore(%dma_start3A_133 : memref<!tpu.dma_semaphore, #tpu.memory_space<semaphore_mem>>) {add = true}
      %mul3A_134 = arith.constant 3 : i32
      %mul3A_135 = arith.muli %while3A_61, %mul3A_134 : i32
      %add3A_136 = arith.constant 2 : i32
      %add3A_137 = arith.addi %mul3A_135, %add3A_136 : i32
      %dma_wait3A_138 = arith.constant 2 : i32
      %dma_wait3A_139 = arith.constant 2 : i32
      %dma_wait3A_140 = arith.constant 0 : i32
      %dma_wait3A_141 = arith.constant 0 : i32
      %dma_wait3A_142 = tpu.memref_slice %arg9[%dma_wait3A_138, %dma_wait3A_140, %dma_wait3A_141] : memref<3x48x128xf32, #tpu.memory_space<vmem>> -> memref<1x48x128xf32, #tpu.memory_space<vmem>>
      %dma_wait3A_143 = tpu.memref_squeeze %dma_wait3A_142 : memref<1x48x128xf32, #tpu.memory_space<vmem>> -> memref<48x128xf32, #tpu.memory_space<vmem>>
      %dma_wait3A_144 = arith.constant 0 : i32
      %dma_wait3A_145 = arith.constant 0 : i32
      %dma_wait3A_146 = tpu.memref_slice %arg2[%dma_wait3A_144, %dma_wait3A_145] : memref<10000x128xf32, #tpu.memory_space<hbm>> -> memref<48x128xf32, #tpu.memory_space<hbm>>
      %dma_wait3A_147 = tpu.memref_slice %arg11[%dma_wait3A_139] : memref<3x!tpu.dma_semaphore, #tpu.memory_space<semaphore_mem>> -> memref<1x!tpu.dma_semaphore, #tpu.memory_space<semaphore_mem>>
      %dma_wait3A_148 = tpu.memref_squeeze %dma_wait3A_147 : memref<1x!tpu.dma_semaphore, #tpu.memory_space<semaphore_mem>> -> memref<!tpu.dma_semaphore, #tpu.memory_space<semaphore_mem>>
      %dma_wait3A_149 = arith.constant 0 : i32
      %dma_wait3A_150 = arith.constant 0 : i32
      %dma_wait3A_151 = tpu.memref_slice %arg9[%dma_wait3A_138, %dma_wait3A_149, %dma_wait3A_150] : memref<3x48x128xf32, #tpu.memory_space<vmem>> -> memref<1x48x128xf32, #tpu.memory_space<vmem>>
      %dma_wait3A_152 = tpu.memref_squeeze %dma_wait3A_151 : memref<1x48x128xf32, #tpu.memory_space<vmem>> -> memref<48x128xf32, #tpu.memory_space<vmem>>
      %dma_wait3A_153 = arith.constant 0 : i32
      %dma_wait3A_154 = arith.constant 0 : i32
      %dma_wait3A_155 = tpu.memref_slice %arg2[%dma_wait3A_153, %dma_wait3A_154] : memref<10000x128xf32, #tpu.memory_space<hbm>> -> memref<48x128xf32, #tpu.memory_space<hbm>>
      tpu.wait_dma2 semaphore(%dma_wait3A_148 : memref<!tpu.dma_semaphore, #tpu.memory_space<semaphore_mem>>) src(%dma_wait3A_155 : memref<48x128xf32, #tpu.memory_space<hbm>>) dst(%dma_wait3A_152 : memref<48x128xf32, #tpu.memory_space<vmem>>)
      %mul3A_156 = arith.constant 48 : i32
      %mul3A_157 = arith.muli %add3A_137, %mul3A_156 : i32
      %dma_start3A_158 = arith.constant 2 : i32
      %dma_start3A_159 = arith.constant 2 : i32
      %dma_start3A_160 = arith.constant 0 : i32
      %dma_start3A_161 = arith.constant 0 : i32
      %dma_start3A_162 = tpu.memref_slice %arg9[%dma_start3A_158, %dma_start3A_160, %dma_start3A_161] : memref<3x48x128xf32, #tpu.memory_space<vmem>> -> memref<1x48x128xf32, #tpu.memory_space<vmem>>
      %dma_start3A_163 = tpu.memref_squeeze %dma_start3A_162 : memref<1x48x128xf32, #tpu.memory_space<vmem>> -> memref<48x128xf32, #tpu.memory_space<vmem>>
      %dma_start3A_164 = tpu.memref_slice %arg8[%mul3A_157] : memref<15120xi32, #tpu.memory_space<vmem>> -> memref<48xi32, #tpu.memory_space<vmem>>
      %dma_start3A_165 = arith.constant 0 : i32
      %dma_start3A_166 = arith.constant 0 : i32
      %dma_start3A_167 = tpu.memref_slice %arg10[%dma_start3A_165, %dma_start3A_166] : memref<10112x128xf32, #tpu.memory_space<vmem_shared>> -> memref<10112x128xf32, #tpu.memory_space<vmem_shared>>
      %dma_start3A_168 = tpu.memref_slice %arg12[%dma_start3A_159] : memref<3x!tpu.dma_semaphore, #tpu.memory_space<semaphore_mem>> -> memref<1x!tpu.dma_semaphore, #tpu.memory_space<semaphore_mem>>
      %dma_start3A_169 = tpu.memref_squeeze %dma_start3A_168 : memref<1x!tpu.dma_semaphore, #tpu.memory_space<semaphore_mem>> -> memref<!tpu.dma_semaphore, #tpu.memory_space<semaphore_mem>>
      tpu.enqueue_indirect_dma source(%dma_start3A_163 : memref<48x128xf32, #tpu.memory_space<vmem>>) target(%dma_start3A_167 : memref<10112x128xf32, #tpu.memory_space<vmem_shared>>) offsets(%dma_start3A_164 : memref<48xi32, #tpu.memory_space<vmem>>) semaphore(%dma_start3A_169 : memref<!tpu.dma_semaphore, #tpu.memory_space<semaphore_mem>>) {add = true}
      %dma_wait3A_170 = arith.constant 0 : i32
      %dma_wait3A_171 = arith.constant 0 : i32
      %dma_wait3A_172 = arith.constant 0 : i32
      %dma_wait3A_173 = arith.constant 0 : i32
      %dma_wait3A_174 = tpu.memref_slice %arg9[%dma_wait3A_170, %dma_wait3A_172, %dma_wait3A_173] : memref<3x48x128xf32, #tpu.memory_space<vmem>> -> memref<1x48x128xf32, #tpu.memory_space<vmem>>
      %dma_wait3A_175 = tpu.memref_squeeze %dma_wait3A_174 : memref<1x48x128xf32, #tpu.memory_space<vmem>> -> memref<48x128xf32, #tpu.memory_space<vmem>>
      %dma_wait3A_176 = tpu.memref_slice %arg8[%mul3A_85] : memref<15120xi32, #tpu.memory_space<vmem>> -> memref<48xi32, #tpu.memory_space<vmem>>
      %dma_wait3A_177 = arith.constant 0 : i32
      %dma_wait3A_178 = arith.constant 0 : i32
      %dma_wait3A_179 = tpu.memref_slice %arg10[%dma_wait3A_177, %dma_wait3A_178] : memref<10112x128xf32, #tpu.memory_space<vmem_shared>> -> memref<10112x128xf32, #tpu.memory_space<vmem_shared>>
      %dma_wait3A_180 = tpu.memref_slice %arg12[%dma_wait3A_171] : memref<3x!tpu.dma_semaphore, #tpu.memory_space<semaphore_mem>> -> memref<1x!tpu.dma_semaphore, #tpu.memory_space<semaphore_mem>>
      %dma_wait3A_181 = tpu.memref_squeeze %dma_wait3A_180 : memref<1x!tpu.dma_semaphore, #tpu.memory_space<semaphore_mem>> -> memref<!tpu.dma_semaphore, #tpu.memory_space<semaphore_mem>>
      tpu.wait_indirect_dma semaphore(%dma_wait3A_181 : memref<!tpu.dma_semaphore, #tpu.memory_space<semaphore_mem>>) src(%dma_wait3A_175 : memref<48x128xf32, #tpu.memory_space<vmem>>) dst(%dma_wait3A_179 : memref<10112x128xf32, #tpu.memory_space<vmem_shared>>)
      %sub3A = arith.constant 1 : i32
      %sub3A_182 = arith.subi %select_n3A, %sub3A : i32
      %lt3A = arith.cmpi slt, %while3A_61, %sub3A_182 : i32
      %convert_element_type3A = arith.extui %lt3A : i1 to i32
      %cond3A = arith.constant 0 : i32
      %cond3A_183 = arith.cmpi ne, %convert_element_type3A, %cond3A : i32
      scf.if %cond3A_183 {
        %mul3A_221 = arith.constant 3 : i32
        %mul3A_222 = arith.muli %while3A_61, %mul3A_221 : i32
        %add3A_223 = arith.constant 0 : i32
        %add3A_224 = arith.addi %mul3A_222, %add3A_223 : i32
        %add3A_225 = arith.constant 3 : i32
        %add3A_226 = arith.addi %add3A_224, %add3A_225 : i32
        %mul3A_227 = arith.constant 48 : i32
        %mul3A_228 = arith.muli %add3A_226, %mul3A_227 : i32
        %dma_start3A_229 = arith.constant 0 : i32
        %dma_start3A_230 = arith.constant 0 : i32
        %dma_start3A_231 = arith.constant 0 : i32
        %dma_start3A_232 = arith.constant 0 : i32
        %dma_start3A_233 = tpu.memref_slice %arg9[%dma_start3A_229, %dma_start3A_231, %dma_start3A_232] : memref<3x48x128xf32, #tpu.memory_space<vmem>> -> memref<1x48x128xf32, #tpu.memory_space<vmem>>
        %dma_start3A_234 = tpu.memref_squeeze %dma_start3A_233 : memref<1x48x128xf32, #tpu.memory_space<vmem>> -> memref<48x128xf32, #tpu.memory_space<vmem>>
        %dma_start3A_235 = tpu.memref_slice %arg7[%mul3A_228] : memref<15120xi32, #tpu.memory_space<vmem>> -> memref<48xi32, #tpu.memory_space<vmem>>
        %dma_start3A_236 = arith.constant 0 : i32
        %dma_start3A_237 = arith.constant 0 : i32
        %dma_start3A_238 = tpu.memref_slice %arg2[%dma_start3A_236, %dma_start3A_237] : memref<10000x128xf32, #tpu.memory_space<hbm>> -> memref<10000x128xf32, #tpu.memory_space<hbm>>
        %dma_start3A_239 = tpu.memref_slice %arg11[%dma_start3A_230] : memref<3x!tpu.dma_semaphore, #tpu.memory_space<semaphore_mem>> -> memref<1x!tpu.dma_semaphore, #tpu.memory_space<semaphore_mem>>
        %dma_start3A_240 = tpu.memref_squeeze %dma_start3A_239 : memref<1x!tpu.dma_semaphore, #tpu.memory_space<semaphore_mem>> -> memref<!tpu.dma_semaphore, #tpu.memory_space<semaphore_mem>>
        tpu.enqueue_indirect_dma source(%dma_start3A_238 : memref<10000x128xf32, #tpu.memory_space<hbm>>) target(%dma_start3A_234 : memref<48x128xf32, #tpu.memory_space<vmem>>) offsets(%dma_start3A_235 : memref<48xi32, #tpu.memory_space<vmem>>) semaphore(%dma_start3A_240 : memref<!tpu.dma_semaphore, #tpu.memory_space<semaphore_mem>>)
      } else {
      }
      %dma_wait3A_184 = arith.constant 1 : i32
      %dma_wait3A_185 = arith.constant 1 : i32
      %dma_wait3A_186 = arith.constant 0 : i32
      %dma_wait3A_187 = arith.constant 0 : i32
      %dma_wait3A_188 = tpu.memref_slice %arg9[%dma_wait3A_184, %dma_wait3A_186, %dma_wait3A_187] : memref<3x48x128xf32, #tpu.memory_space<vmem>> -> memref<1x48x128xf32, #tpu.memory_space<vmem>>
      %dma_wait3A_189 = tpu.memref_squeeze %dma_wait3A_188 : memref<1x48x128xf32, #tpu.memory_space<vmem>> -> memref<48x128xf32, #tpu.memory_space<vmem>>
      %dma_wait3A_190 = tpu.memref_slice %arg8[%mul3A_121] : memref<15120xi32, #tpu.memory_space<vmem>> -> memref<48xi32, #tpu.memory_space<vmem>>
      %dma_wait3A_191 = arith.constant 0 : i32
      %dma_wait3A_192 = arith.constant 0 : i32
      %dma_wait3A_193 = tpu.memref_slice %arg10[%dma_wait3A_191, %dma_wait3A_192] : memref<10112x128xf32, #tpu.memory_space<vmem_shared>> -> memref<10112x128xf32, #tpu.memory_space<vmem_shared>>
      %dma_wait3A_194 = tpu.memref_slice %arg12[%dma_wait3A_185] : memref<3x!tpu.dma_semaphore, #tpu.memory_space<semaphore_mem>> -> memref<1x!tpu.dma_semaphore, #tpu.memory_space<semaphore_mem>>
      %dma_wait3A_195 = tpu.memref_squeeze %dma_wait3A_194 : memref<1x!tpu.dma_semaphore, #tpu.memory_space<semaphore_mem>> -> memref<!tpu.dma_semaphore, #tpu.memory_space<semaphore_mem>>
      tpu.wait_indirect_dma semaphore(%dma_wait3A_195 : memref<!tpu.dma_semaphore, #tpu.memory_space<semaphore_mem>>) src(%dma_wait3A_189 : memref<48x128xf32, #tpu.memory_space<vmem>>) dst(%dma_wait3A_193 : memref<10112x128xf32, #tpu.memory_space<vmem_shared>>)
      %sub3A_196 = arith.constant 1 : i32
      %sub3A_197 = arith.subi %select_n3A, %sub3A_196 : i32
      %lt3A_198 = arith.cmpi slt, %while3A_61, %sub3A_197 : i32
      %convert_element_type3A_199 = arith.extui %lt3A_198 : i1 to i32
      %cond3A_200 = arith.constant 0 : i32
      %cond3A_201 = arith.cmpi ne, %convert_element_type3A_199, %cond3A_200 : i32
      scf.if %cond3A_201 {
        %mul3A_221 = arith.constant 3 : i32
        %mul3A_222 = arith.muli %while3A_61, %mul3A_221 : i32
        %add3A_223 = arith.constant 1 : i32
        %add3A_224 = arith.addi %mul3A_222, %add3A_223 : i32
        %add3A_225 = arith.constant 3 : i32
        %add3A_226 = arith.addi %add3A_224, %add3A_225 : i32
        %mul3A_227 = arith.constant 48 : i32
        %mul3A_228 = arith.muli %add3A_226, %mul3A_227 : i32
        %dma_start3A_229 = arith.constant 1 : i32
        %dma_start3A_230 = arith.constant 1 : i32
        %dma_start3A_231 = arith.constant 0 : i32
        %dma_start3A_232 = arith.constant 0 : i32
        %dma_start3A_233 = tpu.memref_slice %arg9[%dma_start3A_229, %dma_start3A_231, %dma_start3A_232] : memref<3x48x128xf32, #tpu.memory_space<vmem>> -> memref<1x48x128xf32, #tpu.memory_space<vmem>>
        %dma_start3A_234 = tpu.memref_squeeze %dma_start3A_233 : memref<1x48x128xf32, #tpu.memory_space<vmem>> -> memref<48x128xf32, #tpu.memory_space<vmem>>
        %dma_start3A_235 = tpu.memref_slice %arg7[%mul3A_228] : memref<15120xi32, #tpu.memory_space<vmem>> -> memref<48xi32, #tpu.memory_space<vmem>>
        %dma_start3A_236 = arith.constant 0 : i32
        %dma_start3A_237 = arith.constant 0 : i32
        %dma_start3A_238 = tpu.memref_slice %arg2[%dma_start3A_236, %dma_start3A_237] : memref<10000x128xf32, #tpu.memory_space<hbm>> -> memref<10000x128xf32, #tpu.memory_space<hbm>>
        %dma_start3A_239 = tpu.memref_slice %arg11[%dma_start3A_230] : memref<3x!tpu.dma_semaphore, #tpu.memory_space<semaphore_mem>> -> memref<1x!tpu.dma_semaphore, #tpu.memory_space<semaphore_mem>>
        %dma_start3A_240 = tpu.memref_squeeze %dma_start3A_239 : memref<1x!tpu.dma_semaphore, #tpu.memory_space<semaphore_mem>> -> memref<!tpu.dma_semaphore, #tpu.memory_space<semaphore_mem>>
        tpu.enqueue_indirect_dma source(%dma_start3A_238 : memref<10000x128xf32, #tpu.memory_space<hbm>>) target(%dma_start3A_234 : memref<48x128xf32, #tpu.memory_space<vmem>>) offsets(%dma_start3A_235 : memref<48xi32, #tpu.memory_space<vmem>>) semaphore(%dma_start3A_240 : memref<!tpu.dma_semaphore, #tpu.memory_space<semaphore_mem>>)
      } else {
      }
      %dma_wait3A_202 = arith.constant 2 : i32
      %dma_wait3A_203 = arith.constant 2 : i32
      %dma_wait3A_204 = arith.constant 0 : i32
      %dma_wait3A_205 = arith.constant 0 : i32
      %dma_wait3A_206 = tpu.memref_slice %arg9[%dma_wait3A_202, %dma_wait3A_204, %dma_wait3A_205] : memref<3x48x128xf32, #tpu.memory_space<vmem>> -> memref<1x48x128xf32, #tpu.memory_space<vmem>>
      %dma_wait3A_207 = tpu.memref_squeeze %dma_wait3A_206 : memref<1x48x128xf32, #tpu.memory_space<vmem>> -> memref<48x128xf32, #tpu.memory_space<vmem>>
      %dma_wait3A_208 = tpu.memref_slice %arg8[%mul3A_157] : memref<15120xi32, #tpu.memory_space<vmem>> -> memref<48xi32, #tpu.memory_space<vmem>>
      %dma_wait3A_209 = arith.constant 0 : i32
      %dma_wait3A_210 = arith.constant 0 : i32
      %dma_wait3A_211 = tpu.memref_slice %arg10[%dma_wait3A_209, %dma_wait3A_210] : memref<10112x128xf32, #tpu.memory_space<vmem_shared>> -> memref<10112x128xf32, #tpu.memory_space<vmem_shared>>
      %dma_wait3A_212 = tpu.memref_slice %arg12[%dma_wait3A_203] : memref<3x!tpu.dma_semaphore, #tpu.memory_space<semaphore_mem>> -> memref<1x!tpu.dma_semaphore, #tpu.memory_space<semaphore_mem>>
      %dma_wait3A_213 = tpu.memref_squeeze %dma_wait3A_212 : memref<1x!tpu.dma_semaphore, #tpu.memory_space<semaphore_mem>> -> memref<!tpu.dma_semaphore, #tpu.memory_space<semaphore_mem>>
      tpu.wait_indirect_dma semaphore(%dma_wait3A_213 : memref<!tpu.dma_semaphore, #tpu.memory_space<semaphore_mem>>) src(%dma_wait3A_207 : memref<48x128xf32, #tpu.memory_space<vmem>>) dst(%dma_wait3A_211 : memref<10112x128xf32, #tpu.memory_space<vmem_shared>>)
      %sub3A_214 = arith.constant 1 : i32
      %sub3A_215 = arith.subi %select_n3A, %sub3A_214 : i32
      %lt3A_216 = arith.cmpi slt, %while3A_61, %sub3A_215 : i32
      %convert_element_type3A_217 = arith.extui %lt3A_216 : i1 to i32
      %cond3A_218 = arith.constant 0 : i32
      %cond3A_219 = arith.cmpi ne, %convert_element_type3A_217, %cond3A_218 : i32
      scf.if %cond3A_219 {
        %mul3A_221 = arith.constant 3 : i32
        %mul3A_222 = arith.muli %while3A_61, %mul3A_221 : i32
        %add3A_223 = arith.constant 2 : i32
        %add3A_224 = arith.addi %mul3A_222, %add3A_223 : i32
        %add3A_225 = arith.constant 3 : i32
        %add3A_226 = arith.addi %add3A_224, %add3A_225 : i32
        %mul3A_227 = arith.constant 48 : i32
        %mul3A_228 = arith.muli %add3A_226, %mul3A_227 : i32
        %dma_start3A_229 = arith.constant 2 : i32
        %dma_start3A_230 = arith.constant 2 : i32
        %dma_start3A_231 = arith.constant 0 : i32
        %dma_start3A_232 = arith.constant 0 : i32
        %dma_start3A_233 = tpu.memref_slice %arg9[%dma_start3A_229, %dma_start3A_231, %dma_start3A_232] : memref<3x48x128xf32, #tpu.memory_space<vmem>> -> memref<1x48x128xf32, #tpu.memory_space<vmem>>
        %dma_start3A_234 = tpu.memref_squeeze %dma_start3A_233 : memref<1x48x128xf32, #tpu.memory_space<vmem>> -> memref<48x128xf32, #tpu.memory_space<vmem>>
        %dma_start3A_235 = tpu.memref_slice %arg7[%mul3A_228] : memref<15120xi32, #tpu.memory_space<vmem>> -> memref<48xi32, #tpu.memory_space<vmem>>
        %dma_start3A_236 = arith.constant 0 : i32
        %dma_start3A_237 = arith.constant 0 : i32
        %dma_start3A_238 = tpu.memref_slice %arg2[%dma_start3A_236, %dma_start3A_237] : memref<10000x128xf32, #tpu.memory_space<hbm>> -> memref<10000x128xf32, #tpu.memory_space<hbm>>
        %dma_start3A_239 = tpu.memref_slice %arg11[%dma_start3A_230] : memref<3x!tpu.dma_semaphore, #tpu.memory_space<semaphore_mem>> -> memref<1x!tpu.dma_semaphore, #tpu.memory_space<semaphore_mem>>
        %dma_start3A_240 = tpu.memref_squeeze %dma_start3A_239 : memref<1x!tpu.dma_semaphore, #tpu.memory_space<semaphore_mem>> -> memref<!tpu.dma_semaphore, #tpu.memory_space<semaphore_mem>>
        tpu.enqueue_indirect_dma source(%dma_start3A_238 : memref<10000x128xf32, #tpu.memory_space<hbm>>) target(%dma_start3A_234 : memref<48x128xf32, #tpu.memory_space<vmem>>) offsets(%dma_start3A_235 : memref<48xi32, #tpu.memory_space<vmem>>) semaphore(%dma_start3A_240 : memref<!tpu.dma_semaphore, #tpu.memory_space<semaphore_mem>>)
      } else {
      }
      %while3A_220 = arith.constant 0 : i32
      scf.yield %while3A_220 : i32
    }
    %while3A_54 = arith.constant 1 : i32
    %while3A_55 = scf.for %while3A_61 = %while3A_51 to %while3A_47 step %while3A_54 iter_args(%while3A_62 = %while3A_53) -> (i32)  : i32 {
      %mul3A_63 = arith.constant 3 : i32
      %mul3A_64 = arith.muli %while3A_61, %mul3A_63 : i32
      %add3A_65 = arith.constant 0 : i32
      %add3A_66 = arith.addi %mul3A_64, %add3A_65 : i32
      %dma_wait3A = arith.constant 0 : i32
      %dma_wait3A_67 = arith.constant 0 : i32
      %dma_wait3A_68 = arith.constant 0 : i32
      %dma_wait3A_69 = arith.constant 0 : i32
      %dma_wait3A_70 = tpu.memref_slice %arg9[%dma_wait3A, %dma_wait3A_68, %dma_wait3A_69] : memref<3x48x128xf32, #tpu.memory_space<vmem>> -> memref<1x48x128xf32, #tpu.memory_space<vmem>>
      %dma_wait3A_71 = tpu.memref_squeeze %dma_wait3A_70 : memref<1x48x128xf32, #tpu.memory_space<vmem>> -> memref<48x128xf32, #tpu.memory_space<vmem>>
      %dma_wait3A_72 = arith.constant 0 : i32
      %dma_wait3A_73 = arith.constant 0 : i32
      %dma_wait3A_74 = tpu.memref_slice %arg2[%dma_wait3A_72, %dma_wait3A_73] : memref<10000x128xf32, #tpu.memory_space<hbm>> -> memref<48x128xf32, #tpu.memory_space<hbm>>
      %dma_wait3A_75 = tpu.memref_slice %arg11[%dma_wait3A_67] : memref<3x!tpu.dma_semaphore, #tpu.memory_space<semaphore_mem>> -> memref<1x!tpu.dma_semaphore, #tpu.memory_space<semaphore_mem>>
      %dma_wait3A_76 = tpu.memref_squeeze %dma_wait3A_75 : memref<1x!tpu.dma_semaphore, #tpu.memory_space<semaphore_mem>> -> memref<!tpu.dma_semaphore, #tpu.memory_space<semaphore_mem>>
      %dma_wait3A_77 = arith.constant 0 : i32
      %dma_wait3A_78 = arith.constant 0 : i32
      %dma_wait3A_79 = tpu.memref_slice %arg9[%dma_wait3A, %dma_wait3A_77, %dma_wait3A_78] : memref<3x48x128xf32, #tpu.memory_space<vmem>> -> memref<1x48x128xf32, #tpu.memory_space<vmem>>
      %dma_wait3A_80 = tpu.memref_squeeze %dma_wait3A_79 : memref<1x48x128xf32, #tpu.memory_space<vmem>> -> memref<48x128xf32, #tpu.memory_space<vmem>>
      %dma_wait3A_81 = arith.constant 0 : i32
      %dma_wait3A_82 = arith.constant 0 : i32
      %dma_wait3A_83 = tpu.memref_slice %arg2[%dma_wait3A_81, %dma_wait3A_82] : memref<10000x128xf32, #tpu.memory_space<hbm>> -> memref<48x128xf32, #tpu.memory_space<hbm>>
      tpu.wait_dma2 semaphore(%dma_wait3A_76 : memref<!tpu.dma_semaphore, #tpu.memory_space<semaphore_mem>>) src(%dma_wait3A_83 : memref<48x128xf32, #tpu.memory_space<hbm>>) dst(%dma_wait3A_80 : memref<48x128xf32, #tpu.memory_space<vmem>>)
      %mul3A_84 = arith.constant 48 : i32
      %mul3A_85 = arith.muli %add3A_66, %mul3A_84 : i32
      %dma_start3A_86 = arith.constant 0 : i32
      %dma_start3A_87 = arith.constant 0 : i32
      %dma_start3A_88 = arith.constant 0 : i32
      %dma_start3A_89 = arith.constant 0 : i32
      %dma_start3A_90 = tpu.memref_slice %arg9[%dma_start3A_86, %dma_start3A_88, %dma_start3A_89] : memref<3x48x128xf32, #tpu.memory_space<vmem>> -> memref<1x48x128xf32, #tpu.memory_space<vmem>>
      %dma_start3A_91 = tpu.memref_squeeze %dma_start3A_90 : memref<1x48x128xf32, #tpu.memory_space<vmem>> -> memref<48x128xf32, #tpu.memory_space<vmem>>
      %dma_start3A_92 = tpu.memref_slice %arg8[%mul3A_85] : memref<15120xi32, #tpu.memory_space<vmem>> -> memref<48xi32, #tpu.memory_space<vmem>>
      %dma_start3A_93 = arith.constant 0 : i32
      %dma_start3A_94 = arith.constant 0 : i32
      %dma_start3A_95 = tpu.memref_slice %arg10[%dma_start3A_93, %dma_start3A_94] : memref<10112x128xf32, #tpu.memory_space<vmem_shared>> -> memref<10112x128xf32, #tpu.memory_space<vmem_shared>>
      %dma_start3A_96 = tpu.memref_slice %arg12[%dma_start3A_87] : memref<3x!tpu.dma_semaphore, #tpu.memory_space<semaphore_mem>> -> memref<1x!tpu.dma_semaphore, #tpu.memory_space<semaphore_mem>>
      %dma_start3A_97 = tpu.memref_squeeze %dma_start3A_96 : memref<1x!tpu.dma_semaphore, #tpu.memory_space<semaphore_mem>> -> memref<!tpu.dma_semaphore, #tpu.memory_space<semaphore_mem>>
      tpu.enqueue_indirect_dma source(%dma_start3A_91 : memref<48x128xf32, #tpu.memory_space<vmem>>) target(%dma_start3A_95 : memref<10112x128xf32, #tpu.memory_space<vmem_shared>>) offsets(%dma_start3A_92 : memref<48xi32, #tpu.memory_space<vmem>>) semaphore(%dma_start3A_97 : memref<!tpu.dma_semaphore, #tpu.memory_space<semaphore_mem>>) {add = true}
      %mul3A_98 = arith.constant 3 : i32
      %mul3A_99 = arith.muli %while3A_61, %mul3A_98 : i32
      %add3A_100 = arith.constant 1 : i32
      %add3A_101 = arith.addi %mul3A_99, %add3A_100 : i32
      %dma_wait3A_102 = arith.constant 1 : i32
      %dma_wait3A_103 = arith.constant 1 : i32
      %dma_wait3A_104 = arith.constant 0 : i32
      %dma_wait3A_105 = arith.constant 0 : i32
      %dma_wait3A_106 = tpu.memref_slice %arg9[%dma_wait3A_102, %dma_wait3A_104, %dma_wait3A_105] : memref<3x48x128xf32, #tpu.memory_space<vmem>> -> memref<1x48x128xf32, #tpu.memory_space<vmem>>
      %dma_wait3A_107 = tpu.memref_squeeze %dma_wait3A_106 : memref<1x48x128xf32, #tpu.memory_space<vmem>> -> memref<48x128xf32, #tpu.memory_space<vmem>>
      %dma_wait3A_108 = arith.constant 0 : i32
      %dma_wait3A_109 = arith.constant 0 : i32
      %dma_wait3A_110 = tpu.memref_slice %arg2[%dma_wait3A_108, %dma_wait3A_109] : memref<10000x128xf32, #tpu.memory_space<hbm>> -> memref<48x128xf32, #tpu.memory_space<hbm>>
      %dma_wait3A_111 = tpu.memref_slice %arg11[%dma_wait3A_103] : memref<3x!tpu.dma_semaphore, #tpu.memory_space<semaphore_mem>> -> memref<1x!tpu.dma_semaphore, #tpu.memory_space<semaphore_mem>>
      %dma_wait3A_112 = tpu.memref_squeeze %dma_wait3A_111 : memref<1x!tpu.dma_semaphore, #tpu.memory_space<semaphore_mem>> -> memref<!tpu.dma_semaphore, #tpu.memory_space<semaphore_mem>>
      %dma_wait3A_113 = arith.constant 0 : i32
      %dma_wait3A_114 = arith.constant 0 : i32
      %dma_wait3A_115 = tpu.memref_slice %arg9[%dma_wait3A_102, %dma_wait3A_113, %dma_wait3A_114] : memref<3x48x128xf32, #tpu.memory_space<vmem>> -> memref<1x48x128xf32, #tpu.memory_space<vmem>>
      %dma_wait3A_116 = tpu.memref_squeeze %dma_wait3A_115 : memref<1x48x128xf32, #tpu.memory_space<vmem>> -> memref<48x128xf32, #tpu.memory_space<vmem>>
      %dma_wait3A_117 = arith.constant 0 : i32
      %dma_wait3A_118 = arith.constant 0 : i32
      %dma_wait3A_119 = tpu.memref_slice %arg2[%dma_wait3A_117, %dma_wait3A_118] : memref<10000x128xf32, #tpu.memory_space<hbm>> -> memref<48x128xf32, #tpu.memory_space<hbm>>
      tpu.wait_dma2 semaphore(%dma_wait3A_112 : memref<!tpu.dma_semaphore, #tpu.memory_space<semaphore_mem>>) src(%dma_wait3A_119 : memref<48x128xf32, #tpu.memory_space<hbm>>) dst(%dma_wait3A_116 : memref<48x128xf32, #tpu.memory_space<vmem>>)
      %mul3A_120 = arith.constant 48 : i32
      %mul3A_121 = arith.muli %add3A_101, %mul3A_120 : i32
      %dma_start3A_122 = arith.constant 1 : i32
      %dma_start3A_123 = arith.constant 1 : i32
      %dma_start3A_124 = arith.constant 0 : i32
      %dma_start3A_125 = arith.constant 0 : i32
      %dma_start3A_126 = tpu.memref_slice %arg9[%dma_start3A_122, %dma_start3A_124, %dma_start3A_125] : memref<3x48x128xf32, #tpu.memory_space<vmem>> -> memref<1x48x128xf32, #tpu.memory_space<vmem>>
      %dma_start3A_127 = tpu.memref_squeeze %dma_start3A_126 : memref<1x48x128xf32, #tpu.memory_space<vmem>> -> memref<48x128xf32, #tpu.memory_space<vmem>>
      %dma_start3A_128 = tpu.memref_slice %arg8[%mul3A_121] : memref<15120xi32, #tpu.memory_space<vmem>> -> memref<48xi32, #tpu.memory_space<vmem>>
      %dma_start3A_129 = arith.constant 0 : i32
      %dma_start3A_130 = arith.constant 0 : i32
      %dma_start3A_131 = tpu.memref_slice %arg10[%dma_start3A_129, %dma_start3A_130] : memref<10112x128xf32, #tpu.memory_space<vmem_shared>> -> memref<10112x128xf32, #tpu.memory_space<vmem_shared>>
      %dma_start3A_132 = tpu.memref_slice %arg12[%dma_start3A_123] : memref<3x!tpu.dma_semaphore, #tpu.memory_space<semaphore_mem>> -> memref<1x!tpu.dma_semaphore, #tpu.memory_space<semaphore_mem>>
      %dma_start3A_133 = tpu.memref_squeeze %dma_start3A_132 : memref<1x!tpu.dma_semaphore, #tpu.memory_space<semaphore_mem>> -> memref<!tpu.dma_semaphore, #tpu.memory_space<semaphore_mem>>
      tpu.enqueue_indirect_dma source(%dma_start3A_127 : memref<48x128xf32, #tpu.memory_space<vmem>>) target(%dma_start3A_131 : memref<10112x128xf32, #tpu.memory_space<vmem_shared>>) offsets(%dma_start3A_128 : memref<48xi32, #tpu.memory_space<vmem>>) semaphore(%dma_start3A_133 : memref<!tpu.dma_semaphore, #tpu.memory_space<semaphore_mem>>) {add = true}
      %mul3A_134 = arith.constant 3 : i32
      %mul3A_135 = arith.muli %while3A_61, %mul3A_134 : i32
      %add3A_136 = arith.constant 2 : i32
      %add3A_137 = arith.addi %mul3A_135, %add3A_136 : i32
      %dma_wait3A_138 = arith.constant 2 : i32
      %dma_wait3A_139 = arith.constant 2 : i32
      %dma_wait3A_140 = arith.constant 0 : i32
      %dma_wait3A_141 = arith.constant 0 : i32
      %dma_wait3A_142 = tpu.memref_slice %arg9[%dma_wait3A_138, %dma_wait3A_140, %dma_wait3A_141] : memref<3x48x128xf32, #tpu.memory_space<vmem>> -> memref<1x48x128xf32, #tpu.memory_space<vmem>>
      %dma_wait3A_143 = tpu.memref_squeeze %dma_wait3A_142 : memref<1x48x128xf32, #tpu.memory_space<vmem>> -> memref<48x128xf32, #tpu.memory_space<vmem>>
      %dma_wait3A_144 = arith.constant 0 : i32
      %dma_wait3A_145 = arith.constant 0 : i32
      %dma_wait3A_146 = tpu.memref_slice %arg2[%dma_wait3A_144, %dma_wait3A_145] : memref<10000x128xf32, #tpu.memory_space<hbm>> -> memref<48x128xf32, #tpu.memory_space<hbm>>
      %dma_wait3A_147 = tpu.memref_slice %arg11[%dma_wait3A_139] : memref<3x!tpu.dma_semaphore, #tpu.memory_space<semaphore_mem>> -> memref<1x!tpu.dma_semaphore, #tpu.memory_space<semaphore_mem>>
      %dma_wait3A_148 = tpu.memref_squeeze %dma_wait3A_147 : memref<1x!tpu.dma_semaphore, #tpu.memory_space<semaphore_mem>> -> memref<!tpu.dma_semaphore, #tpu.memory_space<semaphore_mem>>
      %dma_wait3A_149 = arith.constant 0 : i32
      %dma_wait3A_150 = arith.constant 0 : i32
      %dma_wait3A_151 = tpu.memref_slice %arg9[%dma_wait3A_138, %dma_wait3A_149, %dma_wait3A_150] : memref<3x48x128xf32, #tpu.memory_space<vmem>> -> memref<1x48x128xf32, #tpu.memory_space<vmem>>
      %dma_wait3A_152 = tpu.memref_squeeze %dma_wait3A_151 : memref<1x48x128xf32, #tpu.memory_space<vmem>> -> memref<48x128xf32, #tpu.memory_space<vmem>>
      %dma_wait3A_153 = arith.constant 0 : i32
      %dma_wait3A_154 = arith.constant 0 : i32
      %dma_wait3A_155 = tpu.memref_slice %arg2[%dma_wait3A_153, %dma_wait3A_154] : memref<10000x128xf32, #tpu.memory_space<hbm>> -> memref<48x128xf32, #tpu.memory_space<hbm>>
      tpu.wait_dma2 semaphore(%dma_wait3A_148 : memref<!tpu.dma_semaphore, #tpu.memory_space<semaphore_mem>>) src(%dma_wait3A_155 : memref<48x128xf32, #tpu.memory_space<hbm>>) dst(%dma_wait3A_152 : memref<48x128xf32, #tpu.memory_space<vmem>>)
      %mul3A_156 = arith.constant 48 : i32
      %mul3A_157 = arith.muli %add3A_137, %mul3A_156 : i32
      %dma_start3A_158 = arith.constant 2 : i32
      %dma_start3A_159 = arith.constant 2 : i32
      %dma_start3A_160 = arith.constant 0 : i32
      %dma_start3A_161 = arith.constant 0 : i32
      %dma_start3A_162 = tpu.memref_slice %arg9[%dma_start3A_158, %dma_start3A_160, %dma_start3A_161] : memref<3x48x128xf32, #tpu.memory_space<vmem>> -> memref<1x48x128xf32, #tpu.memory_space<vmem>>
      %dma_start3A_163 = tpu.memref_squeeze %dma_start3A_162 : memref<1x48x128xf32, #tpu.memory_space<vmem>> -> memref<48x128xf32, #tpu.memory_space<vmem>>
      %dma_start3A_164 = tpu.memref_slice %arg8[%mul3A_157] : memref<15120xi32, #tpu.memory_space<vmem>> -> memref<48xi32, #tpu.memory_space<vmem>>
      %dma_start3A_165 = arith.constant 0 : i32
      %dma_start3A_166 = arith.constant 0 : i32
      %dma_start3A_167 = tpu.memref_slice %arg10[%dma_start3A_165, %dma_start3A_166] : memref<10112x128xf32, #tpu.memory_space<vmem_shared>> -> memref<10112x128xf32, #tpu.memory_space<vmem_shared>>
      %dma_start3A_168 = tpu.memref_slice %arg12[%dma_start3A_159] : memref<3x!tpu.dma_semaphore, #tpu.memory_space<semaphore_mem>> -> memref<1x!tpu.dma_semaphore, #tpu.memory_space<semaphore_mem>>
      %dma_start3A_169 = tpu.memref_squeeze %dma_start3A_168 : memref<1x!tpu.dma_semaphore, #tpu.memory_space<semaphore_mem>> -> memref<!tpu.dma_semaphore, #tpu.memory_space<semaphore_mem>>
      tpu.enqueue_indirect_dma source(%dma_start3A_163 : memref<48x128xf32, #tpu.memory_space<vmem>>) target(%dma_start3A_167 : memref<10112x128xf32, #tpu.memory_space<vmem_shared>>) offsets(%dma_start3A_164 : memref<48xi32, #tpu.memory_space<vmem>>) semaphore(%dma_start3A_169 : memref<!tpu.dma_semaphore, #tpu.memory_space<semaphore_mem>>) {add = true}
      %dma_wait3A_170 = arith.constant 0 : i32
      %dma_wait3A_171 = arith.constant 0 : i32
      %dma_wait3A_172 = arith.constant 0 : i32
      %dma_wait3A_173 = arith.constant 0 : i32
      %dma_wait3A_174 = tpu.memref_slice %arg9[%dma_wait3A_170, %dma_wait3A_172, %dma_wait3A_173] : memref<3x48x128xf32, #tpu.memory_space<vmem>> -> memref<1x48x128xf32, #tpu.memory_space<vmem>>
      %dma_wait3A_175 = tpu.memref_squeeze %dma_wait3A_174 : memref<1x48x128xf32, #tpu.memory_space<vmem>> -> memref<48x128xf32, #tpu.memory_space<vmem>>
      %dma_wait3A_176 = tpu.memref_slice %arg8[%mul3A_85] : memref<15120xi32, #tpu.memory_space<vmem>> -> memref<48xi32, #tpu.memory_space<vmem>>
      %dma_wait3A_177 = arith.constant 0 : i32
      %dma_wait3A_178 = arith.constant 0 : i32
      %dma_wait3A_179 = tpu.memref_slice %arg10[%dma_wait3A_177, %dma_wait3A_178] : memref<10112x128xf32, #tpu.memory_space<vmem_shared>> -> memref<10112x128xf32, #tpu.memory_space<vmem_shared>>
      %dma_wait3A_180 = tpu.memref_slice %arg12[%dma_wait3A_171] : memref<3x!tpu.dma_semaphore, #tpu.memory_space<semaphore_mem>> -> memref<1x!tpu.dma_semaphore, #tpu.memory_space<semaphore_mem>>
      %dma_wait3A_181 = tpu.memref_squeeze %dma_wait3A_180 : memref<1x!tpu.dma_semaphore, #tpu.memory_space<semaphore_mem>> -> memref<!tpu.dma_semaphore, #tpu.memory_space<semaphore_mem>>
      tpu.wait_indirect_dma semaphore(%dma_wait3A_181 : memref<!tpu.dma_semaphore, #tpu.memory_space<semaphore_mem>>) src(%dma_wait3A_175 : memref<48x128xf32, #tpu.memory_space<vmem>>) dst(%dma_wait3A_179 : memref<10112x128xf32, #tpu.memory_space<vmem_shared>>)
      %sub3A = arith.constant 1 : i32
      %sub3A_182 = arith.subi %select_n3A, %sub3A : i32
      %lt3A = arith.cmpi slt, %while3A_61, %sub3A_182 : i32
      %convert_element_type3A = arith.extui %lt3A : i1 to i32
      %cond3A = arith.constant 0 : i32
      %cond3A_183 = arith.cmpi ne, %convert_element_type3A, %cond3A : i32
      scf.if %cond3A_183 {
        %mul3A_221 = arith.constant 3 : i32
        %mul3A_222 = arith.muli %while3A_61, %mul3A_221 : i32
        %add3A_223 = arith.constant 0 : i32
        %add3A_224 = arith.addi %mul3A_222, %add3A_223 : i32
        %add3A_225 = arith.constant 3 : i32
        %add3A_226 = arith.addi %add3A_224, %add3A_225 : i32
        %mul3A_227 = arith.constant 48 : i32
        %mul3A_228 = arith.muli %add3A_226, %mul3A_227 : i32
        %dma_start3A_229 = arith.constant 0 : i32
        %dma_start3A_230 = arith.constant 0 : i32
        %dma_start3A_231 = arith.constant 0 : i32
        %dma_start3A_232 = arith.constant 0 : i32
        %dma_start3A_233 = tpu.memref_slice %arg9[%dma_start3A_229, %dma_start3A_231, %dma_start3A_232] : memref<3x48x128xf32, #tpu.memory_space<vmem>> -> memref<1x48x128xf32, #tpu.memory_space<vmem>>
        %dma_start3A_234 = tpu.memref_squeeze %dma_start3A_233 : memref<1x48x128xf32, #tpu.memory_space<vmem>> -> memref<48x128xf32, #tpu.memory_space<vmem>>
        %dma_start3A_235 = tpu.memref_slice %arg7[%mul3A_228] : memref<15120xi32, #tpu.memory_space<vmem>> -> memref<48xi32, #tpu.memory_space<vmem>>
        %dma_start3A_236 = arith.constant 0 : i32
        %dma_start3A_237 = arith.constant 0 : i32
        %dma_start3A_238 = tpu.memref_slice %arg2[%dma_start3A_236, %dma_start3A_237] : memref<10000x128xf32, #tpu.memory_space<hbm>> -> memref<10000x128xf32, #tpu.memory_space<hbm>>
        %dma_start3A_239 = tpu.memref_slice %arg11[%dma_start3A_230] : memref<3x!tpu.dma_semaphore, #tpu.memory_space<semaphore_mem>> -> memref<1x!tpu.dma_semaphore, #tpu.memory_space<semaphore_mem>>
        %dma_start3A_240 = tpu.memref_squeeze %dma_start3A_239 : memref<1x!tpu.dma_semaphore, #tpu.memory_space<semaphore_mem>> -> memref<!tpu.dma_semaphore, #tpu.memory_space<semaphore_mem>>
        tpu.enqueue_indirect_dma source(%dma_start3A_238 : memref<10000x128xf32, #tpu.memory_space<hbm>>) target(%dma_start3A_234 : memref<48x128xf32, #tpu.memory_space<vmem>>) offsets(%dma_start3A_235 : memref<48xi32, #tpu.memory_space<vmem>>) semaphore(%dma_start3A_240 : memref<!tpu.dma_semaphore, #tpu.memory_space<semaphore_mem>>)
      } else {
      }
      %dma_wait3A_184 = arith.constant 1 : i32
      %dma_wait3A_185 = arith.constant 1 : i32
      %dma_wait3A_186 = arith.constant 0 : i32
      %dma_wait3A_187 = arith.constant 0 : i32
      %dma_wait3A_188 = tpu.memref_slice %arg9[%dma_wait3A_184, %dma_wait3A_186, %dma_wait3A_187] : memref<3x48x128xf32, #tpu.memory_space<vmem>> -> memref<1x48x128xf32, #tpu.memory_space<vmem>>
      %dma_wait3A_189 = tpu.memref_squeeze %dma_wait3A_188 : memref<1x48x128xf32, #tpu.memory_space<vmem>> -> memref<48x128xf32, #tpu.memory_space<vmem>>
      %dma_wait3A_190 = tpu.memref_slice %arg8[%mul3A_121] : memref<15120xi32, #tpu.memory_space<vmem>> -> memref<48xi32, #tpu.memory_space<vmem>>
      %dma_wait3A_191 = arith.constant 0 : i32
      %dma_wait3A_192 = arith.constant 0 : i32
      %dma_wait3A_193 = tpu.memref_slice %arg10[%dma_wait3A_191, %dma_wait3A_192] : memref<10112x128xf32, #tpu.memory_space<vmem_shared>> -> memref<10112x128xf32, #tpu.memory_space<vmem_shared>>
      %dma_wait3A_194 = tpu.memref_slice %arg12[%dma_wait3A_185] : memref<3x!tpu.dma_semaphore, #tpu.memory_space<semaphore_mem>> -> memref<1x!tpu.dma_semaphore, #tpu.memory_space<semaphore_mem>>
      %dma_wait3A_195 = tpu.memref_squeeze %dma_wait3A_194 : memref<1x!tpu.dma_semaphore, #tpu.memory_space<semaphore_mem>> -> memref<!tpu.dma_semaphore, #tpu.memory_space<semaphore_mem>>
      tpu.wait_indirect_dma semaphore(%dma_wait3A_195 : memref<!tpu.dma_semaphore, #tpu.memory_space<semaphore_mem>>) src(%dma_wait3A_189 : memref<48x128xf32, #tpu.memory_space<vmem>>) dst(%dma_wait3A_193 : memref<10112x128xf32, #tpu.memory_space<vmem_shared>>)
      %sub3A_196 = arith.constant 1 : i32
      %sub3A_197 = arith.subi %select_n3A, %sub3A_196 : i32
      %lt3A_198 = arith.cmpi slt, %while3A_61, %sub3A_197 : i32
      %convert_element_type3A_199 = arith.extui %lt3A_198 : i1 to i32
      %cond3A_200 = arith.constant 0 : i32
      %cond3A_201 = arith.cmpi ne, %convert_element_type3A_199, %cond3A_200 : i32
      scf.if %cond3A_201 {
        %mul3A_221 = arith.constant 3 : i32
        %mul3A_222 = arith.muli %while3A_61, %mul3A_221 : i32
        %add3A_223 = arith.constant 1 : i32
        %add3A_224 = arith.addi %mul3A_222, %add3A_223 : i32
        %add3A_225 = arith.constant 3 : i32
        %add3A_226 = arith.addi %add3A_224, %add3A_225 : i32
        %mul3A_227 = arith.constant 48 : i32
        %mul3A_228 = arith.muli %add3A_226, %mul3A_227 : i32
        %dma_start3A_229 = arith.constant 1 : i32
        %dma_start3A_230 = arith.constant 1 : i32
        %dma_start3A_231 = arith.constant 0 : i32
        %dma_start3A_232 = arith.constant 0 : i32
        %dma_start3A_233 = tpu.memref_slice %arg9[%dma_start3A_229, %dma_start3A_231, %dma_start3A_232] : memref<3x48x128xf32, #tpu.memory_space<vmem>> -> memref<1x48x128xf32, #tpu.memory_space<vmem>>
        %dma_start3A_234 = tpu.memref_squeeze %dma_start3A_233 : memref<1x48x128xf32, #tpu.memory_space<vmem>> -> memref<48x128xf32, #tpu.memory_space<vmem>>
        %dma_start3A_235 = tpu.memref_slice %arg7[%mul3A_228] : memref<15120xi32, #tpu.memory_space<vmem>> -> memref<48xi32, #tpu.memory_space<vmem>>
        %dma_start3A_236 = arith.constant 0 : i32
        %dma_start3A_237 = arith.constant 0 : i32
        %dma_start3A_238 = tpu.memref_slice %arg2[%dma_start3A_236, %dma_start3A_237] : memref<10000x128xf32, #tpu.memory_space<hbm>> -> memref<10000x128xf32, #tpu.memory_space<hbm>>
        %dma_start3A_239 = tpu.memref_slice %arg11[%dma_start3A_230] : memref<3x!tpu.dma_semaphore, #tpu.memory_space<semaphore_mem>> -> memref<1x!tpu.dma_semaphore, #tpu.memory_space<semaphore_mem>>
        %dma_start3A_240 = tpu.memref_squeeze %dma_start3A_239 : memref<1x!tpu.dma_semaphore, #tpu.memory_space<semaphore_mem>> -> memref<!tpu.dma_semaphore, #tpu.memory_space<semaphore_mem>>
        tpu.enqueue_indirect_dma source(%dma_start3A_238 : memref<10000x128xf32, #tpu.memory_space<hbm>>) target(%dma_start3A_234 : memref<48x128xf32, #tpu.memory_space<vmem>>) offsets(%dma_start3A_235 : memref<48xi32, #tpu.memory_space<vmem>>) semaphore(%dma_start3A_240 : memref<!tpu.dma_semaphore, #tpu.memory_space<semaphore_mem>>)
      } else {
      }
      %dma_wait3A_202 = arith.constant 2 : i32
      %dma_wait3A_203 = arith.constant 2 : i32
      %dma_wait3A_204 = arith.constant 0 : i32
      %dma_wait3A_205 = arith.constant 0 : i32
      %dma_wait3A_206 = tpu.memref_slice %arg9[%dma_wait3A_202, %dma_wait3A_204, %dma_wait3A_205] : memref<3x48x128xf32, #tpu.memory_space<vmem>> -> memref<1x48x128xf32, #tpu.memory_space<vmem>>
      %dma_wait3A_207 = tpu.memref_squeeze %dma_wait3A_206 : memref<1x48x128xf32, #tpu.memory_space<vmem>> -> memref<48x128xf32, #tpu.memory_space<vmem>>
      %dma_wait3A_208 = tpu.memref_slice %arg8[%mul3A_157] : memref<15120xi32, #tpu.memory_space<vmem>> -> memref<48xi32, #tpu.memory_space<vmem>>
      %dma_wait3A_209 = arith.constant 0 : i32
      %dma_wait3A_210 = arith.constant 0 : i32
      %dma_wait3A_211 = tpu.memref_slice %arg10[%dma_wait3A_209, %dma_wait3A_210] : memref<10112x128xf32, #tpu.memory_space<vmem_shared>> -> memref<10112x128xf32, #tpu.memory_space<vmem_shared>>
      %dma_wait3A_212 = tpu.memref_slice %arg12[%dma_wait3A_203] : memref<3x!tpu.dma_semaphore, #tpu.memory_space<semaphore_mem>> -> memref<1x!tpu.dma_semaphore, #tpu.memory_space<semaphore_mem>>
      %dma_wait3A_213 = tpu.memref_squeeze %dma_wait3A_212 : memref<1x!tpu.dma_semaphore, #tpu.memory_space<semaphore_mem>> -> memref<!tpu.dma_semaphore, #tpu.memory_space<semaphore_mem>>
      tpu.wait_indirect_dma semaphore(%dma_wait3A_213 : memref<!tpu.dma_semaphore, #tpu.memory_space<semaphore_mem>>) src(%dma_wait3A_207 : memref<48x128xf32, #tpu.memory_space<vmem>>) dst(%dma_wait3A_211 : memref<10112x128xf32, #tpu.memory_space<vmem_shared>>)
      %sub3A_214 = arith.constant 1 : i32
      %sub3A_215 = arith.subi %select_n3A, %sub3A_214 : i32
      %lt3A_216 = arith.cmpi slt, %while3A_61, %sub3A_215 : i32
      %convert_element_type3A_217 = arith.extui %lt3A_216 : i1 to i32
      %cond3A_218 = arith.constant 0 : i32
      %cond3A_219 = arith.cmpi ne, %convert_element_type3A_217, %cond3A_218 : i32
      scf.if %cond3A_219 {
        %mul3A_221 = arith.constant 3 : i32
        %mul3A_222 = arith.muli %while3A_61, %mul3A_221 : i32
        %add3A_223 = arith.constant 2 : i32
        %add3A_224 = arith.addi %mul3A_222, %add3A_223 : i32
        %add3A_225 = arith.constant 3 : i32
        %add3A_226 = arith.addi %add3A_224, %add3A_225 : i32
        %mul3A_227 = arith.constant 48 : i32
        %mul3A_228 = arith.muli %add3A_226, %mul3A_227 : i32
        %dma_start3A_229 = arith.constant 2 : i32
        %dma_start3A_230 = arith.constant 2 : i32
        %dma_start3A_231 = arith.constant 0 : i32
        %dma_start3A_232 = arith.constant 0 : i32
        %dma_start3A_233 = tpu.memref_slice %arg9[%dma_start3A_229, %dma_start3A_231, %dma_start3A_232] : memref<3x48x128xf32, #tpu.memory_space<vmem>> -> memref<1x48x128xf32, #tpu.memory_space<vmem>>
        %dma_start3A_234 = tpu.memref_squeeze %dma_start3A_233 : memref<1x48x128xf32, #tpu.memory_space<vmem>> -> memref<48x128xf32, #tpu.memory_space<vmem>>
        %dma_start3A_235 = tpu.memref_slice %arg7[%mul3A_228] : memref<15120xi32, #tpu.memory_space<vmem>> -> memref<48xi32, #tpu.memory_space<vmem>>
        %dma_start3A_236 = arith.constant 0 : i32
        %dma_start3A_237 = arith.constant 0 : i32
        %dma_start3A_238 = tpu.memref_slice %arg2[%dma_start3A_236, %dma_start3A_237] : memref<10000x128xf32, #tpu.memory_space<hbm>> -> memref<10000x128xf32, #tpu.memory_space<hbm>>
        %dma_start3A_239 = tpu.memref_slice %arg11[%dma_start3A_230] : memref<3x!tpu.dma_semaphore, #tpu.memory_space<semaphore_mem>> -> memref<1x!tpu.dma_semaphore, #tpu.memory_space<semaphore_mem>>
        %dma_start3A_240 = tpu.memref_squeeze %dma_start3A_239 : memref<1x!tpu.dma_semaphore, #tpu.memory_space<semaphore_mem>> -> memref<!tpu.dma_semaphore, #tpu.memory_space<semaphore_mem>>
        tpu.enqueue_indirect_dma source(%dma_start3A_238 : memref<10000x128xf32, #tpu.memory_space<hbm>>) target(%dma_start3A_234 : memref<48x128xf32, #tpu.memory_space<vmem>>) offsets(%dma_start3A_235 : memref<48xi32, #tpu.memory_space<vmem>>) semaphore(%dma_start3A_240 : memref<!tpu.dma_semaphore, #tpu.memory_space<semaphore_mem>>)
      } else {
      }
      %while3A_220 = arith.constant 0 : i32
      scf.yield %while3A_220 : i32
    }
    %barrier3A_56 = arith.constant 0 : index
    tpu.barrier barrier_id(%barrier3A_56)
    %mul3A_57 = arith.constant 632 : i32
    %mul3A_58 = arith.muli %arg1, %mul3A_57 : i32
    %mul3A_59 = arith.constant 632 : i32
    %mul3A_60 = arith.muli %arg1, %mul3A_59 : i32
    "tpu.region"() ({
      %run_scoped3A = tpu.sem_alloc : memref<!tpu.dma_semaphore, #tpu.memory_space<semaphore_mem>>
      %dma_start3A_61 = arith.constant 0 : i32
      %dma_start3A_62 = tpu.memref_slice %arg6[%arg0, %mul3A_60, %dma_start3A_61] : memref<2x10112x128xf32, #tpu.memory_space<hbm>> -> memref<1x632x128xf32, #tpu.memory_space<hbm>>
      %dma_start3A_63 = tpu.memref_squeeze %dma_start3A_62 : memref<1x632x128xf32, #tpu.memory_space<hbm>> -> memref<632x128xf32, #tpu.memory_space<hbm>>
      %dma_start3A_64 = arith.constant 0 : i32
      %dma_start3A_65 = tpu.memref_slice %arg10[%mul3A_58, %dma_start3A_64] : memref<10112x128xf32, #tpu.memory_space<vmem_shared>> -> memref<632x128xf32, #tpu.memory_space<vmem_shared>>
      tpu.enqueue_dma source(%dma_start3A_65 : memref<632x128xf32, #tpu.memory_space<vmem_shared>>) target(%dma_start3A_63 : memref<632x128xf32, #tpu.memory_space<hbm>>) target_semaphore(%run_scoped3A : memref<!tpu.dma_semaphore, #tpu.memory_space<semaphore_mem>>)
      %dma_wait3A = arith.constant 0 : i32
      %dma_wait3A_66 = tpu.memref_slice %arg6[%arg0, %mul3A_60, %dma_wait3A] : memref<2x10112x128xf32, #tpu.memory_space<hbm>> -> memref<1x632x128xf32, #tpu.memory_space<hbm>>
      %dma_wait3A_67 = tpu.memref_squeeze %dma_wait3A_66 : memref<1x632x128xf32, #tpu.memory_space<hbm>> -> memref<632x128xf32, #tpu.memory_space<hbm>>
      %dma_wait3A_68 = arith.constant 0 : i32
      %dma_wait3A_69 = tpu.memref_slice %arg10[%mul3A_58, %dma_wait3A_68] : memref<10112x128xf32, #tpu.memory_space<vmem_shared>> -> memref<632x128xf32, #tpu.memory_space<vmem_shared>>
      tpu.wait_dma2 semaphore(%run_scoped3A : memref<!tpu.dma_semaphore, #tpu.memory_space<semaphore_mem>>) src(%dma_wait3A_69 : memref<632x128xf32, #tpu.memory_space<vmem_shared>>) dst(%dma_wait3A_67 : memref<632x128xf32, #tpu.memory_space<hbm>>)
      tpu.yield
    }) : () -> ()
    return
  }
}

#map = affine_map<(d0, d1) -> (0)>
#map1 = affine_map<(d0, d1) -> (0, 0)>
module attributes {stable_mosaic.version = 14 : i64} {
  func.func @hist_kernel(%arg0: i32, %arg1: i32, %arg2: memref<320000xi32, #tpu.memory_space<hbm>>, %arg3: memref<32x10000xf32, #tpu.memory_space<hbm>>, %arg4: memref<10000xi32, #tpu.memory_space<vmem>>, %arg5: memref<10000xf32, #tpu.memory_space<vmem>>) attributes {dimension_semantics = [#tpu.dimension_semantics<core_parallel>, #tpu.dimension_semantics<subcore_parallel>], iteration_bounds = array<i64: 2, 16>, scalar_prefetch = 0 : i64, scratch_operands = 2 : i64, tpu.core_type = #tpu.core_type<sc_vector_subcore>, window_params = [{transform_indices = #map}, {transform_indices = #map1}]} {
    %mul3A = arith.constant 2 : i32
    %mul3A_0 = arith.muli %arg1, %mul3A : i32
    %add3A = arith.addi %mul3A_0, %arg0 : i32
    %mul3A_1 = arith.constant 10000 : i32
    %mul3A_2 = arith.muli %add3A, %mul3A_1 : i32
    "tpu.region"() ({
      %run_scoped3A = tpu.sem_alloc : memref<!tpu.dma_semaphore, #tpu.memory_space<semaphore_mem>>
      %dma_start3A = tpu.memref_slice %arg2[%mul3A_2] : memref<320000xi32, #tpu.memory_space<hbm>> -> memref<10000xi32, #tpu.memory_space<hbm>>
      %dma_start3A_19 = tpu.memref_slice %arg2[%mul3A_2] : memref<320000xi32, #tpu.memory_space<hbm>> -> memref<10000xi32, #tpu.memory_space<hbm>>
      tpu.enqueue_dma source(%dma_start3A_19 : memref<10000xi32, #tpu.memory_space<hbm>>) target(%arg4 : memref<10000xi32, #tpu.memory_space<vmem>>) target_semaphore(%run_scoped3A : memref<!tpu.dma_semaphore, #tpu.memory_space<semaphore_mem>>)
      %dma_wait3A = tpu.memref_slice %arg2[%mul3A_2] : memref<320000xi32, #tpu.memory_space<hbm>> -> memref<10000xi32, #tpu.memory_space<hbm>>
      %dma_wait3A_20 = tpu.memref_slice %arg2[%mul3A_2] : memref<320000xi32, #tpu.memory_space<hbm>> -> memref<10000xi32, #tpu.memory_space<hbm>>
      tpu.wait_dma2 semaphore(%run_scoped3A : memref<!tpu.dma_semaphore, #tpu.memory_space<semaphore_mem>>) src(%dma_wait3A_20 : memref<10000xi32, #tpu.memory_space<hbm>>) dst(%arg4 : memref<10000xi32, #tpu.memory_space<vmem>>)
      tpu.yield
    }) : () -> ()
    %broadcast_in_dim3A = arith.constant 0.000000e+00 : f32
    %broadcast_in_dim3A_3 = vector.broadcast %broadcast_in_dim3A : f32 to vector<16xf32>
    %scan3A = arith.constant 0 : i32
    %scan3A_4 = arith.constant 0 : i32
    %scan3A_5 = arith.constant 625 : i32
    %scan3A_6 = arith.addi %scan3A_4, %scan3A_5 : i32
    %scan3A_7 = arith.constant 1 : i32
    %scan3A_8 = scf.for %scan3A_19 = %scan3A_4 to %scan3A_6 step %scan3A_7 iter_args(%scan3A_20 = %scan3A) -> (i32)  : i32 {
      %mul3A_21 = arith.constant 16 : i32
      %mul3A_22 = arith.muli %scan3A_19, %mul3A_21 : i32
      %swap3A = arith.index_cast %mul3A_22 : i32 to index
      %swap3A_23 = tpu.vector_load %arg5[%swap3A] {strides = array<i32>} : memref<10000xf32, #tpu.memory_space<vmem>>, vector<16xf32>,
      tpu.vector_store %arg5[%swap3A], %broadcast_in_dim3A_3 {strides = array<i32>} : memref<10000xf32, #tpu.memory_space<vmem>>, vector<16xf32>,
      %scan3A_24 = arith.constant 0 : i32
      scf.yield %scan3A_24 : i32
    }
    %scan3A_9 = arith.constant 625 : i32
    %broadcast_in_dim3A_10 = arith.constant 1.000000e+00 : f32
    %broadcast_in_dim3A_11 = vector.broadcast %broadcast_in_dim3A_10 : f32 to vector<16xf32>
    %scan3A_12 = arith.constant 0 : i32
    %scan3A_13 = arith.constant 0 : i32
    %scan3A_14 = arith.constant 625 : i32
    %scan3A_15 = arith.addi %scan3A_13, %scan3A_14 : i32
    %scan3A_16 = arith.constant 1 : i32
    %scan3A_17 = scf.for %scan3A_19 = %scan3A_13 to %scan3A_15 step %scan3A_16 iter_args(%scan3A_20 = %scan3A_12) -> (i32)  : i32 {
      %mul3A_21 = arith.constant 16 : i32
      %mul3A_22 = arith.muli %scan3A_19, %mul3A_21 : i32
      %get3A = arith.index_cast %mul3A_22 : i32 to index
      %get3A_23 = tpu.vector_load %arg4[%get3A] {strides = array<i32>} : memref<10000xi32, #tpu.memory_space<vmem>>, vector<16xi32>,
      tpu.vector_store_idx %arg5[%get3A_23], %broadcast_in_dim3A_11 {add = true} : memref<10000xf32, #tpu.memory_space<vmem>>[vector<16xi32>], vector<16xf32>,
      %scan3A_24 = arith.constant 0 : i32
      scf.yield %scan3A_24 : i32
    }
    %scan3A_18 = arith.constant 625 : i32
    "tpu.region"() ({
      %run_scoped3A = tpu.sem_alloc : memref<!tpu.dma_semaphore, #tpu.memory_space<semaphore_mem>>
      %dma_start3A = arith.constant 0 : i32
      %dma_start3A_19 = tpu.memref_slice %arg3[%add3A, %dma_start3A] : memref<32x10000xf32, #tpu.memory_space<hbm>> -> memref<1x10000xf32, #tpu.memory_space<hbm>>
      %dma_start3A_20 = tpu.memref_squeeze %dma_start3A_19 : memref<1x10000xf32, #tpu.memory_space<hbm>> -> memref<10000xf32, #tpu.memory_space<hbm>>
      %dma_start3A_21 = arith.constant 0 : i32
      %dma_start3A_22 = tpu.memref_slice %arg3[%add3A, %dma_start3A_21] : memref<32x10000xf32, #tpu.memory_space<hbm>> -> memref<1x10000xf32, #tpu.memory_space<hbm>>
      %dma_start3A_23 = tpu.memref_squeeze %dma_start3A_22 : memref<1x10000xf32, #tpu.memory_space<hbm>> -> memref<10000xf32, #tpu.memory_space<hbm>>
      tpu.enqueue_dma source(%arg5 : memref<10000xf32, #tpu.memory_space<vmem>>) target(%dma_start3A_23 : memref<10000xf32, #tpu.memory_space<hbm>>) target_semaphore(%run_scoped3A : memref<!tpu.dma_semaphore, #tpu.memory_space<semaphore_mem>>)
      %dma_wait3A = arith.constant 0 : i32
      %dma_wait3A_24 = tpu.memref_slice %arg3[%add3A, %dma_wait3A] : memref<32x10000xf32, #tpu.memory_space<hbm>> -> memref<1x10000xf32, #tpu.memory_space<hbm>>
      %dma_wait3A_25 = tpu.memref_squeeze %dma_wait3A_24 : memref<1x10000xf32, #tpu.memory_space<hbm>> -> memref<10000xf32, #tpu.memory_space<hbm>>
      %dma_wait3A_26 = arith.constant 0 : i32
      %dma_wait3A_27 = tpu.memref_slice %arg3[%add3A, %dma_wait3A_26] : memref<32x10000xf32, #tpu.memory_space<hbm>> -> memref<1x10000xf32, #tpu.memory_space<hbm>>
      %dma_wait3A_28 = tpu.memref_squeeze %dma_wait3A_27 : memref<1x10000xf32, #tpu.memory_space<hbm>> -> memref<10000xf32, #tpu.memory_space<hbm>>
      tpu.wait_dma2 semaphore(%run_scoped3A : memref<!tpu.dma_semaphore, #tpu.memory_space<semaphore_mem>>) src(%arg5 : memref<10000xf32, #tpu.memory_space<vmem>>) dst(%dma_wait3A_28 : memref<10000xf32, #tpu.memory_space<hbm>>)
      tpu.yield
    }) : () -> ()
    return
  }
}

#map = affine_map<(d0, d1) -> (0, 0)>
#map1 = affine_map<(d0, d1) -> (0, 0, 0)>
module attributes {stable_mosaic.version = 14 : i64} {
  func.func @agg_kernel(%arg0: i32, %arg1: i32, %arg2: memref<10000x128xf32, #tpu.memory_space<hbm>>, %arg3: memref<32x15120xi32, #tpu.memory_space<hbm>>, %arg4: memref<32x15120xi32, #tpu.memory_space<hbm>>, %arg5: memref<10112x128xf32, #tpu.memory_space<hbm>>, %arg6: memref<2x10112x128xf32, #tpu.memory_space<hbm>>, %arg7: memref<15120xi32, #tpu.memory_space<vmem>>, %arg8: memref<15120xi32, #tpu.memory_space<vmem>>, %arg9: memref<3x48x128xf32, #tpu.memory_space<vmem>>, %arg10: memref<10112x128xf32, #tpu.memory_space<vmem_shared>>, %arg11: memref<3x!tpu.dma_semaphore, #tpu.memory_space<semaphore_mem>>, %arg12: memref<3x!tpu.dma_semaphore, #tpu.memory_space<semaphore_mem>>) attributes {dimension_semantics = [#tpu.dimension_semantics<core_parallel>, #tpu.dimension_semantics<subcore_parallel>], iteration_bounds = array<i64: 2, 16>, scalar_prefetch = 0 : i64, scratch_operands = 6 : i64, tpu.core_type = #tpu.core_type<sc_vector_subcore>, window_params = [{transform_indices = #map}, {transform_indices = #map}, {transform_indices = #map}, {transform_indices = #map}, {transform_indices = #map1}]} {
    %mul3A = arith.constant 2 : i32
    %mul3A_0 = arith.muli %arg1, %mul3A : i32
    %add3A = arith.addi %mul3A_0, %arg0 : i32
    %eq3A = arith.constant 0 : i32
    %eq3A_1 = arith.cmpi eq, %arg0, %eq3A : i32
    %jit3A = arith.constant 105 : i32
    %jit3A_2 = arith.constant 35 : i32
    %select_n3A = arith.select %eq3A_1, %jit3A, %jit3A_2 : i32
    "tpu.region"() ({
      %run_scoped3A = tpu.sem_alloc : memref<!tpu.dma_semaphore, #tpu.memory_space<semaphore_mem>>
      %dma_start3A_61 = arith.constant 0 : i32
      %dma_start3A_62 = tpu.memref_slice %arg3[%add3A, %dma_start3A_61] : memref<32x15120xi32, #tpu.memory_space<hbm>> -> memref<1x15120xi32, #tpu.memory_space<hbm>>
      %dma_start3A_63 = tpu.memref_squeeze %dma_start3A_62 : memref<1x15120xi32, #tpu.memory_space<hbm>> -> memref<15120xi32, #tpu.memory_space<hbm>>
      %dma_start3A_64 = arith.constant 0 : i32
      %dma_start3A_65 = tpu.memref_slice %arg3[%add3A, %dma_start3A_64] : memref<32x15120xi32, #tpu.memory_space<hbm>> -> memref<1x15120xi32, #tpu.memory_space<hbm>>
      %dma_start3A_66 = tpu.memref_squeeze %dma_start3A_65 : memref<1x15120xi32, #tpu.memory_space<hbm>> -> memref<15120xi32, #tpu.memory_space<hbm>>
      tpu.enqueue_dma source(%dma_start3A_66 : memref<15120xi32, #tpu.memory_space<hbm>>) target(%arg7 : memref<15120xi32, #tpu.memory_space<vmem>>) target_semaphore(%run_scoped3A : memref<!tpu.dma_semaphore, #tpu.memory_space<semaphore_mem>>)
      %dma_wait3A = arith.constant 0 : i32
      %dma_wait3A_67 = tpu.memref_slice %arg3[%add3A, %dma_wait3A] : memref<32x15120xi32, #tpu.memory_space<hbm>> -> memref<1x15120xi32, #tpu.memory_space<hbm>>
      %dma_wait3A_68 = tpu.memref_squeeze %dma_wait3A_67 : memref<1x15120xi32, #tpu.memory_space<hbm>> -> memref<15120xi32, #tpu.memory_space<hbm>>
      %dma_wait3A_69 = arith.constant 0 : i32
      %dma_wait3A_70 = tpu.memref_slice %arg3[%add3A, %dma_wait3A_69] : memref<32x15120xi32, #tpu.memory_space<hbm>> -> memref<1x15120xi32, #tpu.memory_space<hbm>>
      %dma_wait3A_71 = tpu.memref_squeeze %dma_wait3A_70 : memref<1x15120xi32, #tpu.memory_space<hbm>> -> memref<15120xi32, #tpu.memory_space<hbm>>
      tpu.wait_dma2 semaphore(%run_scoped3A : memref<!tpu.dma_semaphore, #tpu.memory_space<semaphore_mem>>) src(%dma_wait3A_71 : memref<15120xi32, #tpu.memory_space<hbm>>) dst(%arg7 : memref<15120xi32, #tpu.memory_space<vmem>>)
      tpu.yield
    }) : () -> ()
    "tpu.region"() ({
      %run_scoped3A = tpu.sem_alloc : memref<!tpu.dma_semaphore, #tpu.memory_space<semaphore_mem>>
      %dma_start3A_61 = arith.constant 0 : i32
      %dma_start3A_62 = tpu.memref_slice %arg4[%add3A, %dma_start3A_61] : memref<32x15120xi32, #tpu.memory_space<hbm>> -> memref<1x15120xi32, #tpu.memory_space<hbm>>
      %dma_start3A_63 = tpu.memref_squeeze %dma_start3A_62 : memref<1x15120xi32, #tpu.memory_space<hbm>> -> memref<15120xi32, #tpu.memory_space<hbm>>
      %dma_start3A_64 = arith.constant 0 : i32
      %dma_start3A_65 = tpu.memref_slice %arg4[%add3A, %dma_start3A_64] : memref<32x15120xi32, #tpu.memory_space<hbm>> -> memref<1x15120xi32, #tpu.memory_space<hbm>>
      %dma_start3A_66 = tpu.memref_squeeze %dma_start3A_65 : memref<1x15120xi32, #tpu.memory_space<hbm>> -> memref<15120xi32, #tpu.memory_space<hbm>>
      tpu.enqueue_dma source(%dma_start3A_66 : memref<15120xi32, #tpu.memory_space<hbm>>) target(%arg8 : memref<15120xi32, #tpu.memory_space<vmem>>) target_semaphore(%run_scoped3A : memref<!tpu.dma_semaphore, #tpu.memory_space<semaphore_mem>>)
      %dma_wait3A = arith.constant 0 : i32
      %dma_wait3A_67 = tpu.memref_slice %arg4[%add3A, %dma_wait3A] : memref<32x15120xi32, #tpu.memory_space<hbm>> -> memref<1x15120xi32, #tpu.memory_space<hbm>>
      %dma_wait3A_68 = tpu.memref_squeeze %dma_wait3A_67 : memref<1x15120xi32, #tpu.memory_space<hbm>> -> memref<15120xi32, #tpu.memory_space<hbm>>
      %dma_wait3A_69 = arith.constant 0 : i32
      %dma_wait3A_70 = tpu.memref_slice %arg4[%add3A, %dma_wait3A_69] : memref<32x15120xi32, #tpu.memory_space<hbm>> -> memref<1x15120xi32, #tpu.memory_space<hbm>>
      %dma_wait3A_71 = tpu.memref_squeeze %dma_wait3A_70 : memref<1x15120xi32, #tpu.memory_space<hbm>> -> memref<15120xi32, #tpu.memory_space<hbm>>
      tpu.wait_dma2 semaphore(%run_scoped3A : memref<!tpu.dma_semaphore, #tpu.memory_space<semaphore_mem>>) src(%dma_wait3A_71 : memref<15120xi32, #tpu.memory_space<hbm>>) dst(%arg8 : memref<15120xi32, #tpu.memory_space<vmem>>)
      tpu.yield
    }) : () -> ()
    %mul3A_3 = arith.constant 632 : i32
    %mul3A_4 = arith.muli %arg1, %mul3A_3 : i32
    %mul3A_5 = arith.constant 632 : i32
    %mul3A_6 = arith.muli %arg1, %mul3A_5 : i32
    "tpu.region"() ({
      %run_scoped3A = tpu.sem_alloc : memref<!tpu.dma_semaphore, #tpu.memory_space<semaphore_mem>>
      %dma_start3A_61 = arith.constant 0 : i32
      %dma_start3A_62 = tpu.memref_slice %arg10[%mul3A_6, %dma_start3A_61] : memref<10112x128xf32, #tpu.memory_space<vmem_shared>> -> memref<632x128xf32, #tpu.memory_space<vmem_shared>>
      %dma_start3A_63 = arith.constant 0 : i32
      %dma_start3A_64 = tpu.memref_slice %arg5[%mul3A_4, %dma_start3A_63] : memref<10112x128xf32, #tpu.memory_space<hbm>> -> memref<632x128xf32, #tpu.memory_space<hbm>>
      tpu.enqueue_dma source(%dma_start3A_64 : memref<632x128xf32, #tpu.memory_space<hbm>>) target(%dma_start3A_62 : memref<632x128xf32, #tpu.memory_space<vmem_shared>>) target_semaphore(%run_scoped3A : memref<!tpu.dma_semaphore, #tpu.memory_space<semaphore_mem>>)
      %dma_wait3A = arith.constant 0 : i32
      %dma_wait3A_65 = tpu.memref_slice %arg10[%mul3A_6, %dma_wait3A] : memref<10112x128xf32, #tpu.memory_space<vmem_shared>> -> memref<632x128xf32, #tpu.memory_space<vmem_shared>>
      %dma_wait3A_66 = arith.constant 0 : i32
      %dma_wait3A_67 = tpu.memref_slice %arg5[%mul3A_4, %dma_wait3A_66] : memref<10112x128xf32, #tpu.memory_space<hbm>> -> memref<632x128xf32, #tpu.memory_space<hbm>>
      tpu.wait_dma2 semaphore(%run_scoped3A : memref<!tpu.dma_semaphore, #tpu.memory_space<semaphore_mem>>) src(%dma_wait3A_67 : memref<632x128xf32, #tpu.memory_space<hbm>>) dst(%dma_wait3A_65 : memref<632x128xf32, #tpu.memory_space<vmem_shared>>)
      tpu.yield
    }) : () -> ()
    %barrier3A = arith.constant 0 : index
    tpu.barrier barrier_id(%barrier3A)
    %dma_start3A = arith.constant 0 : i32
    %dma_start3A_7 = arith.constant 0 : i32
    %dma_start3A_8 = arith.constant 0 : i32
    %dma_start3A_9 = arith.constant 0 : i32
    %dma_start3A_10 = tpu.memref_slice %arg9[%dma_start3A, %dma_start3A_8, %dma_start3A_9] : memref<3x48x128xf32, #tpu.memory_space<vmem>> -> memref<1x48x128xf32, #tpu.memory_space<vmem>>
    %dma_start3A_11 = tpu.memref_squeeze %dma_start3A_10 : memref<1x48x128xf32, #tpu.memory_space<vmem>> -> memref<48x128xf32, #tpu.memory_space<vmem>>
    %dma_start3A_12 = arith.constant 0 : i32
    %dma_start3A_13 = tpu.memref_slice %arg7[%dma_start3A_12] : memref<15120xi32, #tpu.memory_space<vmem>> -> memref<48xi32, #tpu.memory_space<vmem>>
    %dma_start3A_14 = arith.constant 0 : i32
    %dma_start3A_15 = arith.constant 0 : i32
    %dma_start3A_16 = tpu.memref_slice %arg2[%dma_start3A_14, %dma_start3A_15] : memref<10000x128xf32, #tpu.memory_space<hbm>> -> memref<10000x128xf32, #tpu.memory_space<hbm>>
    %dma_start3A_17 = tpu.memref_slice %arg11[%dma_start3A_7] : memref<3x!tpu.dma_semaphore, #tpu.memory_space<semaphore_mem>> -> memref<1x!tpu.dma_semaphore, #tpu.memory_space<semaphore_mem>>
    %dma_start3A_18 = tpu.memref_squeeze %dma_start3A_17 : memref<1x!tpu.dma_semaphore, #tpu.memory_space<semaphore_mem>> -> memref<!tpu.dma_semaphore, #tpu.memory_space<semaphore_mem>>
    tpu.enqueue_indirect_dma source(%dma_start3A_16 : memref<10000x128xf32, #tpu.memory_space<hbm>>) target(%dma_start3A_11 : memref<48x128xf32, #tpu.memory_space<vmem>>) offsets(%dma_start3A_13 : memref<48xi32, #tpu.memory_space<vmem>>) semaphore(%dma_start3A_18 : memref<!tpu.dma_semaphore, #tpu.memory_space<semaphore_mem>>)
    %dma_start3A_19 = arith.constant 1 : i32
    %dma_start3A_20 = arith.constant 1 : i32
    %dma_start3A_21 = arith.constant 0 : i32
    %dma_start3A_22 = arith.constant 0 : i32
    %dma_start3A_23 = tpu.memref_slice %arg9[%dma_start3A_19, %dma_start3A_21, %dma_start3A_22] : memref<3x48x128xf32, #tpu.memory_space<vmem>> -> memref<1x48x128xf32, #tpu.memory_space<vmem>>
    %dma_start3A_24 = tpu.memref_squeeze %dma_start3A_23 : memref<1x48x128xf32, #tpu.memory_space<vmem>> -> memref<48x128xf32, #tpu.memory_space<vmem>>
    %dma_start3A_25 = arith.constant 48 : i32
    %dma_start3A_26 = tpu.memref_slice %arg7[%dma_start3A_25] : memref<15120xi32, #tpu.memory_space<vmem>> -> memref<48xi32, #tpu.memory_space<vmem>>
    %dma_start3A_27 = arith.constant 0 : i32
    %dma_start3A_28 = arith.constant 0 : i32
    %dma_start3A_29 = tpu.memref_slice %arg2[%dma_start3A_27, %dma_start3A_28] : memref<10000x128xf32, #tpu.memory_space<hbm>> -> memref<10000x128xf32, #tpu.memory_space<hbm>>
    %dma_start3A_30 = tpu.memref_slice %arg11[%dma_start3A_20] : memref<3x!tpu.dma_semaphore, #tpu.memory_space<semaphore_mem>> -> memref<1x!tpu.dma_semaphore, #tpu.memory_space<semaphore_mem>>
    %dma_start3A_31 = tpu.memref_squeeze %dma_start3A_30 : memref<1x!tpu.dma_semaphore, #tpu.memory_space<semaphore_mem>> -> memref<!tpu.dma_semaphore, #tpu.memory_space<semaphore_mem>>
    tpu.enqueue_indirect_dma source(%dma_start3A_29 : memref<10000x128xf32, #tpu.memory_space<hbm>>) target(%dma_start3A_24 : memref<48x128xf32, #tpu.memory_space<vmem>>) offsets(%dma_start3A_26 : memref<48xi32, #tpu.memory_space<vmem>>) semaphore(%dma_start3A_31 : memref<!tpu.dma_semaphore, #tpu.memory_space<semaphore_mem>>)
    %dma_start3A_32 = arith.constant 2 : i32
    %dma_start3A_33 = arith.constant 2 : i32
    %dma_start3A_34 = arith.constant 0 : i32
    %dma_start3A_35 = arith.constant 0 : i32
    %dma_start3A_36 = tpu.memref_slice %arg9[%dma_start3A_32, %dma_start3A_34, %dma_start3A_35] : memref<3x48x128xf32, #tpu.memory_space<vmem>> -> memref<1x48x128xf32, #tpu.memory_space<vmem>>
    %dma_start3A_37 = tpu.memref_squeeze %dma_start3A_36 : memref<1x48x128xf32, #tpu.memory_space<vmem>> -> memref<48x128xf32, #tpu.memory_space<vmem>>
    %dma_start3A_38 = arith.constant 96 : i32
    %dma_start3A_39 = tpu.memref_slice %arg7[%dma_start3A_38] : memref<15120xi32, #tpu.memory_space<vmem>> -> memref<48xi32, #tpu.memory_space<vmem>>
    %dma_start3A_40 = arith.constant 0 : i32
    %dma_start3A_41 = arith.constant 0 : i32
    %dma_start3A_42 = tpu.memref_slice %arg2[%dma_start3A_40, %dma_start3A_41] : memref<10000x128xf32, #tpu.memory_space<hbm>> -> memref<10000x128xf32, #tpu.memory_space<hbm>>
    %dma_start3A_43 = tpu.memref_slice %arg11[%dma_start3A_33] : memref<3x!tpu.dma_semaphore, #tpu.memory_space<semaphore_mem>> -> memref<1x!tpu.dma_semaphore, #tpu.memory_space<semaphore_mem>>
    %dma_start3A_44 = tpu.memref_squeeze %dma_start3A_43 : memref<1x!tpu.dma_semaphore, #tpu.memory_space<semaphore_mem>> -> memref<!tpu.dma_semaphore, #tpu.memory_space<semaphore_mem>>
    tpu.enqueue_indirect_dma source(%dma_start3A_42 : memref<10000x128xf32, #tpu.memory_space<hbm>>) target(%dma_start3A_37 : memref<48x128xf32, #tpu.memory_space<vmem>>) offsets(%dma_start3A_39 : memref<48xi32, #tpu.memory_space<vmem>>) semaphore(%dma_start3A_44 : memref<!tpu.dma_semaphore, #tpu.memory_space<semaphore_mem>>)
    %while3A = arith.constant 0 : i32
    %while3A_45 = arith.constant 0 : i32
    %while3A_46 = arith.subi %select_n3A, %while3A : i32
    %while3A_47 = arith.addi %while3A, %while3A_46 : i32
    %while3A_48 = arith.constant 1 : i32
    %while3A_49 = arith.divsi %while3A_46, %while3A_48 : i32
    %while3A_50 = arith.muli %while3A_49, %while3A_48 : i32
    %while3A_51 = arith.addi %while3A, %while3A_50 : i32
    %while3A_52 = arith.constant 1 : i32
    %while3A_53 = scf.for %while3A_61 = %while3A to %while3A_51 step %while3A_52 iter_args(%while3A_62 = %while3A_45) -> (i32)  : i32 {
      %mul3A_63 = arith.constant 3 : i32
      %mul3A_64 = arith.muli %while3A_61, %mul3A_63 : i32
      %add3A_65 = arith.constant 0 : i32
      %add3A_66 = arith.addi %mul3A_64, %add3A_65 : i32
      %dma_wait3A = arith.constant 0 : i32
      %dma_wait3A_67 = arith.constant 0 : i32
      %dma_wait3A_68 = arith.constant 0 : i32
      %dma_wait3A_69 = arith.constant 0 : i32
      %dma_wait3A_70 = tpu.memref_slice %arg9[%dma_wait3A, %dma_wait3A_68, %dma_wait3A_69] : memref<3x48x128xf32, #tpu.memory_space<vmem>> -> memref<1x48x128xf32, #tpu.memory_space<vmem>>
      %dma_wait3A_71 = tpu.memref_squeeze %dma_wait3A_70 : memref<1x48x128xf32, #tpu.memory_space<vmem>> -> memref<48x128xf32, #tpu.memory_space<vmem>>
      %dma_wait3A_72 = arith.constant 0 : i32
      %dma_wait3A_73 = arith.constant 0 : i32
      %dma_wait3A_74 = tpu.memref_slice %arg2[%dma_wait3A_72, %dma_wait3A_73] : memref<10000x128xf32, #tpu.memory_space<hbm>> -> memref<48x128xf32, #tpu.memory_space<hbm>>
      %dma_wait3A_75 = tpu.memref_slice %arg11[%dma_wait3A_67] : memref<3x!tpu.dma_semaphore, #tpu.memory_space<semaphore_mem>> -> memref<1x!tpu.dma_semaphore, #tpu.memory_space<semaphore_mem>>
      %dma_wait3A_76 = tpu.memref_squeeze %dma_wait3A_75 : memref<1x!tpu.dma_semaphore, #tpu.memory_space<semaphore_mem>> -> memref<!tpu.dma_semaphore, #tpu.memory_space<semaphore_mem>>
      %dma_wait3A_77 = arith.constant 0 : i32
      %dma_wait3A_78 = arith.constant 0 : i32
      %dma_wait3A_79 = tpu.memref_slice %arg9[%dma_wait3A, %dma_wait3A_77, %dma_wait3A_78] : memref<3x48x128xf32, #tpu.memory_space<vmem>> -> memref<1x48x128xf32, #tpu.memory_space<vmem>>
      %dma_wait3A_80 = tpu.memref_squeeze %dma_wait3A_79 : memref<1x48x128xf32, #tpu.memory_space<vmem>> -> memref<48x128xf32, #tpu.memory_space<vmem>>
      %dma_wait3A_81 = arith.constant 0 : i32
      %dma_wait3A_82 = arith.constant 0 : i32
      %dma_wait3A_83 = tpu.memref_slice %arg2[%dma_wait3A_81, %dma_wait3A_82] : memref<10000x128xf32, #tpu.memory_space<hbm>> -> memref<48x128xf32, #tpu.memory_space<hbm>>
      tpu.wait_dma2 semaphore(%dma_wait3A_76 : memref<!tpu.dma_semaphore, #tpu.memory_space<semaphore_mem>>) src(%dma_wait3A_83 : memref<48x128xf32, #tpu.memory_space<hbm>>) dst(%dma_wait3A_80 : memref<48x128xf32, #tpu.memory_space<vmem>>)
      %mul3A_84 = arith.constant 48 : i32
      %mul3A_85 = arith.muli %add3A_66, %mul3A_84 : i32
      %dma_start3A_86 = arith.constant 0 : i32
      %dma_start3A_87 = arith.constant 0 : i32
      %dma_start3A_88 = arith.constant 0 : i32
      %dma_start3A_89 = arith.constant 0 : i32
      %dma_start3A_90 = tpu.memref_slice %arg9[%dma_start3A_86, %dma_start3A_88, %dma_start3A_89] : memref<3x48x128xf32, #tpu.memory_space<vmem>> -> memref<1x48x128xf32, #tpu.memory_space<vmem>>
      %dma_start3A_91 = tpu.memref_squeeze %dma_start3A_90 : memref<1x48x128xf32, #tpu.memory_space<vmem>> -> memref<48x128xf32, #tpu.memory_space<vmem>>
      %dma_start3A_92 = tpu.memref_slice %arg8[%mul3A_85] : memref<15120xi32, #tpu.memory_space<vmem>> -> memref<48xi32, #tpu.memory_space<vmem>>
      %dma_start3A_93 = arith.constant 0 : i32
      %dma_start3A_94 = arith.constant 0 : i32
      %dma_start3A_95 = tpu.memref_slice %arg10[%dma_start3A_93, %dma_start3A_94] : memref<10112x128xf32, #tpu.memory_space<vmem_shared>> -> memref<10112x128xf32, #tpu.memory_space<vmem_shared>>
      %dma_start3A_96 = tpu.memref_slice %arg12[%dma_start3A_87] : memref<3x!tpu.dma_semaphore, #tpu.memory_space<semaphore_mem>> -> memref<1x!tpu.dma_semaphore, #tpu.memory_space<semaphore_mem>>
      %dma_start3A_97 = tpu.memref_squeeze %dma_start3A_96 : memref<1x!tpu.dma_semaphore, #tpu.memory_space<semaphore_mem>> -> memref<!tpu.dma_semaphore, #tpu.memory_space<semaphore_mem>>
      tpu.enqueue_indirect_dma source(%dma_start3A_91 : memref<48x128xf32, #tpu.memory_space<vmem>>) target(%dma_start3A_95 : memref<10112x128xf32, #tpu.memory_space<vmem_shared>>) offsets(%dma_start3A_92 : memref<48xi32, #tpu.memory_space<vmem>>) semaphore(%dma_start3A_97 : memref<!tpu.dma_semaphore, #tpu.memory_space<semaphore_mem>>) {add = true}
      %mul3A_98 = arith.constant 3 : i32
      %mul3A_99 = arith.muli %while3A_61, %mul3A_98 : i32
      %add3A_100 = arith.constant 1 : i32
      %add3A_101 = arith.addi %mul3A_99, %add3A_100 : i32
      %dma_wait3A_102 = arith.constant 1 : i32
      %dma_wait3A_103 = arith.constant 1 : i32
      %dma_wait3A_104 = arith.constant 0 : i32
      %dma_wait3A_105 = arith.constant 0 : i32
      %dma_wait3A_106 = tpu.memref_slice %arg9[%dma_wait3A_102, %dma_wait3A_104, %dma_wait3A_105] : memref<3x48x128xf32, #tpu.memory_space<vmem>> -> memref<1x48x128xf32, #tpu.memory_space<vmem>>
      %dma_wait3A_107 = tpu.memref_squeeze %dma_wait3A_106 : memref<1x48x128xf32, #tpu.memory_space<vmem>> -> memref<48x128xf32, #tpu.memory_space<vmem>>
      %dma_wait3A_108 = arith.constant 0 : i32
      %dma_wait3A_109 = arith.constant 0 : i32
      %dma_wait3A_110 = tpu.memref_slice %arg2[%dma_wait3A_108, %dma_wait3A_109] : memref<10000x128xf32, #tpu.memory_space<hbm>> -> memref<48x128xf32, #tpu.memory_space<hbm>>
      %dma_wait3A_111 = tpu.memref_slice %arg11[%dma_wait3A_103] : memref<3x!tpu.dma_semaphore, #tpu.memory_space<semaphore_mem>> -> memref<1x!tpu.dma_semaphore, #tpu.memory_space<semaphore_mem>>
      %dma_wait3A_112 = tpu.memref_squeeze %dma_wait3A_111 : memref<1x!tpu.dma_semaphore, #tpu.memory_space<semaphore_mem>> -> memref<!tpu.dma_semaphore, #tpu.memory_space<semaphore_mem>>
      %dma_wait3A_113 = arith.constant 0 : i32
      %dma_wait3A_114 = arith.constant 0 : i32
      %dma_wait3A_115 = tpu.memref_slice %arg9[%dma_wait3A_102, %dma_wait3A_113, %dma_wait3A_114] : memref<3x48x128xf32, #tpu.memory_space<vmem>> -> memref<1x48x128xf32, #tpu.memory_space<vmem>>
      %dma_wait3A_116 = tpu.memref_squeeze %dma_wait3A_115 : memref<1x48x128xf32, #tpu.memory_space<vmem>> -> memref<48x128xf32, #tpu.memory_space<vmem>>
      %dma_wait3A_117 = arith.constant 0 : i32
      %dma_wait3A_118 = arith.constant 0 : i32
      %dma_wait3A_119 = tpu.memref_slice %arg2[%dma_wait3A_117, %dma_wait3A_118] : memref<10000x128xf32, #tpu.memory_space<hbm>> -> memref<48x128xf32, #tpu.memory_space<hbm>>
      tpu.wait_dma2 semaphore(%dma_wait3A_112 : memref<!tpu.dma_semaphore, #tpu.memory_space<semaphore_mem>>) src(%dma_wait3A_119 : memref<48x128xf32, #tpu.memory_space<hbm>>) dst(%dma_wait3A_116 : memref<48x128xf32, #tpu.memory_space<vmem>>)
      %mul3A_120 = arith.constant 48 : i32
      %mul3A_121 = arith.muli %add3A_101, %mul3A_120 : i32
      %dma_start3A_122 = arith.constant 1 : i32
      %dma_start3A_123 = arith.constant 1 : i32
      %dma_start3A_124 = arith.constant 0 : i32
      %dma_start3A_125 = arith.constant 0 : i32
      %dma_start3A_126 = tpu.memref_slice %arg9[%dma_start3A_122, %dma_start3A_124, %dma_start3A_125] : memref<3x48x128xf32, #tpu.memory_space<vmem>> -> memref<1x48x128xf32, #tpu.memory_space<vmem>>
      %dma_start3A_127 = tpu.memref_squeeze %dma_start3A_126 : memref<1x48x128xf32, #tpu.memory_space<vmem>> -> memref<48x128xf32, #tpu.memory_space<vmem>>
      %dma_start3A_128 = tpu.memref_slice %arg8[%mul3A_121] : memref<15120xi32, #tpu.memory_space<vmem>> -> memref<48xi32, #tpu.memory_space<vmem>>
      %dma_start3A_129 = arith.constant 0 : i32
      %dma_start3A_130 = arith.constant 0 : i32
      %dma_start3A_131 = tpu.memref_slice %arg10[%dma_start3A_129, %dma_start3A_130] : memref<10112x128xf32, #tpu.memory_space<vmem_shared>> -> memref<10112x128xf32, #tpu.memory_space<vmem_shared>>
      %dma_start3A_132 = tpu.memref_slice %arg12[%dma_start3A_123] : memref<3x!tpu.dma_semaphore, #tpu.memory_space<semaphore_mem>> -> memref<1x!tpu.dma_semaphore, #tpu.memory_space<semaphore_mem>>
      %dma_start3A_133 = tpu.memref_squeeze %dma_start3A_132 : memref<1x!tpu.dma_semaphore, #tpu.memory_space<semaphore_mem>> -> memref<!tpu.dma_semaphore, #tpu.memory_space<semaphore_mem>>
      tpu.enqueue_indirect_dma source(%dma_start3A_127 : memref<48x128xf32, #tpu.memory_space<vmem>>) target(%dma_start3A_131 : memref<10112x128xf32, #tpu.memory_space<vmem_shared>>) offsets(%dma_start3A_128 : memref<48xi32, #tpu.memory_space<vmem>>) semaphore(%dma_start3A_133 : memref<!tpu.dma_semaphore, #tpu.memory_space<semaphore_mem>>) {add = true}
      %mul3A_134 = arith.constant 3 : i32
      %mul3A_135 = arith.muli %while3A_61, %mul3A_134 : i32
      %add3A_136 = arith.constant 2 : i32
      %add3A_137 = arith.addi %mul3A_135, %add3A_136 : i32
      %dma_wait3A_138 = arith.constant 2 : i32
      %dma_wait3A_139 = arith.constant 2 : i32
      %dma_wait3A_140 = arith.constant 0 : i32
      %dma_wait3A_141 = arith.constant 0 : i32
      %dma_wait3A_142 = tpu.memref_slice %arg9[%dma_wait3A_138, %dma_wait3A_140, %dma_wait3A_141] : memref<3x48x128xf32, #tpu.memory_space<vmem>> -> memref<1x48x128xf32, #tpu.memory_space<vmem>>
      %dma_wait3A_143 = tpu.memref_squeeze %dma_wait3A_142 : memref<1x48x128xf32, #tpu.memory_space<vmem>> -> memref<48x128xf32, #tpu.memory_space<vmem>>
      %dma_wait3A_144 = arith.constant 0 : i32
      %dma_wait3A_145 = arith.constant 0 : i32
      %dma_wait3A_146 = tpu.memref_slice %arg2[%dma_wait3A_144, %dma_wait3A_145] : memref<10000x128xf32, #tpu.memory_space<hbm>> -> memref<48x128xf32, #tpu.memory_space<hbm>>
      %dma_wait3A_147 = tpu.memref_slice %arg11[%dma_wait3A_139] : memref<3x!tpu.dma_semaphore, #tpu.memory_space<semaphore_mem>> -> memref<1x!tpu.dma_semaphore, #tpu.memory_space<semaphore_mem>>
      %dma_wait3A_148 = tpu.memref_squeeze %dma_wait3A_147 : memref<1x!tpu.dma_semaphore, #tpu.memory_space<semaphore_mem>> -> memref<!tpu.dma_semaphore, #tpu.memory_space<semaphore_mem>>
      %dma_wait3A_149 = arith.constant 0 : i32
      %dma_wait3A_150 = arith.constant 0 : i32
      %dma_wait3A_151 = tpu.memref_slice %arg9[%dma_wait3A_138, %dma_wait3A_149, %dma_wait3A_150] : memref<3x48x128xf32, #tpu.memory_space<vmem>> -> memref<1x48x128xf32, #tpu.memory_space<vmem>>
      %dma_wait3A_152 = tpu.memref_squeeze %dma_wait3A_151 : memref<1x48x128xf32, #tpu.memory_space<vmem>> -> memref<48x128xf32, #tpu.memory_space<vmem>>
      %dma_wait3A_153 = arith.constant 0 : i32
      %dma_wait3A_154 = arith.constant 0 : i32
      %dma_wait3A_155 = tpu.memref_slice %arg2[%dma_wait3A_153, %dma_wait3A_154] : memref<10000x128xf32, #tpu.memory_space<hbm>> -> memref<48x128xf32, #tpu.memory_space<hbm>>
      tpu.wait_dma2 semaphore(%dma_wait3A_148 : memref<!tpu.dma_semaphore, #tpu.memory_space<semaphore_mem>>) src(%dma_wait3A_155 : memref<48x128xf32, #tpu.memory_space<hbm>>) dst(%dma_wait3A_152 : memref<48x128xf32, #tpu.memory_space<vmem>>)
      %mul3A_156 = arith.constant 48 : i32
      %mul3A_157 = arith.muli %add3A_137, %mul3A_156 : i32
      %dma_start3A_158 = arith.constant 2 : i32
      %dma_start3A_159 = arith.constant 2 : i32
      %dma_start3A_160 = arith.constant 0 : i32
      %dma_start3A_161 = arith.constant 0 : i32
      %dma_start3A_162 = tpu.memref_slice %arg9[%dma_start3A_158, %dma_start3A_160, %dma_start3A_161] : memref<3x48x128xf32, #tpu.memory_space<vmem>> -> memref<1x48x128xf32, #tpu.memory_space<vmem>>
      %dma_start3A_163 = tpu.memref_squeeze %dma_start3A_162 : memref<1x48x128xf32, #tpu.memory_space<vmem>> -> memref<48x128xf32, #tpu.memory_space<vmem>>
      %dma_start3A_164 = tpu.memref_slice %arg8[%mul3A_157] : memref<15120xi32, #tpu.memory_space<vmem>> -> memref<48xi32, #tpu.memory_space<vmem>>
      %dma_start3A_165 = arith.constant 0 : i32
      %dma_start3A_166 = arith.constant 0 : i32
      %dma_start3A_167 = tpu.memref_slice %arg10[%dma_start3A_165, %dma_start3A_166] : memref<10112x128xf32, #tpu.memory_space<vmem_shared>> -> memref<10112x128xf32, #tpu.memory_space<vmem_shared>>
      %dma_start3A_168 = tpu.memref_slice %arg12[%dma_start3A_159] : memref<3x!tpu.dma_semaphore, #tpu.memory_space<semaphore_mem>> -> memref<1x!tpu.dma_semaphore, #tpu.memory_space<semaphore_mem>>
      %dma_start3A_169 = tpu.memref_squeeze %dma_start3A_168 : memref<1x!tpu.dma_semaphore, #tpu.memory_space<semaphore_mem>> -> memref<!tpu.dma_semaphore, #tpu.memory_space<semaphore_mem>>
      tpu.enqueue_indirect_dma source(%dma_start3A_163 : memref<48x128xf32, #tpu.memory_space<vmem>>) target(%dma_start3A_167 : memref<10112x128xf32, #tpu.memory_space<vmem_shared>>) offsets(%dma_start3A_164 : memref<48xi32, #tpu.memory_space<vmem>>) semaphore(%dma_start3A_169 : memref<!tpu.dma_semaphore, #tpu.memory_space<semaphore_mem>>) {add = true}
      %dma_wait3A_170 = arith.constant 0 : i32
      %dma_wait3A_171 = arith.constant 0 : i32
      %dma_wait3A_172 = arith.constant 0 : i32
      %dma_wait3A_173 = arith.constant 0 : i32
      %dma_wait3A_174 = tpu.memref_slice %arg9[%dma_wait3A_170, %dma_wait3A_172, %dma_wait3A_173] : memref<3x48x128xf32, #tpu.memory_space<vmem>> -> memref<1x48x128xf32, #tpu.memory_space<vmem>>
      %dma_wait3A_175 = tpu.memref_squeeze %dma_wait3A_174 : memref<1x48x128xf32, #tpu.memory_space<vmem>> -> memref<48x128xf32, #tpu.memory_space<vmem>>
      %dma_wait3A_176 = tpu.memref_slice %arg8[%mul3A_85] : memref<15120xi32, #tpu.memory_space<vmem>> -> memref<48xi32, #tpu.memory_space<vmem>>
      %dma_wait3A_177 = arith.constant 0 : i32
      %dma_wait3A_178 = arith.constant 0 : i32
      %dma_wait3A_179 = tpu.memref_slice %arg10[%dma_wait3A_177, %dma_wait3A_178] : memref<10112x128xf32, #tpu.memory_space<vmem_shared>> -> memref<10112x128xf32, #tpu.memory_space<vmem_shared>>
      %dma_wait3A_180 = tpu.memref_slice %arg12[%dma_wait3A_171] : memref<3x!tpu.dma_semaphore, #tpu.memory_space<semaphore_mem>> -> memref<1x!tpu.dma_semaphore, #tpu.memory_space<semaphore_mem>>
      %dma_wait3A_181 = tpu.memref_squeeze %dma_wait3A_180 : memref<1x!tpu.dma_semaphore, #tpu.memory_space<semaphore_mem>> -> memref<!tpu.dma_semaphore, #tpu.memory_space<semaphore_mem>>
      tpu.wait_indirect_dma semaphore(%dma_wait3A_181 : memref<!tpu.dma_semaphore, #tpu.memory_space<semaphore_mem>>) src(%dma_wait3A_175 : memref<48x128xf32, #tpu.memory_space<vmem>>) dst(%dma_wait3A_179 : memref<10112x128xf32, #tpu.memory_space<vmem_shared>>)
      %sub3A = arith.constant 1 : i32
      %sub3A_182 = arith.subi %select_n3A, %sub3A : i32
      %lt3A = arith.cmpi slt, %while3A_61, %sub3A_182 : i32
      %convert_element_type3A = arith.extui %lt3A : i1 to i32
      %cond3A = arith.constant 0 : i32
      %cond3A_183 = arith.cmpi ne, %convert_element_type3A, %cond3A : i32
      scf.if %cond3A_183 {
        %mul3A_221 = arith.constant 3 : i32
        %mul3A_222 = arith.muli %while3A_61, %mul3A_221 : i32
        %add3A_223 = arith.constant 0 : i32
        %add3A_224 = arith.addi %mul3A_222, %add3A_223 : i32
        %add3A_225 = arith.constant 3 : i32
        %add3A_226 = arith.addi %add3A_224, %add3A_225 : i32
        %mul3A_227 = arith.constant 48 : i32
        %mul3A_228 = arith.muli %add3A_226, %mul3A_227 : i32
        %dma_start3A_229 = arith.constant 0 : i32
        %dma_start3A_230 = arith.constant 0 : i32
        %dma_start3A_231 = arith.constant 0 : i32
        %dma_start3A_232 = arith.constant 0 : i32
        %dma_start3A_233 = tpu.memref_slice %arg9[%dma_start3A_229, %dma_start3A_231, %dma_start3A_232] : memref<3x48x128xf32, #tpu.memory_space<vmem>> -> memref<1x48x128xf32, #tpu.memory_space<vmem>>
        %dma_start3A_234 = tpu.memref_squeeze %dma_start3A_233 : memref<1x48x128xf32, #tpu.memory_space<vmem>> -> memref<48x128xf32, #tpu.memory_space<vmem>>
        %dma_start3A_235 = tpu.memref_slice %arg7[%mul3A_228] : memref<15120xi32, #tpu.memory_space<vmem>> -> memref<48xi32, #tpu.memory_space<vmem>>
        %dma_start3A_236 = arith.constant 0 : i32
        %dma_start3A_237 = arith.constant 0 : i32
        %dma_start3A_238 = tpu.memref_slice %arg2[%dma_start3A_236, %dma_start3A_237] : memref<10000x128xf32, #tpu.memory_space<hbm>> -> memref<10000x128xf32, #tpu.memory_space<hbm>>
        %dma_start3A_239 = tpu.memref_slice %arg11[%dma_start3A_230] : memref<3x!tpu.dma_semaphore, #tpu.memory_space<semaphore_mem>> -> memref<1x!tpu.dma_semaphore, #tpu.memory_space<semaphore_mem>>
        %dma_start3A_240 = tpu.memref_squeeze %dma_start3A_239 : memref<1x!tpu.dma_semaphore, #tpu.memory_space<semaphore_mem>> -> memref<!tpu.dma_semaphore, #tpu.memory_space<semaphore_mem>>
        tpu.enqueue_indirect_dma source(%dma_start3A_238 : memref<10000x128xf32, #tpu.memory_space<hbm>>) target(%dma_start3A_234 : memref<48x128xf32, #tpu.memory_space<vmem>>) offsets(%dma_start3A_235 : memref<48xi32, #tpu.memory_space<vmem>>) semaphore(%dma_start3A_240 : memref<!tpu.dma_semaphore, #tpu.memory_space<semaphore_mem>>)
      } else {
      }
      %dma_wait3A_184 = arith.constant 1 : i32
      %dma_wait3A_185 = arith.constant 1 : i32
      %dma_wait3A_186 = arith.constant 0 : i32
      %dma_wait3A_187 = arith.constant 0 : i32
      %dma_wait3A_188 = tpu.memref_slice %arg9[%dma_wait3A_184, %dma_wait3A_186, %dma_wait3A_187] : memref<3x48x128xf32, #tpu.memory_space<vmem>> -> memref<1x48x128xf32, #tpu.memory_space<vmem>>
      %dma_wait3A_189 = tpu.memref_squeeze %dma_wait3A_188 : memref<1x48x128xf32, #tpu.memory_space<vmem>> -> memref<48x128xf32, #tpu.memory_space<vmem>>
      %dma_wait3A_190 = tpu.memref_slice %arg8[%mul3A_121] : memref<15120xi32, #tpu.memory_space<vmem>> -> memref<48xi32, #tpu.memory_space<vmem>>
      %dma_wait3A_191 = arith.constant 0 : i32
      %dma_wait3A_192 = arith.constant 0 : i32
      %dma_wait3A_193 = tpu.memref_slice %arg10[%dma_wait3A_191, %dma_wait3A_192] : memref<10112x128xf32, #tpu.memory_space<vmem_shared>> -> memref<10112x128xf32, #tpu.memory_space<vmem_shared>>
      %dma_wait3A_194 = tpu.memref_slice %arg12[%dma_wait3A_185] : memref<3x!tpu.dma_semaphore, #tpu.memory_space<semaphore_mem>> -> memref<1x!tpu.dma_semaphore, #tpu.memory_space<semaphore_mem>>
      %dma_wait3A_195 = tpu.memref_squeeze %dma_wait3A_194 : memref<1x!tpu.dma_semaphore, #tpu.memory_space<semaphore_mem>> -> memref<!tpu.dma_semaphore, #tpu.memory_space<semaphore_mem>>
      tpu.wait_indirect_dma semaphore(%dma_wait3A_195 : memref<!tpu.dma_semaphore, #tpu.memory_space<semaphore_mem>>) src(%dma_wait3A_189 : memref<48x128xf32, #tpu.memory_space<vmem>>) dst(%dma_wait3A_193 : memref<10112x128xf32, #tpu.memory_space<vmem_shared>>)
      %sub3A_196 = arith.constant 1 : i32
      %sub3A_197 = arith.subi %select_n3A, %sub3A_196 : i32
      %lt3A_198 = arith.cmpi slt, %while3A_61, %sub3A_197 : i32
      %convert_element_type3A_199 = arith.extui %lt3A_198 : i1 to i32
      %cond3A_200 = arith.constant 0 : i32
      %cond3A_201 = arith.cmpi ne, %convert_element_type3A_199, %cond3A_200 : i32
      scf.if %cond3A_201 {
        %mul3A_221 = arith.constant 3 : i32
        %mul3A_222 = arith.muli %while3A_61, %mul3A_221 : i32
        %add3A_223 = arith.constant 1 : i32
        %add3A_224 = arith.addi %mul3A_222, %add3A_223 : i32
        %add3A_225 = arith.constant 3 : i32
        %add3A_226 = arith.addi %add3A_224, %add3A_225 : i32
        %mul3A_227 = arith.constant 48 : i32
        %mul3A_228 = arith.muli %add3A_226, %mul3A_227 : i32
        %dma_start3A_229 = arith.constant 1 : i32
        %dma_start3A_230 = arith.constant 1 : i32
        %dma_start3A_231 = arith.constant 0 : i32
        %dma_start3A_232 = arith.constant 0 : i32
        %dma_start3A_233 = tpu.memref_slice %arg9[%dma_start3A_229, %dma_start3A_231, %dma_start3A_232] : memref<3x48x128xf32, #tpu.memory_space<vmem>> -> memref<1x48x128xf32, #tpu.memory_space<vmem>>
        %dma_start3A_234 = tpu.memref_squeeze %dma_start3A_233 : memref<1x48x128xf32, #tpu.memory_space<vmem>> -> memref<48x128xf32, #tpu.memory_space<vmem>>
        %dma_start3A_235 = tpu.memref_slice %arg7[%mul3A_228] : memref<15120xi32, #tpu.memory_space<vmem>> -> memref<48xi32, #tpu.memory_space<vmem>>
        %dma_start3A_236 = arith.constant 0 : i32
        %dma_start3A_237 = arith.constant 0 : i32
        %dma_start3A_238 = tpu.memref_slice %arg2[%dma_start3A_236, %dma_start3A_237] : memref<10000x128xf32, #tpu.memory_space<hbm>> -> memref<10000x128xf32, #tpu.memory_space<hbm>>
        %dma_start3A_239 = tpu.memref_slice %arg11[%dma_start3A_230] : memref<3x!tpu.dma_semaphore, #tpu.memory_space<semaphore_mem>> -> memref<1x!tpu.dma_semaphore, #tpu.memory_space<semaphore_mem>>
        %dma_start3A_240 = tpu.memref_squeeze %dma_start3A_239 : memref<1x!tpu.dma_semaphore, #tpu.memory_space<semaphore_mem>> -> memref<!tpu.dma_semaphore, #tpu.memory_space<semaphore_mem>>
        tpu.enqueue_indirect_dma source(%dma_start3A_238 : memref<10000x128xf32, #tpu.memory_space<hbm>>) target(%dma_start3A_234 : memref<48x128xf32, #tpu.memory_space<vmem>>) offsets(%dma_start3A_235 : memref<48xi32, #tpu.memory_space<vmem>>) semaphore(%dma_start3A_240 : memref<!tpu.dma_semaphore, #tpu.memory_space<semaphore_mem>>)
      } else {
      }
      %dma_wait3A_202 = arith.constant 2 : i32
      %dma_wait3A_203 = arith.constant 2 : i32
      %dma_wait3A_204 = arith.constant 0 : i32
      %dma_wait3A_205 = arith.constant 0 : i32
      %dma_wait3A_206 = tpu.memref_slice %arg9[%dma_wait3A_202, %dma_wait3A_204, %dma_wait3A_205] : memref<3x48x128xf32, #tpu.memory_space<vmem>> -> memref<1x48x128xf32, #tpu.memory_space<vmem>>
      %dma_wait3A_207 = tpu.memref_squeeze %dma_wait3A_206 : memref<1x48x128xf32, #tpu.memory_space<vmem>> -> memref<48x128xf32, #tpu.memory_space<vmem>>
      %dma_wait3A_208 = tpu.memref_slice %arg8[%mul3A_157] : memref<15120xi32, #tpu.memory_space<vmem>> -> memref<48xi32, #tpu.memory_space<vmem>>
      %dma_wait3A_209 = arith.constant 0 : i32
      %dma_wait3A_210 = arith.constant 0 : i32
      %dma_wait3A_211 = tpu.memref_slice %arg10[%dma_wait3A_209, %dma_wait3A_210] : memref<10112x128xf32, #tpu.memory_space<vmem_shared>> -> memref<10112x128xf32, #tpu.memory_space<vmem_shared>>
      %dma_wait3A_212 = tpu.memref_slice %arg12[%dma_wait3A_203] : memref<3x!tpu.dma_semaphore, #tpu.memory_space<semaphore_mem>> -> memref<1x!tpu.dma_semaphore, #tpu.memory_space<semaphore_mem>>
      %dma_wait3A_213 = tpu.memref_squeeze %dma_wait3A_212 : memref<1x!tpu.dma_semaphore, #tpu.memory_space<semaphore_mem>> -> memref<!tpu.dma_semaphore, #tpu.memory_space<semaphore_mem>>
      tpu.wait_indirect_dma semaphore(%dma_wait3A_213 : memref<!tpu.dma_semaphore, #tpu.memory_space<semaphore_mem>>) src(%dma_wait3A_207 : memref<48x128xf32, #tpu.memory_space<vmem>>) dst(%dma_wait3A_211 : memref<10112x128xf32, #tpu.memory_space<vmem_shared>>)
      %sub3A_214 = arith.constant 1 : i32
      %sub3A_215 = arith.subi %select_n3A, %sub3A_214 : i32
      %lt3A_216 = arith.cmpi slt, %while3A_61, %sub3A_215 : i32
      %convert_element_type3A_217 = arith.extui %lt3A_216 : i1 to i32
      %cond3A_218 = arith.constant 0 : i32
      %cond3A_219 = arith.cmpi ne, %convert_element_type3A_217, %cond3A_218 : i32
      scf.if %cond3A_219 {
        %mul3A_221 = arith.constant 3 : i32
        %mul3A_222 = arith.muli %while3A_61, %mul3A_221 : i32
        %add3A_223 = arith.constant 2 : i32
        %add3A_224 = arith.addi %mul3A_222, %add3A_223 : i32
        %add3A_225 = arith.constant 3 : i32
        %add3A_226 = arith.addi %add3A_224, %add3A_225 : i32
        %mul3A_227 = arith.constant 48 : i32
        %mul3A_228 = arith.muli %add3A_226, %mul3A_227 : i32
        %dma_start3A_229 = arith.constant 2 : i32
        %dma_start3A_230 = arith.constant 2 : i32
        %dma_start3A_231 = arith.constant 0 : i32
        %dma_start3A_232 = arith.constant 0 : i32
        %dma_start3A_233 = tpu.memref_slice %arg9[%dma_start3A_229, %dma_start3A_231, %dma_start3A_232] : memref<3x48x128xf32, #tpu.memory_space<vmem>> -> memref<1x48x128xf32, #tpu.memory_space<vmem>>
        %dma_start3A_234 = tpu.memref_squeeze %dma_start3A_233 : memref<1x48x128xf32, #tpu.memory_space<vmem>> -> memref<48x128xf32, #tpu.memory_space<vmem>>
        %dma_start3A_235 = tpu.memref_slice %arg7[%mul3A_228] : memref<15120xi32, #tpu.memory_space<vmem>> -> memref<48xi32, #tpu.memory_space<vmem>>
        %dma_start3A_236 = arith.constant 0 : i32
        %dma_start3A_237 = arith.constant 0 : i32
        %dma_start3A_238 = tpu.memref_slice %arg2[%dma_start3A_236, %dma_start3A_237] : memref<10000x128xf32, #tpu.memory_space<hbm>> -> memref<10000x128xf32, #tpu.memory_space<hbm>>
        %dma_start3A_239 = tpu.memref_slice %arg11[%dma_start3A_230] : memref<3x!tpu.dma_semaphore, #tpu.memory_space<semaphore_mem>> -> memref<1x!tpu.dma_semaphore, #tpu.memory_space<semaphore_mem>>
        %dma_start3A_240 = tpu.memref_squeeze %dma_start3A_239 : memref<1x!tpu.dma_semaphore, #tpu.memory_space<semaphore_mem>> -> memref<!tpu.dma_semaphore, #tpu.memory_space<semaphore_mem>>
        tpu.enqueue_indirect_dma source(%dma_start3A_238 : memref<10000x128xf32, #tpu.memory_space<hbm>>) target(%dma_start3A_234 : memref<48x128xf32, #tpu.memory_space<vmem>>) offsets(%dma_start3A_235 : memref<48xi32, #tpu.memory_space<vmem>>) semaphore(%dma_start3A_240 : memref<!tpu.dma_semaphore, #tpu.memory_space<semaphore_mem>>)
      } else {
      }
      %while3A_220 = arith.constant 0 : i32
      scf.yield %while3A_220 : i32
    }
    %while3A_54 = arith.constant 1 : i32
    %while3A_55 = scf.for %while3A_61 = %while3A_51 to %while3A_47 step %while3A_54 iter_args(%while3A_62 = %while3A_53) -> (i32)  : i32 {
      %mul3A_63 = arith.constant 3 : i32
      %mul3A_64 = arith.muli %while3A_61, %mul3A_63 : i32
      %add3A_65 = arith.constant 0 : i32
      %add3A_66 = arith.addi %mul3A_64, %add3A_65 : i32
      %dma_wait3A = arith.constant 0 : i32
      %dma_wait3A_67 = arith.constant 0 : i32
      %dma_wait3A_68 = arith.constant 0 : i32
      %dma_wait3A_69 = arith.constant 0 : i32
      %dma_wait3A_70 = tpu.memref_slice %arg9[%dma_wait3A, %dma_wait3A_68, %dma_wait3A_69] : memref<3x48x128xf32, #tpu.memory_space<vmem>> -> memref<1x48x128xf32, #tpu.memory_space<vmem>>
      %dma_wait3A_71 = tpu.memref_squeeze %dma_wait3A_70 : memref<1x48x128xf32, #tpu.memory_space<vmem>> -> memref<48x128xf32, #tpu.memory_space<vmem>>
      %dma_wait3A_72 = arith.constant 0 : i32
      %dma_wait3A_73 = arith.constant 0 : i32
      %dma_wait3A_74 = tpu.memref_slice %arg2[%dma_wait3A_72, %dma_wait3A_73] : memref<10000x128xf32, #tpu.memory_space<hbm>> -> memref<48x128xf32, #tpu.memory_space<hbm>>
      %dma_wait3A_75 = tpu.memref_slice %arg11[%dma_wait3A_67] : memref<3x!tpu.dma_semaphore, #tpu.memory_space<semaphore_mem>> -> memref<1x!tpu.dma_semaphore, #tpu.memory_space<semaphore_mem>>
      %dma_wait3A_76 = tpu.memref_squeeze %dma_wait3A_75 : memref<1x!tpu.dma_semaphore, #tpu.memory_space<semaphore_mem>> -> memref<!tpu.dma_semaphore, #tpu.memory_space<semaphore_mem>>
      %dma_wait3A_77 = arith.constant 0 : i32
      %dma_wait3A_78 = arith.constant 0 : i32
      %dma_wait3A_79 = tpu.memref_slice %arg9[%dma_wait3A, %dma_wait3A_77, %dma_wait3A_78] : memref<3x48x128xf32, #tpu.memory_space<vmem>> -> memref<1x48x128xf32, #tpu.memory_space<vmem>>
      %dma_wait3A_80 = tpu.memref_squeeze %dma_wait3A_79 : memref<1x48x128xf32, #tpu.memory_space<vmem>> -> memref<48x128xf32, #tpu.memory_space<vmem>>
      %dma_wait3A_81 = arith.constant 0 : i32
      %dma_wait3A_82 = arith.constant 0 : i32
      %dma_wait3A_83 = tpu.memref_slice %arg2[%dma_wait3A_81, %dma_wait3A_82] : memref<10000x128xf32, #tpu.memory_space<hbm>> -> memref<48x128xf32, #tpu.memory_space<hbm>>
      tpu.wait_dma2 semaphore(%dma_wait3A_76 : memref<!tpu.dma_semaphore, #tpu.memory_space<semaphore_mem>>) src(%dma_wait3A_83 : memref<48x128xf32, #tpu.memory_space<hbm>>) dst(%dma_wait3A_80 : memref<48x128xf32, #tpu.memory_space<vmem>>)
      %mul3A_84 = arith.constant 48 : i32
      %mul3A_85 = arith.muli %add3A_66, %mul3A_84 : i32
      %dma_start3A_86 = arith.constant 0 : i32
      %dma_start3A_87 = arith.constant 0 : i32
      %dma_start3A_88 = arith.constant 0 : i32
      %dma_start3A_89 = arith.constant 0 : i32
      %dma_start3A_90 = tpu.memref_slice %arg9[%dma_start3A_86, %dma_start3A_88, %dma_start3A_89] : memref<3x48x128xf32, #tpu.memory_space<vmem>> -> memref<1x48x128xf32, #tpu.memory_space<vmem>>
      %dma_start3A_91 = tpu.memref_squeeze %dma_start3A_90 : memref<1x48x128xf32, #tpu.memory_space<vmem>> -> memref<48x128xf32, #tpu.memory_space<vmem>>
      %dma_start3A_92 = tpu.memref_slice %arg8[%mul3A_85] : memref<15120xi32, #tpu.memory_space<vmem>> -> memref<48xi32, #tpu.memory_space<vmem>>
      %dma_start3A_93 = arith.constant 0 : i32
      %dma_start3A_94 = arith.constant 0 : i32
      %dma_start3A_95 = tpu.memref_slice %arg10[%dma_start3A_93, %dma_start3A_94] : memref<10112x128xf32, #tpu.memory_space<vmem_shared>> -> memref<10112x128xf32, #tpu.memory_space<vmem_shared>>
      %dma_start3A_96 = tpu.memref_slice %arg12[%dma_start3A_87] : memref<3x!tpu.dma_semaphore, #tpu.memory_space<semaphore_mem>> -> memref<1x!tpu.dma_semaphore, #tpu.memory_space<semaphore_mem>>
      %dma_start3A_97 = tpu.memref_squeeze %dma_start3A_96 : memref<1x!tpu.dma_semaphore, #tpu.memory_space<semaphore_mem>> -> memref<!tpu.dma_semaphore, #tpu.memory_space<semaphore_mem>>
      tpu.enqueue_indirect_dma source(%dma_start3A_91 : memref<48x128xf32, #tpu.memory_space<vmem>>) target(%dma_start3A_95 : memref<10112x128xf32, #tpu.memory_space<vmem_shared>>) offsets(%dma_start3A_92 : memref<48xi32, #tpu.memory_space<vmem>>) semaphore(%dma_start3A_97 : memref<!tpu.dma_semaphore, #tpu.memory_space<semaphore_mem>>) {add = true}
      %mul3A_98 = arith.constant 3 : i32
      %mul3A_99 = arith.muli %while3A_61, %mul3A_98 : i32
      %add3A_100 = arith.constant 1 : i32
      %add3A_101 = arith.addi %mul3A_99, %add3A_100 : i32
      %dma_wait3A_102 = arith.constant 1 : i32
      %dma_wait3A_103 = arith.constant 1 : i32
      %dma_wait3A_104 = arith.constant 0 : i32
      %dma_wait3A_105 = arith.constant 0 : i32
      %dma_wait3A_106 = tpu.memref_slice %arg9[%dma_wait3A_102, %dma_wait3A_104, %dma_wait3A_105] : memref<3x48x128xf32, #tpu.memory_space<vmem>> -> memref<1x48x128xf32, #tpu.memory_space<vmem>>
      %dma_wait3A_107 = tpu.memref_squeeze %dma_wait3A_106 : memref<1x48x128xf32, #tpu.memory_space<vmem>> -> memref<48x128xf32, #tpu.memory_space<vmem>>
      %dma_wait3A_108 = arith.constant 0 : i32
      %dma_wait3A_109 = arith.constant 0 : i32
      %dma_wait3A_110 = tpu.memref_slice %arg2[%dma_wait3A_108, %dma_wait3A_109] : memref<10000x128xf32, #tpu.memory_space<hbm>> -> memref<48x128xf32, #tpu.memory_space<hbm>>
      %dma_wait3A_111 = tpu.memref_slice %arg11[%dma_wait3A_103] : memref<3x!tpu.dma_semaphore, #tpu.memory_space<semaphore_mem>> -> memref<1x!tpu.dma_semaphore, #tpu.memory_space<semaphore_mem>>
      %dma_wait3A_112 = tpu.memref_squeeze %dma_wait3A_111 : memref<1x!tpu.dma_semaphore, #tpu.memory_space<semaphore_mem>> -> memref<!tpu.dma_semaphore, #tpu.memory_space<semaphore_mem>>
      %dma_wait3A_113 = arith.constant 0 : i32
      %dma_wait3A_114 = arith.constant 0 : i32
      %dma_wait3A_115 = tpu.memref_slice %arg9[%dma_wait3A_102, %dma_wait3A_113, %dma_wait3A_114] : memref<3x48x128xf32, #tpu.memory_space<vmem>> -> memref<1x48x128xf32, #tpu.memory_space<vmem>>
      %dma_wait3A_116 = tpu.memref_squeeze %dma_wait3A_115 : memref<1x48x128xf32, #tpu.memory_space<vmem>> -> memref<48x128xf32, #tpu.memory_space<vmem>>
      %dma_wait3A_117 = arith.constant 0 : i32
      %dma_wait3A_118 = arith.constant 0 : i32
      %dma_wait3A_119 = tpu.memref_slice %arg2[%dma_wait3A_117, %dma_wait3A_118] : memref<10000x128xf32, #tpu.memory_space<hbm>> -> memref<48x128xf32, #tpu.memory_space<hbm>>
      tpu.wait_dma2 semaphore(%dma_wait3A_112 : memref<!tpu.dma_semaphore, #tpu.memory_space<semaphore_mem>>) src(%dma_wait3A_119 : memref<48x128xf32, #tpu.memory_space<hbm>>) dst(%dma_wait3A_116 : memref<48x128xf32, #tpu.memory_space<vmem>>)
      %mul3A_120 = arith.constant 48 : i32
      %mul3A_121 = arith.muli %add3A_101, %mul3A_120 : i32
      %dma_start3A_122 = arith.constant 1 : i32
      %dma_start3A_123 = arith.constant 1 : i32
      %dma_start3A_124 = arith.constant 0 : i32
      %dma_start3A_125 = arith.constant 0 : i32
      %dma_start3A_126 = tpu.memref_slice %arg9[%dma_start3A_122, %dma_start3A_124, %dma_start3A_125] : memref<3x48x128xf32, #tpu.memory_space<vmem>> -> memref<1x48x128xf32, #tpu.memory_space<vmem>>
      %dma_start3A_127 = tpu.memref_squeeze %dma_start3A_126 : memref<1x48x128xf32, #tpu.memory_space<vmem>> -> memref<48x128xf32, #tpu.memory_space<vmem>>
      %dma_start3A_128 = tpu.memref_slice %arg8[%mul3A_121] : memref<15120xi32, #tpu.memory_space<vmem>> -> memref<48xi32, #tpu.memory_space<vmem>>
      %dma_start3A_129 = arith.constant 0 : i32
      %dma_start3A_130 = arith.constant 0 : i32
      %dma_start3A_131 = tpu.memref_slice %arg10[%dma_start3A_129, %dma_start3A_130] : memref<10112x128xf32, #tpu.memory_space<vmem_shared>> -> memref<10112x128xf32, #tpu.memory_space<vmem_shared>>
      %dma_start3A_132 = tpu.memref_slice %arg12[%dma_start3A_123] : memref<3x!tpu.dma_semaphore, #tpu.memory_space<semaphore_mem>> -> memref<1x!tpu.dma_semaphore, #tpu.memory_space<semaphore_mem>>
      %dma_start3A_133 = tpu.memref_squeeze %dma_start3A_132 : memref<1x!tpu.dma_semaphore, #tpu.memory_space<semaphore_mem>> -> memref<!tpu.dma_semaphore, #tpu.memory_space<semaphore_mem>>
      tpu.enqueue_indirect_dma source(%dma_start3A_127 : memref<48x128xf32, #tpu.memory_space<vmem>>) target(%dma_start3A_131 : memref<10112x128xf32, #tpu.memory_space<vmem_shared>>) offsets(%dma_start3A_128 : memref<48xi32, #tpu.memory_space<vmem>>) semaphore(%dma_start3A_133 : memref<!tpu.dma_semaphore, #tpu.memory_space<semaphore_mem>>) {add = true}
      %mul3A_134 = arith.constant 3 : i32
      %mul3A_135 = arith.muli %while3A_61, %mul3A_134 : i32
      %add3A_136 = arith.constant 2 : i32
      %add3A_137 = arith.addi %mul3A_135, %add3A_136 : i32
      %dma_wait3A_138 = arith.constant 2 : i32
      %dma_wait3A_139 = arith.constant 2 : i32
      %dma_wait3A_140 = arith.constant 0 : i32
      %dma_wait3A_141 = arith.constant 0 : i32
      %dma_wait3A_142 = tpu.memref_slice %arg9[%dma_wait3A_138, %dma_wait3A_140, %dma_wait3A_141] : memref<3x48x128xf32, #tpu.memory_space<vmem>> -> memref<1x48x128xf32, #tpu.memory_space<vmem>>
      %dma_wait3A_143 = tpu.memref_squeeze %dma_wait3A_142 : memref<1x48x128xf32, #tpu.memory_space<vmem>> -> memref<48x128xf32, #tpu.memory_space<vmem>>
      %dma_wait3A_144 = arith.constant 0 : i32
      %dma_wait3A_145 = arith.constant 0 : i32
      %dma_wait3A_146 = tpu.memref_slice %arg2[%dma_wait3A_144, %dma_wait3A_145] : memref<10000x128xf32, #tpu.memory_space<hbm>> -> memref<48x128xf32, #tpu.memory_space<hbm>>
      %dma_wait3A_147 = tpu.memref_slice %arg11[%dma_wait3A_139] : memref<3x!tpu.dma_semaphore, #tpu.memory_space<semaphore_mem>> -> memref<1x!tpu.dma_semaphore, #tpu.memory_space<semaphore_mem>>
      %dma_wait3A_148 = tpu.memref_squeeze %dma_wait3A_147 : memref<1x!tpu.dma_semaphore, #tpu.memory_space<semaphore_mem>> -> memref<!tpu.dma_semaphore, #tpu.memory_space<semaphore_mem>>
      %dma_wait3A_149 = arith.constant 0 : i32
      %dma_wait3A_150 = arith.constant 0 : i32
      %dma_wait3A_151 = tpu.memref_slice %arg9[%dma_wait3A_138, %dma_wait3A_149, %dma_wait3A_150] : memref<3x48x128xf32, #tpu.memory_space<vmem>> -> memref<1x48x128xf32, #tpu.memory_space<vmem>>
      %dma_wait3A_152 = tpu.memref_squeeze %dma_wait3A_151 : memref<1x48x128xf32, #tpu.memory_space<vmem>> -> memref<48x128xf32, #tpu.memory_space<vmem>>
      %dma_wait3A_153 = arith.constant 0 : i32
      %dma_wait3A_154 = arith.constant 0 : i32
      %dma_wait3A_155 = tpu.memref_slice %arg2[%dma_wait3A_153, %dma_wait3A_154] : memref<10000x128xf32, #tpu.memory_space<hbm>> -> memref<48x128xf32, #tpu.memory_space<hbm>>
      tpu.wait_dma2 semaphore(%dma_wait3A_148 : memref<!tpu.dma_semaphore, #tpu.memory_space<semaphore_mem>>) src(%dma_wait3A_155 : memref<48x128xf32, #tpu.memory_space<hbm>>) dst(%dma_wait3A_152 : memref<48x128xf32, #tpu.memory_space<vmem>>)
      %mul3A_156 = arith.constant 48 : i32
      %mul3A_157 = arith.muli %add3A_137, %mul3A_156 : i32
      %dma_start3A_158 = arith.constant 2 : i32
      %dma_start3A_159 = arith.constant 2 : i32
      %dma_start3A_160 = arith.constant 0 : i32
      %dma_start3A_161 = arith.constant 0 : i32
      %dma_start3A_162 = tpu.memref_slice %arg9[%dma_start3A_158, %dma_start3A_160, %dma_start3A_161] : memref<3x48x128xf32, #tpu.memory_space<vmem>> -> memref<1x48x128xf32, #tpu.memory_space<vmem>>
      %dma_start3A_163 = tpu.memref_squeeze %dma_start3A_162 : memref<1x48x128xf32, #tpu.memory_space<vmem>> -> memref<48x128xf32, #tpu.memory_space<vmem>>
      %dma_start3A_164 = tpu.memref_slice %arg8[%mul3A_157] : memref<15120xi32, #tpu.memory_space<vmem>> -> memref<48xi32, #tpu.memory_space<vmem>>
      %dma_start3A_165 = arith.constant 0 : i32
      %dma_start3A_166 = arith.constant 0 : i32
      %dma_start3A_167 = tpu.memref_slice %arg10[%dma_start3A_165, %dma_start3A_166] : memref<10112x128xf32, #tpu.memory_space<vmem_shared>> -> memref<10112x128xf32, #tpu.memory_space<vmem_shared>>
      %dma_start3A_168 = tpu.memref_slice %arg12[%dma_start3A_159] : memref<3x!tpu.dma_semaphore, #tpu.memory_space<semaphore_mem>> -> memref<1x!tpu.dma_semaphore, #tpu.memory_space<semaphore_mem>>
      %dma_start3A_169 = tpu.memref_squeeze %dma_start3A_168 : memref<1x!tpu.dma_semaphore, #tpu.memory_space<semaphore_mem>> -> memref<!tpu.dma_semaphore, #tpu.memory_space<semaphore_mem>>
      tpu.enqueue_indirect_dma source(%dma_start3A_163 : memref<48x128xf32, #tpu.memory_space<vmem>>) target(%dma_start3A_167 : memref<10112x128xf32, #tpu.memory_space<vmem_shared>>) offsets(%dma_start3A_164 : memref<48xi32, #tpu.memory_space<vmem>>) semaphore(%dma_start3A_169 : memref<!tpu.dma_semaphore, #tpu.memory_space<semaphore_mem>>) {add = true}
      %dma_wait3A_170 = arith.constant 0 : i32
      %dma_wait3A_171 = arith.constant 0 : i32
      %dma_wait3A_172 = arith.constant 0 : i32
      %dma_wait3A_173 = arith.constant 0 : i32
      %dma_wait3A_174 = tpu.memref_slice %arg9[%dma_wait3A_170, %dma_wait3A_172, %dma_wait3A_173] : memref<3x48x128xf32, #tpu.memory_space<vmem>> -> memref<1x48x128xf32, #tpu.memory_space<vmem>>
      %dma_wait3A_175 = tpu.memref_squeeze %dma_wait3A_174 : memref<1x48x128xf32, #tpu.memory_space<vmem>> -> memref<48x128xf32, #tpu.memory_space<vmem>>
      %dma_wait3A_176 = tpu.memref_slice %arg8[%mul3A_85] : memref<15120xi32, #tpu.memory_space<vmem>> -> memref<48xi32, #tpu.memory_space<vmem>>
      %dma_wait3A_177 = arith.constant 0 : i32
      %dma_wait3A_178 = arith.constant 0 : i32
      %dma_wait3A_179 = tpu.memref_slice %arg10[%dma_wait3A_177, %dma_wait3A_178] : memref<10112x128xf32, #tpu.memory_space<vmem_shared>> -> memref<10112x128xf32, #tpu.memory_space<vmem_shared>>
      %dma_wait3A_180 = tpu.memref_slice %arg12[%dma_wait3A_171] : memref<3x!tpu.dma_semaphore, #tpu.memory_space<semaphore_mem>> -> memref<1x!tpu.dma_semaphore, #tpu.memory_space<semaphore_mem>>
      %dma_wait3A_181 = tpu.memref_squeeze %dma_wait3A_180 : memref<1x!tpu.dma_semaphore, #tpu.memory_space<semaphore_mem>> -> memref<!tpu.dma_semaphore, #tpu.memory_space<semaphore_mem>>
      tpu.wait_indirect_dma semaphore(%dma_wait3A_181 : memref<!tpu.dma_semaphore, #tpu.memory_space<semaphore_mem>>) src(%dma_wait3A_175 : memref<48x128xf32, #tpu.memory_space<vmem>>) dst(%dma_wait3A_179 : memref<10112x128xf32, #tpu.memory_space<vmem_shared>>)
      %sub3A = arith.constant 1 : i32
      %sub3A_182 = arith.subi %select_n3A, %sub3A : i32
      %lt3A = arith.cmpi slt, %while3A_61, %sub3A_182 : i32
      %convert_element_type3A = arith.extui %lt3A : i1 to i32
      %cond3A = arith.constant 0 : i32
      %cond3A_183 = arith.cmpi ne, %convert_element_type3A, %cond3A : i32
      scf.if %cond3A_183 {
        %mul3A_221 = arith.constant 3 : i32
        %mul3A_222 = arith.muli %while3A_61, %mul3A_221 : i32
        %add3A_223 = arith.constant 0 : i32
        %add3A_224 = arith.addi %mul3A_222, %add3A_223 : i32
        %add3A_225 = arith.constant 3 : i32
        %add3A_226 = arith.addi %add3A_224, %add3A_225 : i32
        %mul3A_227 = arith.constant 48 : i32
        %mul3A_228 = arith.muli %add3A_226, %mul3A_227 : i32
        %dma_start3A_229 = arith.constant 0 : i32
        %dma_start3A_230 = arith.constant 0 : i32
        %dma_start3A_231 = arith.constant 0 : i32
        %dma_start3A_232 = arith.constant 0 : i32
        %dma_start3A_233 = tpu.memref_slice %arg9[%dma_start3A_229, %dma_start3A_231, %dma_start3A_232] : memref<3x48x128xf32, #tpu.memory_space<vmem>> -> memref<1x48x128xf32, #tpu.memory_space<vmem>>
        %dma_start3A_234 = tpu.memref_squeeze %dma_start3A_233 : memref<1x48x128xf32, #tpu.memory_space<vmem>> -> memref<48x128xf32, #tpu.memory_space<vmem>>
        %dma_start3A_235 = tpu.memref_slice %arg7[%mul3A_228] : memref<15120xi32, #tpu.memory_space<vmem>> -> memref<48xi32, #tpu.memory_space<vmem>>
        %dma_start3A_236 = arith.constant 0 : i32
        %dma_start3A_237 = arith.constant 0 : i32
        %dma_start3A_238 = tpu.memref_slice %arg2[%dma_start3A_236, %dma_start3A_237] : memref<10000x128xf32, #tpu.memory_space<hbm>> -> memref<10000x128xf32, #tpu.memory_space<hbm>>
        %dma_start3A_239 = tpu.memref_slice %arg11[%dma_start3A_230] : memref<3x!tpu.dma_semaphore, #tpu.memory_space<semaphore_mem>> -> memref<1x!tpu.dma_semaphore, #tpu.memory_space<semaphore_mem>>
        %dma_start3A_240 = tpu.memref_squeeze %dma_start3A_239 : memref<1x!tpu.dma_semaphore, #tpu.memory_space<semaphore_mem>> -> memref<!tpu.dma_semaphore, #tpu.memory_space<semaphore_mem>>
        tpu.enqueue_indirect_dma source(%dma_start3A_238 : memref<10000x128xf32, #tpu.memory_space<hbm>>) target(%dma_start3A_234 : memref<48x128xf32, #tpu.memory_space<vmem>>) offsets(%dma_start3A_235 : memref<48xi32, #tpu.memory_space<vmem>>) semaphore(%dma_start3A_240 : memref<!tpu.dma_semaphore, #tpu.memory_space<semaphore_mem>>)
      } else {
      }
      %dma_wait3A_184 = arith.constant 1 : i32
      %dma_wait3A_185 = arith.constant 1 : i32
      %dma_wait3A_186 = arith.constant 0 : i32
      %dma_wait3A_187 = arith.constant 0 : i32
      %dma_wait3A_188 = tpu.memref_slice %arg9[%dma_wait3A_184, %dma_wait3A_186, %dma_wait3A_187] : memref<3x48x128xf32, #tpu.memory_space<vmem>> -> memref<1x48x128xf32, #tpu.memory_space<vmem>>
      %dma_wait3A_189 = tpu.memref_squeeze %dma_wait3A_188 : memref<1x48x128xf32, #tpu.memory_space<vmem>> -> memref<48x128xf32, #tpu.memory_space<vmem>>
      %dma_wait3A_190 = tpu.memref_slice %arg8[%mul3A_121] : memref<15120xi32, #tpu.memory_space<vmem>> -> memref<48xi32, #tpu.memory_space<vmem>>
      %dma_wait3A_191 = arith.constant 0 : i32
      %dma_wait3A_192 = arith.constant 0 : i32
      %dma_wait3A_193 = tpu.memref_slice %arg10[%dma_wait3A_191, %dma_wait3A_192] : memref<10112x128xf32, #tpu.memory_space<vmem_shared>> -> memref<10112x128xf32, #tpu.memory_space<vmem_shared>>
      %dma_wait3A_194 = tpu.memref_slice %arg12[%dma_wait3A_185] : memref<3x!tpu.dma_semaphore, #tpu.memory_space<semaphore_mem>> -> memref<1x!tpu.dma_semaphore, #tpu.memory_space<semaphore_mem>>
      %dma_wait3A_195 = tpu.memref_squeeze %dma_wait3A_194 : memref<1x!tpu.dma_semaphore, #tpu.memory_space<semaphore_mem>> -> memref<!tpu.dma_semaphore, #tpu.memory_space<semaphore_mem>>
      tpu.wait_indirect_dma semaphore(%dma_wait3A_195 : memref<!tpu.dma_semaphore, #tpu.memory_space<semaphore_mem>>) src(%dma_wait3A_189 : memref<48x128xf32, #tpu.memory_space<vmem>>) dst(%dma_wait3A_193 : memref<10112x128xf32, #tpu.memory_space<vmem_shared>>)
      %sub3A_196 = arith.constant 1 : i32
      %sub3A_197 = arith.subi %select_n3A, %sub3A_196 : i32
      %lt3A_198 = arith.cmpi slt, %while3A_61, %sub3A_197 : i32
      %convert_element_type3A_199 = arith.extui %lt3A_198 : i1 to i32
      %cond3A_200 = arith.constant 0 : i32
      %cond3A_201 = arith.cmpi ne, %convert_element_type3A_199, %cond3A_200 : i32
      scf.if %cond3A_201 {
        %mul3A_221 = arith.constant 3 : i32
        %mul3A_222 = arith.muli %while3A_61, %mul3A_221 : i32
        %add3A_223 = arith.constant 1 : i32
        %add3A_224 = arith.addi %mul3A_222, %add3A_223 : i32
        %add3A_225 = arith.constant 3 : i32
        %add3A_226 = arith.addi %add3A_224, %add3A_225 : i32
        %mul3A_227 = arith.constant 48 : i32
        %mul3A_228 = arith.muli %add3A_226, %mul3A_227 : i32
        %dma_start3A_229 = arith.constant 1 : i32
        %dma_start3A_230 = arith.constant 1 : i32
        %dma_start3A_231 = arith.constant 0 : i32
        %dma_start3A_232 = arith.constant 0 : i32
        %dma_start3A_233 = tpu.memref_slice %arg9[%dma_start3A_229, %dma_start3A_231, %dma_start3A_232] : memref<3x48x128xf32, #tpu.memory_space<vmem>> -> memref<1x48x128xf32, #tpu.memory_space<vmem>>
        %dma_start3A_234 = tpu.memref_squeeze %dma_start3A_233 : memref<1x48x128xf32, #tpu.memory_space<vmem>> -> memref<48x128xf32, #tpu.memory_space<vmem>>
        %dma_start3A_235 = tpu.memref_slice %arg7[%mul3A_228] : memref<15120xi32, #tpu.memory_space<vmem>> -> memref<48xi32, #tpu.memory_space<vmem>>
        %dma_start3A_236 = arith.constant 0 : i32
        %dma_start3A_237 = arith.constant 0 : i32
        %dma_start3A_238 = tpu.memref_slice %arg2[%dma_start3A_236, %dma_start3A_237] : memref<10000x128xf32, #tpu.memory_space<hbm>> -> memref<10000x128xf32, #tpu.memory_space<hbm>>
        %dma_start3A_239 = tpu.memref_slice %arg11[%dma_start3A_230] : memref<3x!tpu.dma_semaphore, #tpu.memory_space<semaphore_mem>> -> memref<1x!tpu.dma_semaphore, #tpu.memory_space<semaphore_mem>>
        %dma_start3A_240 = tpu.memref_squeeze %dma_start3A_239 : memref<1x!tpu.dma_semaphore, #tpu.memory_space<semaphore_mem>> -> memref<!tpu.dma_semaphore, #tpu.memory_space<semaphore_mem>>
        tpu.enqueue_indirect_dma source(%dma_start3A_238 : memref<10000x128xf32, #tpu.memory_space<hbm>>) target(%dma_start3A_234 : memref<48x128xf32, #tpu.memory_space<vmem>>) offsets(%dma_start3A_235 : memref<48xi32, #tpu.memory_space<vmem>>) semaphore(%dma_start3A_240 : memref<!tpu.dma_semaphore, #tpu.memory_space<semaphore_mem>>)
      } else {
      }
      %dma_wait3A_202 = arith.constant 2 : i32
      %dma_wait3A_203 = arith.constant 2 : i32
      %dma_wait3A_204 = arith.constant 0 : i32
      %dma_wait3A_205 = arith.constant 0 : i32
      %dma_wait3A_206 = tpu.memref_slice %arg9[%dma_wait3A_202, %dma_wait3A_204, %dma_wait3A_205] : memref<3x48x128xf32, #tpu.memory_space<vmem>> -> memref<1x48x128xf32, #tpu.memory_space<vmem>>
      %dma_wait3A_207 = tpu.memref_squeeze %dma_wait3A_206 : memref<1x48x128xf32, #tpu.memory_space<vmem>> -> memref<48x128xf32, #tpu.memory_space<vmem>>
      %dma_wait3A_208 = tpu.memref_slice %arg8[%mul3A_157] : memref<15120xi32, #tpu.memory_space<vmem>> -> memref<48xi32, #tpu.memory_space<vmem>>
      %dma_wait3A_209 = arith.constant 0 : i32
      %dma_wait3A_210 = arith.constant 0 : i32
      %dma_wait3A_211 = tpu.memref_slice %arg10[%dma_wait3A_209, %dma_wait3A_210] : memref<10112x128xf32, #tpu.memory_space<vmem_shared>> -> memref<10112x128xf32, #tpu.memory_space<vmem_shared>>
      %dma_wait3A_212 = tpu.memref_slice %arg12[%dma_wait3A_203] : memref<3x!tpu.dma_semaphore, #tpu.memory_space<semaphore_mem>> -> memref<1x!tpu.dma_semaphore, #tpu.memory_space<semaphore_mem>>
      %dma_wait3A_213 = tpu.memref_squeeze %dma_wait3A_212 : memref<1x!tpu.dma_semaphore, #tpu.memory_space<semaphore_mem>> -> memref<!tpu.dma_semaphore, #tpu.memory_space<semaphore_mem>>
      tpu.wait_indirect_dma semaphore(%dma_wait3A_213 : memref<!tpu.dma_semaphore, #tpu.memory_space<semaphore_mem>>) src(%dma_wait3A_207 : memref<48x128xf32, #tpu.memory_space<vmem>>) dst(%dma_wait3A_211 : memref<10112x128xf32, #tpu.memory_space<vmem_shared>>)
      %sub3A_214 = arith.constant 1 : i32
      %sub3A_215 = arith.subi %select_n3A, %sub3A_214 : i32
      %lt3A_216 = arith.cmpi slt, %while3A_61, %sub3A_215 : i32
      %convert_element_type3A_217 = arith.extui %lt3A_216 : i1 to i32
      %cond3A_218 = arith.constant 0 : i32
      %cond3A_219 = arith.cmpi ne, %convert_element_type3A_217, %cond3A_218 : i32
      scf.if %cond3A_219 {
        %mul3A_221 = arith.constant 3 : i32
        %mul3A_222 = arith.muli %while3A_61, %mul3A_221 : i32
        %add3A_223 = arith.constant 2 : i32
        %add3A_224 = arith.addi %mul3A_222, %add3A_223 : i32
        %add3A_225 = arith.constant 3 : i32
        %add3A_226 = arith.addi %add3A_224, %add3A_225 : i32
        %mul3A_227 = arith.constant 48 : i32
        %mul3A_228 = arith.muli %add3A_226, %mul3A_227 : i32
        %dma_start3A_229 = arith.constant 2 : i32
        %dma_start3A_230 = arith.constant 2 : i32
        %dma_start3A_231 = arith.constant 0 : i32
        %dma_start3A_232 = arith.constant 0 : i32
        %dma_start3A_233 = tpu.memref_slice %arg9[%dma_start3A_229, %dma_start3A_231, %dma_start3A_232] : memref<3x48x128xf32, #tpu.memory_space<vmem>> -> memref<1x48x128xf32, #tpu.memory_space<vmem>>
        %dma_start3A_234 = tpu.memref_squeeze %dma_start3A_233 : memref<1x48x128xf32, #tpu.memory_space<vmem>> -> memref<48x128xf32, #tpu.memory_space<vmem>>
        %dma_start3A_235 = tpu.memref_slice %arg7[%mul3A_228] : memref<15120xi32, #tpu.memory_space<vmem>> -> memref<48xi32, #tpu.memory_space<vmem>>
        %dma_start3A_236 = arith.constant 0 : i32
        %dma_start3A_237 = arith.constant 0 : i32
        %dma_start3A_238 = tpu.memref_slice %arg2[%dma_start3A_236, %dma_start3A_237] : memref<10000x128xf32, #tpu.memory_space<hbm>> -> memref<10000x128xf32, #tpu.memory_space<hbm>>
        %dma_start3A_239 = tpu.memref_slice %arg11[%dma_start3A_230] : memref<3x!tpu.dma_semaphore, #tpu.memory_space<semaphore_mem>> -> memref<1x!tpu.dma_semaphore, #tpu.memory_space<semaphore_mem>>
        %dma_start3A_240 = tpu.memref_squeeze %dma_start3A_239 : memref<1x!tpu.dma_semaphore, #tpu.memory_space<semaphore_mem>> -> memref<!tpu.dma_semaphore, #tpu.memory_space<semaphore_mem>>
        tpu.enqueue_indirect_dma source(%dma_start3A_238 : memref<10000x128xf32, #tpu.memory_space<hbm>>) target(%dma_start3A_234 : memref<48x128xf32, #tpu.memory_space<vmem>>) offsets(%dma_start3A_235 : memref<48xi32, #tpu.memory_space<vmem>>) semaphore(%dma_start3A_240 : memref<!tpu.dma_semaphore, #tpu.memory_space<semaphore_mem>>)
      } else {
      }
      %while3A_220 = arith.constant 0 : i32
      scf.yield %while3A_220 : i32
    }
    %barrier3A_56 = arith.constant 0 : index
    tpu.barrier barrier_id(%barrier3A_56)
    %mul3A_57 = arith.constant 632 : i32
    %mul3A_58 = arith.muli %arg1, %mul3A_57 : i32
    %mul3A_59 = arith.constant 632 : i32
    %mul3A_60 = arith.muli %arg1, %mul3A_59 : i32
    "tpu.region"() ({
      %run_scoped3A = tpu.sem_alloc : memref<!tpu.dma_semaphore, #tpu.memory_space<semaphore_mem>>
      %dma_start3A_61 = arith.constant 0 : i32
      %dma_start3A_62 = tpu.memref_slice %arg6[%arg0, %mul3A_60, %dma_start3A_61] : memref<2x10112x128xf32, #tpu.memory_space<hbm>> -> memref<1x632x128xf32, #tpu.memory_space<hbm>>
      %dma_start3A_63 = tpu.memref_squeeze %dma_start3A_62 : memref<1x632x128xf32, #tpu.memory_space<hbm>> -> memref<632x128xf32, #tpu.memory_space<hbm>>
      %dma_start3A_64 = arith.constant 0 : i32
      %dma_start3A_65 = tpu.memref_slice %arg10[%mul3A_58, %dma_start3A_64] : memref<10112x128xf32, #tpu.memory_space<vmem_shared>> -> memref<632x128xf32, #tpu.memory_space<vmem_shared>>
      tpu.enqueue_dma source(%dma_start3A_65 : memref<632x128xf32, #tpu.memory_space<vmem_shared>>) target(%dma_start3A_63 : memref<632x128xf32, #tpu.memory_space<hbm>>) target_semaphore(%run_scoped3A : memref<!tpu.dma_semaphore, #tpu.memory_space<semaphore_mem>>)
      %dma_wait3A = arith.constant 0 : i32
      %dma_wait3A_66 = tpu.memref_slice %arg6[%arg0, %mul3A_60, %dma_wait3A] : memref<2x10112x128xf32, #tpu.memory_space<hbm>> -> memref<1x632x128xf32, #tpu.memory_space<hbm>>
      %dma_wait3A_67 = tpu.memref_squeeze %dma_wait3A_66 : memref<1x632x128xf32, #tpu.memory_space<hbm>> -> memref<632x128xf32, #tpu.memory_space<hbm>>
      %dma_wait3A_68 = arith.constant 0 : i32
      %dma_wait3A_69 = tpu.memref_slice %arg10[%mul3A_58, %dma_wait3A_68] : memref<10112x128xf32, #tpu.memory_space<vmem_shared>> -> memref<632x128xf32, #tpu.memory_space<vmem_shared>>
      tpu.wait_dma2 semaphore(%run_scoped3A : memref<!tpu.dma_semaphore, #tpu.memory_space<semaphore_mem>>) src(%dma_wait3A_69 : memref<632x128xf32, #tpu.memory_space<vmem_shared>>) dst(%dma_wait3A_67 : memref<632x128xf32, #tpu.memory_space<hbm>>)
      tpu.yield
    }) : () -> ()
    return
  }
}

module attributes {stable_mosaic.version = 14 : i64} {
  func.func @body(%arg0: i32, %arg1: memref<2000x32xf32, #tpu.memory_space<vmem>>, %arg2: memref<2000x128xf32, #tpu.memory_space<vmem>>, %arg3: memref<128x128xf32, #tpu.memory_space<vmem>>, %arg4: memref<2000x128xf32, #tpu.memory_space<vmem>>, %arg5: memref<2000x1xf32, #tpu.memory_space<vmem>>) attributes {dimension_semantics = [#tpu.dimension_semantics<arbitrary>], iteration_bounds = array<i64: 5>, scalar_prefetch = 0 : i64, scratch_operands = 0 : i64, tpu.core_type = #tpu.core_type<tc>, window_params = [{transform_indices = @transform_0, window_bounds = array<i64: 2000, 32>}, {transform_indices = @transform_1, window_bounds = array<i64: 2000, 128>}, {pipeline_mode = #tpu.pipeline_mode<synchronous>, transform_indices = @transform_2, window_bounds = array<i64: 128, 128>}, {transform_indices = @transform_3, window_bounds = array<i64: 2000, 128>}, {transform_indices = @transform_4, window_bounds = array<i64: 2000, 1>}]} {
    %get3A = arith.constant 0 : index
    %get3A_0 = arith.constant 0 : index
    %get3A_1 = vector.load %arg1[%get3A, %get3A_0] : memref<2000x32xf32, #tpu.memory_space<vmem>>, vector<2000x32xf32>
    %reduce_sum3A = arith.constant dense<0.000000e+00> : vector<2000xf32>
    %reduce_sum3A_2 = vector.multi_reduction <add>, %get3A_1, %reduce_sum3A [1] : vector<2000x32xf32> to vector<2000xf32>
    %broadcast_in_dim3A = vector.shape_cast %reduce_sum3A_2 : vector<2000xf32> to vector<2000x1xf32>
    %add3A = arith.constant 1.000000e+00 : f32
    %add3A_3 = vector.broadcast %add3A : f32 to vector<2000x1xf32>
    %add3A_4 = arith.addf %broadcast_in_dim3A, %add3A_3 : vector<2000x1xf32>
    %rsqrt3A = math.rsqrt %add3A_4 : vector<2000x1xf32>
    %swap3A = arith.constant 0 : index
    %swap3A_5 = arith.constant 0 : index
    %swap3A_6 = vector.load %arg5[%swap3A, %swap3A_5] : memref<2000x1xf32, #tpu.memory_space<vmem>>, vector<2000x1xf32>
    tpu.vector_store %arg5[%swap3A, %swap3A_5], %rsqrt3A {strides = array<i32>} : memref<2000x1xf32, #tpu.memory_space<vmem>>, vector<2000x1xf32>,
    %get3A_7 = arith.constant 0 : index
    %get3A_8 = arith.constant 0 : index
    %get3A_9 = vector.load %arg2[%get3A_7, %get3A_8] : memref<2000x128xf32, #tpu.memory_space<vmem>>, vector<2000x128xf32>
    %get3A_10 = arith.constant 0 : index
    %get3A_11 = arith.constant 0 : index
    %get3A_12 = vector.load %arg3[%get3A_10, %get3A_11] : memref<128x128xf32, #tpu.memory_space<vmem>>, vector<128x128xf32>
    %dot_general3A = arith.constant dense<0.000000e+00> : vector<2000x128xf32>
    %dot_general3A_13 = tpu.matmul %get3A_9, %get3A_12, %dot_general3A {dimension_numbers = #tpu.dot_dimension_numbers<[1], [0], [0], [1], [0, 0, 1, 1], [], []>, transpose_lhs_hint = false} : vector<2000x128xf32>, vector<128x128xf32>, vector<2000x128xf32> -> vector<2000x128xf32>
    %mul3A = vector.broadcast %rsqrt3A : vector<2000x1xf32> to vector<2000x128xf32>
    %mul3A_14 = arith.mulf %mul3A, %dot_general3A_13 : vector<2000x128xf32>
    %swap3A_15 = arith.constant 0 : index
    %swap3A_16 = arith.constant 0 : index
    %swap3A_17 = vector.load %arg4[%swap3A_15, %swap3A_16] : memref<2000x128xf32, #tpu.memory_space<vmem>>, vector<2000x128xf32>
    tpu.vector_store %arg4[%swap3A_15, %swap3A_16], %mul3A_14 {strides = array<i32>} : memref<2000x128xf32, #tpu.memory_space<vmem>>, vector<2000x128xf32>,
    return
  }
  func.func @transform_0(%arg0: i32) -> (i32, i32) {
    %c0_i32 = arith.constant 0 : i32
    %c0_i32_0 = arith.constant 0 : i32
    return %arg0, %c0_i32 : i32, i32
  }
  func.func @transform_1(%arg0: i32) -> (i32, i32) {
    %c0_i32 = arith.constant 0 : i32
    %c0_i32_0 = arith.constant 0 : i32
    return %arg0, %c0_i32 : i32, i32
  }
  func.func @transform_2(%arg0: i32) -> (i32, i32) {
    %c0_i32 = arith.constant 0 : i32
    %c0_i32_0 = arith.constant 0 : i32
    %c0_i32_1 = arith.constant 0 : i32
    return %c0_i32, %c0_i32_0 : i32, i32
  }
  func.func @transform_3(%arg0: i32) -> (i32, i32) {
    %c0_i32 = arith.constant 0 : i32
    %c0_i32_0 = arith.constant 0 : i32
    return %arg0, %c0_i32 : i32, i32
  }
  func.func @transform_4(%arg0: i32) -> (i32, i32) {
    %c0_i32 = arith.constant 0 : i32
    %c0_i32_0 = arith.constant 0 : i32
    return %arg0, %c0_i32 : i32, i32
  }
}

module attributes {stable_mosaic.version = 14 : i64} {
  func.func @body(%arg0: i32, %arg1: memref<2x2000x128xf32, #tpu.memory_space<vmem>>, %arg2: memref<2000x128xf32, #tpu.memory_space<vmem>>, %arg3: memref<2000x1xf32, #tpu.memory_space<vmem>>, %arg4: memref<1x128xf32, #tpu.memory_space<vmem>>, %arg5: memref<128x128xf32, #tpu.memory_space<vmem>>, %arg6: memref<2000x128xf32, #tpu.memory_space<vmem>>) attributes {dimension_semantics = [#tpu.dimension_semantics<arbitrary>], iteration_bounds = array<i64: 5>, scalar_prefetch = 0 : i64, scratch_operands = 0 : i64, tpu.core_type = #tpu.core_type<tc>, window_params = [{transform_indices = @transform_0, window_bounds = array<i64: 2, 2000, 128>}, {transform_indices = @transform_1, window_bounds = array<i64: 2000, 128>}, {transform_indices = @transform_2, window_bounds = array<i64: 2000, 1>}, {pipeline_mode = #tpu.pipeline_mode<synchronous>, transform_indices = @transform_3, window_bounds = array<i64: 1, 128>}, {pipeline_mode = #tpu.pipeline_mode<synchronous>, transform_indices = @transform_4, window_bounds = array<i64: 128, 128>}, {transform_indices = @transform_5, window_bounds = array<i64: 2000, 128>}]} {
    %get3A = arith.constant 0 : index
    %get3A_0 = arith.constant 0 : index
    %get3A_1 = vector.load %arg3[%get3A, %get3A_0] : memref<2000x1xf32, #tpu.memory_space<vmem>>, vector<2000x1xf32>
    %get3A_2 = arith.constant 0 : index
    %get3A_3 = arith.constant 0 : index
    %get3A_4 = arith.constant 0 : index
    %get3A_5 = vector.load %arg1[%get3A_2, %get3A_3, %get3A_4] : memref<2x2000x128xf32, #tpu.memory_space<vmem>>, vector<1x2000x128xf32>
    %get3A_6 = vector.shape_cast %get3A_5 : vector<1x2000x128xf32> to vector<2000x128xf32>
    %get3A_7 = arith.constant 1 : index
    %get3A_8 = arith.constant 0 : index
    %get3A_9 = arith.constant 0 : index
    %get3A_10 = vector.load %arg1[%get3A_7, %get3A_8, %get3A_9] : memref<2x2000x128xf32, #tpu.memory_space<vmem>>, vector<1x2000x128xf32>
    %get3A_11 = vector.shape_cast %get3A_10 : vector<1x2000x128xf32> to vector<2000x128xf32>
    %add3A = arith.addf %get3A_6, %get3A_11 : vector<2000x128xf32>
    %get3A_12 = arith.constant 0 : index
    %get3A_13 = arith.constant 0 : index
    %get3A_14 = vector.load %arg2[%get3A_12, %get3A_13] : memref<2000x128xf32, #tpu.memory_space<vmem>>, vector<2000x128xf32>
    %add3A_15 = arith.addf %add3A, %get3A_14 : vector<2000x128xf32>
    %mul3A = vector.broadcast %get3A_1 : vector<2000x1xf32> to vector<2000x128xf32>
    %mul3A_16 = arith.mulf %mul3A, %add3A_15 : vector<2000x128xf32>
    %get3A_17 = arith.constant 0 : index
    %get3A_18 = arith.constant 0 : index
    %get3A_19 = vector.load %arg4[%get3A_17, %get3A_18] : memref<1x128xf32, #tpu.memory_space<vmem>>, vector<1x128xf32>
    %add3A_20 = vector.broadcast %get3A_19 : vector<1x128xf32> to vector<2000x128xf32>
    %add3A_21 = arith.addf %mul3A_16, %add3A_20 : vector<2000x128xf32>
    %max3A = arith.constant 0.000000e+00 : f32
    %max3A_22 = vector.broadcast %max3A : f32 to vector<2000x128xf32>
    %max3A_23 = arith.maximumf %add3A_21, %max3A_22 : vector<2000x128xf32>
    %get3A_24 = arith.constant 0 : index
    %get3A_25 = arith.constant 0 : index
    %get3A_26 = vector.load %arg5[%get3A_24, %get3A_25] : memref<128x128xf32, #tpu.memory_space<vmem>>, vector<128x128xf32>
    %dot_general3A = arith.constant dense<0.000000e+00> : vector<2000x128xf32>
    %dot_general3A_27 = tpu.matmul %max3A_23, %get3A_26, %dot_general3A {dimension_numbers = #tpu.dot_dimension_numbers<[1], [0], [0], [1], [0, 0, 1, 1], [], []>, transpose_lhs_hint = false} : vector<2000x128xf32>, vector<128x128xf32>, vector<2000x128xf32> -> vector<2000x128xf32>
    %mul3A_28 = vector.broadcast %get3A_1 : vector<2000x1xf32> to vector<2000x128xf32>
    %mul3A_29 = arith.mulf %mul3A_28, %dot_general3A_27 : vector<2000x128xf32>
    %swap3A = arith.constant 0 : index
    %swap3A_30 = arith.constant 0 : index
    %swap3A_31 = vector.load %arg6[%swap3A, %swap3A_30] : memref<2000x128xf32, #tpu.memory_space<vmem>>, vector<2000x128xf32>
    tpu.vector_store %arg6[%swap3A, %swap3A_30], %mul3A_29 {strides = array<i32>} : memref<2000x128xf32, #tpu.memory_space<vmem>>, vector<2000x128xf32>,
    return
  }
  func.func @transform_0(%arg0: i32) -> (i32, i32, i32) {
    %c0_i32 = arith.constant 0 : i32
    %c0_i32_0 = arith.constant 0 : i32
    %c0_i32_1 = arith.constant 0 : i32
    return %c0_i32, %arg0, %c0_i32_0 : i32, i32, i32
  }
  func.func @transform_1(%arg0: i32) -> (i32, i32) {
    %c0_i32 = arith.constant 0 : i32
    %c0_i32_0 = arith.constant 0 : i32
    return %arg0, %c0_i32 : i32, i32
  }
  func.func @transform_2(%arg0: i32) -> (i32, i32) {
    %c0_i32 = arith.constant 0 : i32
    %c0_i32_0 = arith.constant 0 : i32
    return %arg0, %c0_i32 : i32, i32
  }
  func.func @transform_3(%arg0: i32) -> (i32, i32) {
    %c0_i32 = arith.constant 0 : i32
    %c0_i32_0 = arith.constant 0 : i32
    %c0_i32_1 = arith.constant 0 : i32
    return %c0_i32, %c0_i32_0 : i32, i32
  }
  func.func @transform_4(%arg0: i32) -> (i32, i32) {
    %c0_i32 = arith.constant 0 : i32
    %c0_i32_0 = arith.constant 0 : i32
    %c0_i32_1 = arith.constant 0 : i32
    return %c0_i32, %c0_i32_0 : i32, i32
  }
  func.func @transform_5(%arg0: i32) -> (i32, i32) {
    %c0_i32 = arith.constant 0 : i32
    %c0_i32_0 = arith.constant 0 : i32
    return %arg0, %c0_i32 : i32, i32
  }
}

module attributes {stable_mosaic.version = 14 : i64} {
  func.func @body(%arg0: i32, %arg1: memref<2x2000x128xf32, #tpu.memory_space<vmem>>, %arg2: memref<2000x128xf32, #tpu.memory_space<vmem>>, %arg3: memref<2000x1xf32, #tpu.memory_space<vmem>>, %arg4: memref<1x128xf32, #tpu.memory_space<vmem>>, %arg5: memref<2000x256xf32, #tpu.memory_space<vmem>>, %arg6: memref<256x128xf32, #tpu.memory_space<vmem>>) attributes {dimension_semantics = [#tpu.dimension_semantics<arbitrary>], iteration_bounds = array<i64: 5>, scalar_prefetch = 0 : i64, scratch_operands = 0 : i64, tpu.core_type = #tpu.core_type<tc>, window_params = [{transform_indices = @transform_0, window_bounds = array<i64: 2, 2000, 128>}, {transform_indices = @transform_1, window_bounds = array<i64: 2000, 128>}, {transform_indices = @transform_2, window_bounds = array<i64: 2000, 1>}, {pipeline_mode = #tpu.pipeline_mode<synchronous>, transform_indices = @transform_3, window_bounds = array<i64: 1, 128>}, {transform_indices = @transform_4, window_bounds = array<i64: 2000, 256>}, {pipeline_mode = #tpu.pipeline_mode<synchronous>, transform_indices = @transform_5, window_bounds = array<i64: 256, 128>}]} {
    %get3A = arith.constant 0 : index
    %get3A_0 = arith.constant 0 : index
    %get3A_1 = vector.load %arg3[%get3A, %get3A_0] : memref<2000x1xf32, #tpu.memory_space<vmem>>, vector<2000x1xf32>
    %get3A_2 = arith.constant 0 : index
    %get3A_3 = arith.constant 0 : index
    %get3A_4 = arith.constant 0 : index
    %get3A_5 = vector.load %arg1[%get3A_2, %get3A_3, %get3A_4] : memref<2x2000x128xf32, #tpu.memory_space<vmem>>, vector<1x2000x128xf32>
    %get3A_6 = vector.shape_cast %get3A_5 : vector<1x2000x128xf32> to vector<2000x128xf32>
    %get3A_7 = arith.constant 1 : index
    %get3A_8 = arith.constant 0 : index
    %get3A_9 = arith.constant 0 : index
    %get3A_10 = vector.load %arg1[%get3A_7, %get3A_8, %get3A_9] : memref<2x2000x128xf32, #tpu.memory_space<vmem>>, vector<1x2000x128xf32>
    %get3A_11 = vector.shape_cast %get3A_10 : vector<1x2000x128xf32> to vector<2000x128xf32>
    %add3A = arith.addf %get3A_6, %get3A_11 : vector<2000x128xf32>
    %get3A_12 = arith.constant 0 : index
    %get3A_13 = arith.constant 0 : index
    %get3A_14 = vector.load %arg2[%get3A_12, %get3A_13] : memref<2000x128xf32, #tpu.memory_space<vmem>>, vector<2000x128xf32>
    %add3A_15 = arith.addf %add3A, %get3A_14 : vector<2000x128xf32>
    %mul3A = vector.broadcast %get3A_1 : vector<2000x1xf32> to vector<2000x128xf32>
    %mul3A_16 = arith.mulf %mul3A, %add3A_15 : vector<2000x128xf32>
    %get3A_17 = arith.constant 0 : index
    %get3A_18 = arith.constant 0 : index
    %get3A_19 = vector.load %arg4[%get3A_17, %get3A_18] : memref<1x128xf32, #tpu.memory_space<vmem>>, vector<1x128xf32>
    %add3A_20 = vector.broadcast %get3A_19 : vector<1x128xf32> to vector<2000x128xf32>
    %add3A_21 = arith.addf %mul3A_16, %add3A_20 : vector<2000x128xf32>
    %get3A_22 = arith.constant 0 : index
    %get3A_23 = arith.constant 0 : index
    %get3A_24 = vector.load %arg5[%get3A_22, %get3A_23] : memref<2000x256xf32, #tpu.memory_space<vmem>>, vector<2000x256xf32>
    %dot_general3A = arith.constant dense<0.000000e+00> : vector<256x128xf32>
    %dot_general3A_25 = tpu.matmul %get3A_24, %add3A_21, %dot_general3A {dimension_numbers = #tpu.dot_dimension_numbers<[0], [0], [1], [1], [0, 1, 1, 1], [], []>, transpose_lhs_hint = false} : vector<2000x256xf32>, vector<2000x128xf32>, vector<256x128xf32> -> vector<256x128xf32>
    %eq3A = arith.constant 0 : i32
    %eq3A_26 = arith.cmpi eq, %arg0, %eq3A : i32
    %convert_element_type3A = arith.extui %eq3A_26 : i1 to i32
    %cond3A = arith.constant 0 : i32
    %cond3A_27 = arith.cmpi ne, %convert_element_type3A, %cond3A : i32
    scf.if %cond3A_27 {
      %broadcast_in_dim3A = arith.constant 0.000000e+00 : f32
      %broadcast_in_dim3A_34 = vector.broadcast %broadcast_in_dim3A : f32 to vector<256x128xf32>
      %swap3A_35 = arith.constant 0 : index
      %swap3A_36 = arith.constant 0 : index
      %swap3A_37 = vector.load %arg6[%swap3A_35, %swap3A_36] : memref<256x128xf32, #tpu.memory_space<vmem>>, vector<256x128xf32>
      tpu.vector_store %arg6[%swap3A_35, %swap3A_36], %broadcast_in_dim3A_34 {strides = array<i32>} : memref<256x128xf32, #tpu.memory_space<vmem>>, vector<256x128xf32>,
    } else {
    }
    %get3A_28 = arith.constant 0 : index
    %get3A_29 = arith.constant 0 : index
    %get3A_30 = vector.load %arg6[%get3A_28, %get3A_29] : memref<256x128xf32, #tpu.memory_space<vmem>>, vector<256x128xf32>
    %add3A_31 = arith.addf %get3A_30, %dot_general3A_25 : vector<256x128xf32>
    %swap3A = arith.constant 0 : index
    %swap3A_32 = arith.constant 0 : index
    %swap3A_33 = vector.load %arg6[%swap3A, %swap3A_32] : memref<256x128xf32, #tpu.memory_space<vmem>>, vector<256x128xf32>
    tpu.vector_store %arg6[%swap3A, %swap3A_32], %add3A_31 {strides = array<i32>} : memref<256x128xf32, #tpu.memory_space<vmem>>, vector<256x128xf32>,
    return
  }
  func.func @transform_0(%arg0: i32) -> (i32, i32, i32) {
    %c0_i32 = arith.constant 0 : i32
    %c0_i32_0 = arith.constant 0 : i32
    %c0_i32_1 = arith.constant 0 : i32
    return %c0_i32, %arg0, %c0_i32_0 : i32, i32, i32
  }
  func.func @transform_1(%arg0: i32) -> (i32, i32) {
    %c0_i32 = arith.constant 0 : i32
    %c0_i32_0 = arith.constant 0 : i32
    return %arg0, %c0_i32 : i32, i32
  }
  func.func @transform_2(%arg0: i32) -> (i32, i32) {
    %c0_i32 = arith.constant 0 : i32
    %c0_i32_0 = arith.constant 0 : i32
    return %arg0, %c0_i32 : i32, i32
  }
  func.func @transform_3(%arg0: i32) -> (i32, i32) {
    %c0_i32 = arith.constant 0 : i32
    %c0_i32_0 = arith.constant 0 : i32
    %c0_i32_1 = arith.constant 0 : i32
    return %c0_i32, %c0_i32_0 : i32, i32
  }
  func.func @transform_4(%arg0: i32) -> (i32, i32) {
    %c0_i32 = arith.constant 0 : i32
    %c0_i32_0 = arith.constant 0 : i32
    return %arg0, %c0_i32 : i32, i32
  }
  func.func @transform_5(%arg0: i32) -> (i32, i32) {
    %c0_i32 = arith.constant 0 : i32
    %c0_i32_0 = arith.constant 0 : i32
    %c0_i32_1 = arith.constant 0 : i32
    return %c0_i32, %c0_i32_0 : i32, i32
  }
}

</mosaic_0001>

<sc_bundles>
// kernel: kernel.11.cloned.1.call-start
scs
__scs_entry_jumppad:
0x0: {  	(pc) =	sbr.rel $0x88, $3  }
0x1: {  	(tag) =	ssettag $0x0;
	lr =	simm.s32 $0x1  }
0x2: {  	[smem:$0x3F9A] =	sst lr;
	_ =	strace $0xD0000000  }
0x3: {  	_ = 	snop  }
0x4: {  	_ = 	snop  }
0x5: {  	_ = 	snop  }
0x6: {  	_ = 	snop  }
0x7: {  	_ = 	snop  }
__scs_overlays_trampoline_lowered:
0x8: {  	[smem:$0x3FA9] =	sst s0  }
0x9: {  	[smem:$0x3FAA] =	sst s1  }
0xa: {  	[smem:$0x3FAB] =	sst s2  }
0xb: {  	[smem:$0x3FAC] =	sst s3  }
0xc: {  	[smem:$0x3FAD] =	sst s4  }
0xd: {  	[smem:$0x3FAE] =	sst s5  }
0xe: {  	[smem:$0x3FAF] =	sst s6  }
0xf: {  	[smem:$0x3FB0] =	sst s7  }
0x10: {  	[smem:$0x3FB1] =	sst s8  }
0x11: {  	[smem:$0x3FB2] =	sst s9;
	s0 =	simm.s32 @!p0 $0x0  }
0x12: {  	s1 =	sld [smem:$0x3F98];
	s0 =	simm.s32 @p0 $0x1  }
0x13: {  	[smem:$0x3FB3] =	sst s0;
	s0 =	simm.s32 @!p1 $0x0  }
0x14: {  	s2 =	sld [smem:$0x3F97];
	s0 =	simm.s32 @p1 $0x1  }
0x15: {  	[smem:$0x3FB4] =	sst s0;
	s0 =	simm.s32 @!p2 $0x0  }
0x16: {  	s3 =	sld [smem:$0x3FDB];
	s0 =	simm.s32 @p2 $0x1  }
0x17: {  	s4 =	simm.s32 $0x1BF5;
	[smem:$0x3FB6] =	sst s0  }
0x18: {  	s0 =	sld [smem:$0x3F99];
	_ =	swait.ge [sflag:s4], $0x0  }
0x19: {  	s7 =	sld [smem:$0x3F9A]  }
0x1a: {  	s8 =	sadd.s32 $0xFFFFE003, lr  }
0x1b: {  	s9 =	sadd.s32 $0xFFFFFEF7, lr;
	s5 =	simm.s32 $0xFFFFFFFF;
	p2 =	slt.u32 s8, $0xFFFFF086  }
0x1c: {  	p1 =	slt.u32 s9, $0xF7A;
	s5 =	simm.s32 @!p2 $0x0  }
0x1d: {  	s5 =	simm.s32 @p1 $0x1;
	p0 =	seq.s32 s7, s2  }
0x1e: {  	s7 =	smul.u32 @!p0 $0xF7A, s2;
	p2 =	seq.s32 @!p0 s5, $0x0  }
0x1f: {  	s9 =	smul.u32 $0xF7A, s1;
	s8 =	simm.s32 @!p0 $0x1BF5;
	p2 =	por !p2, p0  }
0x20: {  	[sflag:s8] =	ssyncset.s32 @!p0 $0xFFFFF086;
	s6 =	sadd.s32 @!p0 s3, s7;
	s7 =	simm.s32 @!p0 $0x108  }
0x21: {  	s3 =	sadd.s32 s3, s9;
	s6 =	sadd.s32 @!p0 $0x88, s6;
	s7 =	simm.s32 @p2 $0x1082  }
0x22: {  	[simem:s7], [sflag:s8] =	dma.local @!p0 [hbm:s6], $0xF7A  }
0x23: {  	s9 =	sor.u32 $0xD0000000, s2;
	s6 =	simm.s32 $0x108;
	_ =	swait.ge @!p0 [sflag:s8], $0x0  }
0x24: {  	s3 =	sadd.s32 $0x88, s3;
	s6 =	simm.s32 @!p1 $0x1082;
	[sflag:s4] =	ssyncset.s32 $0xFFFFF086  }
0x25: {  	[simem:s6], [sflag:s4] =	dma.local [hbm:s3], $0xF7A  }
0x26: {  	[smem:$0x3F9A] =	sst s1;
	(tag) =	ssettag s2;
	_ =	strace s9  }
0x27: {  	s1 =	sld [smem:$0x3FAA]  }
0x28: {  	s2 =	sld [smem:$0x3FAB]  }
0x29: {  	s4 =	sld [smem:$0x3FAD]  }
0x2a: {  	p0 =	seq.s32 s5, $0x0;
	s5 =	sld [smem:$0x3FAE]  }
0x2b: {  	s6 =	sld [smem:$0x3FAF]  }
0x2c: {  	s7 =	sld [smem:$0x3FB0]  }
0x2d: {  	s3 =	simm.s32 $0x108;
	s8 =	sld [smem:$0x3FB1]  }
0x2e: {  	s3 =	simm.s32 @!p0 $0x1082;
	s9 =	sld [smem:$0x3FB2]  }
0x2f: {  	lr =	sadd.s32 s0, s3;
	s0 =	sld [smem:$0x3FA9]  }
0x30: {  	s3 =	sld [smem:$0x3FAC]  }
0x31: {  	[smem:$0x3FB5] =	sst s10  }
0x32: {  	s10 =	sld [smem:$0x3FB3];
	_ =	sdelay $0x3  }
0x33: {  	p0 =	seq.s32 s10, $0x1;
	s10 =	sld [smem:$0x3FB5];
	_ =	sdelay $0x3  }
0x34: {  	[smem:$0x3FB5] =	sst s10  }
0x35: {  	s10 =	sld [smem:$0x3FB4];
	_ =	sdelay $0x3  }
0x36: {  	p1 =	seq.s32 s10, $0x1;
	s10 =	sld [smem:$0x3FB5];
	_ =	sdelay $0x3  }
0x37: {  	[smem:$0x3FB5] =	sst s10  }
0x38: {  	s10 =	sld [smem:$0x3FB6]  }
0x39: {  	_ = 	snop;
	(pc) =	sbr.ind lr, $3  }
0x3a: {  	_ = 	snop  }
0x3b: {  	_ = 	snop  }
0x3c: {  	p2 =	seq.s32 s10, $0x1;
	s10 =	sld [smem:$0x3FB5]  }
0x3d: {  	_ =	shalt  }
0x3e: {  	_ =	shalt  }
0x3f: {  	_ =	shalt  }
0x40: {  	_ =	shalt  }
0x41: {  	_ =	shalt  }
0x42: {  	_ =	shalt  }
0x43: {  	_ =	shalt  }
0x44: {  	_ =	shalt  }
0x45: {  	_ =	shalt  }
0x46: {  	_ =	shalt  }
0x47: {  	_ =	shalt  }
0x48: {  	_ =	shalt  }
0x49: {  	_ =	shalt  }
0x4a: {  	_ =	shalt  }
0x4b: {  	_ =	shalt  }
0x4c: {  	_ =	shalt  }
0x4d: {  	_ =	shalt  }
0x4e: {  	_ =	shalt  }
0x4f: {  	_ =	shalt  }
0x50: {  	_ =	shalt  }
0x51: {  	_ =	shalt  }
0x52: {  	_ =	shalt  }
0x53: {  	_ =	shalt  }
0x54: {  	_ =	shalt  }
0x55: {  	_ =	shalt  }
0x56: {  	_ =	shalt  }
0x57: {  	_ =	shalt  }
0x58: {  	_ =	shalt  }
0x59: {  	_ =	shalt  }
0x5a: {  	_ =	shalt  }
0x5b: {  	_ =	shalt  }
0x5c: {  	_ =	shalt  }
0x5d: {  	_ =	shalt  }
0x5e: {  	_ =	shalt  }
0x5f: {  	_ =	shalt  }
0x60: {  	_ =	shalt  }
0x61: {  	_ =	shalt  }
0x62: {  	_ =	shalt  }
0x63: {  	_ =	shalt  }
0x64: {  	_ =	shalt  }
0x65: {  	_ =	shalt  }
0x66: {  	_ =	shalt  }
0x67: {  	_ =	shalt  }
0x68: {  	_ =	shalt  }
0x69: {  	_ =	shalt  }
0x6a: {  	_ =	shalt  }
0x6b: {  	_ =	shalt  }
0x6c: {  	_ =	shalt  }
0x6d: {  	_ =	shalt  }
0x6e: {  	_ =	shalt  }
0x6f: {  	_ =	shalt  }
0x70: {  	_ =	shalt  }
0x71: {  	_ =	shalt  }
0x72: {  	_ =	shalt  }
0x73: {  	_ =	shalt  }
0x74: {  	_ =	shalt  }
0x75: {  	_ =	shalt  }
0x76: {  	_ =	shalt  }
0x77: {  	_ =	shalt  }
0x78: {  	_ =	shalt  }
0x79: {  	_ =	shalt  }
0x7a: {  	_ =	shalt  }
0x7b: {  	_ =	shalt  }
0x7c: {  	_ =	shalt  }
0x7d: {  	_ =	shalt  }
0x7e: {  	_ =	shalt  }
0x7f: {  	_ =	shalt  }
0x80: {  	_ =	shalt  }
0x81: {  	_ =	shalt  }
0x82: {  	_ =	shalt  }
0x83: {  	_ =	shalt  }
0x84: {  	_ =	shalt  }
0x85: {  	_ =	shalt  }
0x86: {  	_ =	shalt  }
0x87: {  	_ =	shalt  }
.Lfunc_end0:
.L_simem_size_0:
called_computation.1_lowered:
.L_overlay_start_0:
0x88: {  	s2 =	sld [smem:$0x3FD9]  }
0x89: {  	s3 =	sld [smem:$0x3FFE];
	_ =	sdelay $0x1  }
0x8a: {  	s1 =	srdreg.scid  }
0x8b: {  	s0 =	sand.u32 $0x1, s1  }
0x8c: {  	s16 =	sshll.u32 s0, $0xA;
	s2 =	sadd.s32 s3, s2  }
0x8d: {  	s2 =	sadd.s32 s2, s16  }
0x8e: {  	[smem:$0x3FC1] =	sst s2  }
0x8f: {  	_ = 	snop  }
0x90: {  	(tm) =	ssettm $0x1  }
0x91: {  	s17 =	sld [smem:$0x3FFB];
	_ =	sdelay $0x3  }
0x92: {  	_ =	strace s17  }
0x93: {  	s2 =	sld [smem:$0x3FFC];
	_ =	sdelay $0x3  }
0x94: {  	_ =	strace s2  }
0x95: {  	s2 =	sld [smem:$0x3FFD];
	_ =	sdelay $0x3  }
0x96: {  	_ =	strace s2  }
0x97: {  	_ =	strace $0x8FFFFFFF  }
0x98: {  	s18 =	sld [smem:$0x3FDB];
	_ =	sdelay $0x1  }
0x99: {  	s19 =	simm.s32 $_scs_section_size  }
0x9a: {  	s4 =	simm.s32 $_size__tile_overlayer_lowered;
	s5 =	simm.s32 $_tile_overlayer_lowered  }
0x9b: {  	s22 =	simm.s32 $0x1BFF;
	s21 =	sshll.u32 s5, $0x1;
	s2 =	sadd.s32 s19, s18  }
0x9c: {  	s6 =	simm.s32 $0x0;
	s20 =	sshll.u32 s4, $0x1;
	s4 =	sadd.s32 s21, s2  }
0x9d: {  	[timem:s6], [sflag:s22] =	dma.local [hbm:s4], s20  }
0x9e: {  	_ =	swait.ge [sflag:s22], s20  }
0x9f: {  	s3 =	ssub.s32 $0x0, s20;
	[sflag:s22] =	ssyncset.done $0x0  }
0xa0: {  	[sflag:s22] =	ssyncadd.s32 s3;
	_ =	sdelay $0x1  }
0xa1: {  	s23 =	simm.s32 $0x1B8B  }
0xa2: {  	_ =	swait.ge [sflag:s23], $0x1  }
0xa3: {  	[sflag:s23] =	ssyncset.done $0x0  }
0xa4: {  	s25 =	simm.s32 $0x1B8E;
	s24 =	sld [smem:$0x3FFE];
	[sflag:s23] =	ssyncadd.s32 $0xFFFFFFFF  }
0xa5: {  	s26 =	simm.s32 $execute0_lowered;
	[smem:$0x3FD2] =	sst s25  }
0xa6: {  	s4 =	sshll.u32 s26, $0x1;
	_ =	strace $0x80000049;
	[dreg:$0x1] =	wrdreg $0xFFFFFFFF  }
0xa7: {  	s28 =	simm.s32 $_size_execute0_lowered;
	s2 =	sadd.s32 s2, s4;
	[dreg:$0x0] =	wrdreg $0x0  }
0xa8: {  	s4 =	sshll.u32 s28, $0x1;
	[dreg:$0x2] =	wrdreg s2  }
0xa9: {  	[dreg:$0x3] =	wrdreg s4  }
0xaa: {  	[dreg:$0x4] =	wrdreg $0xC0  }
0xab: {  	_ =	task [dreg:s6], $0x5FFFF  }
0xac: {  	[dreg:$0x1] =	wrdreg $0xFFFFFFFF  }
0xad: {  	[dreg:$0x0] =	wrdreg $0x60  }
0xae: {  	[dreg:$0x2] =	wrdreg s24  }
0xaf: {  	[dreg:$0x3] =	wrdreg $0xBF000  }
0xb0: {  	[dreg:$0x4] =	wrdreg $0x9  }
0xb1: {  	_ =	task.clear_ibuf [dreg:s6], $0x5FFFF;
	_ =	strace $0x90000049  }
0xb2: {  	s29 =	simm.s32 $0x9;
	_ =	strace $0x8000004B  }
0xb3: {  	_ =	swait.ge [sflag:s29], $0x1  }
0xb4: {  	[sflag:s29] =	ssyncadd.s32 $0xFFFFFFFF  }
0xb5: {  	_ =	strace $0x9000004B  }
0xb6: {  	_ =	sfence  }
0xb7: {  	s30 =	sld [smem:$0x0];
	_ =	sdelay $0x2  }
0xb8: {  	s31 =	sshll.u32 s1, $0xD;
	s1 =	sshrl.u32 s1, $0x2  }
0xb9: {  	s3 =	sand.u32 $0x4000, s31;
	s1 =	sadd.s32 s1, s30  }
0xba: {  	s0 =	sor.u32 s3, s0;
	s1 =	sshll.u32 s1, $0x11  }
0xbb: {  	s0 =	sor.u32 s1, s0  }
0xbc: {  	s0 =	sadd.s32 $0x8F2B, s0  }
0xbd: {  	[sflag:s0] =	ssyncadd.remote.s32 $0x1  }
0xbe: {  	_ =	sfence.sel $0xFFFF  }
0xbf: {  	[dreg:$0x0] =	wrdreg $0xFFFFFFFF;
	(pc) =	sbr.abs _section_cstart, $3  }
0xc0: {  	[dreg:$0x1] =	wrdreg $0xFFFFFFFF  }
0xc1: {  	_ =	task.clear_ibuf [dreg:s6], $0x2FFFF;
	_ =	strace $0x9FFFFFFF  }
0xc2: {  	(tm) =	ssettm $0x7FFFFFFF  }
0xc3: {  	_ =	shalt  }
tec
execute0_lowered:
.L_overlay_start_1:
0x0: {  	(tag) =	ssettag $0x1  }
0x1: {  	s0 =	rddreg [dreg:$0x0]  }
0x2: {  	s2 =	rddreg [dreg:$0x1];
	s1 =	srdreg.scid  }
0x3: {  	s15 =	stileid.u32;
	s12 =	simm.s32 $0x80;
	s13 =	simm.s32 $0x400  }
0x4: {  	s14 =	simm.s32 $0x7;
	s18 =	simm.s32 $0x30;
	s19 =	simm.s32 $0x7700  }
0x5: {  	s20 =	simm.s32 $0x8F00;
	s28 =	simm.s32 $0x5;
	s29 =	simm.s32 $0x6  }
0x6: {  	s30 =	simm.s32 $0x0;
	s1 =	sand.u32 $0x1, s1;
	s21 =	smul.u32 $0x13C00, s15  }
0x7: {  	s3 =	sshrl.u32 s15, $0x2;
	s4 =	sshll.u32 s15, $0x8;
	s9 =	smul.u32 $0x4F000, s15  }
0x8: {  	s31 =	sshll.u32 s15, $0x6;
	s5 =	smul.u32 $0x1DC00, s3;
	s6 =	sshll.u32 s1, $0x7  }
0x9: {  	s4 =	sand.u32 $0x300, s4;
	s3 =	simm.s32 $0x0;
	s7 =	smul.u32 $0x13C000, s1  }
0xa: {  	s25 =	ssub.s32 $0x2, s1;
	p0 =	seq.s32 s1, $0x0;
	s1 =	simm.s32 $0x69  }
0xb: {  	s16 =	sor.u32 $0x1C07, s31;
	s4 =	sor.u32 s6, s4;
	[smem:$0x7FF] =	sst s3  }
0xc: {  	s22 =	sshrl.u32 s21, $0x3;
	s26 =	sshrl.u32 s25, $0x1;
	s1 =	simm.s32 @!p0 $0x23  }
0xd: {  	s9 =	sshrl.u32 s9, $0x2;
	s5 =	sor.u32 s5, s4;
	_ =	strace $0x8000004A  }
0xe: {  	s4 =	sadd.s32 $0x33A00, s0;
	s6 =	sadd.s32 s21, s7;
	s23 =	sadd.s32 s22, s0  }
0xf: {  	s10 =	ssub.s32 s25, s26;
	s17 =	sadd.s32 s9, s2;
	s11 =	smul.u32 $0x240, s1  }
0x10: {  	s21 =	simm.s32 $0x60;
	s22 =	simm.s32 $0xA700;
	s25 =	simm.s32 $0x3  }
0x11: {  	s26 =	simm.s32 $0x4;
	s5 =	sshrl.u32 s5, $0x3;
	s24 =	sshrl.u32 s6, $0x3  }
0x12: {  	s7 =	sadd.s32 $0x5AC00, s23;
	s10 =	smax.u32 s10, $0x1;
	s17 =	sshrl.u32 s17, $0x3  }
0x13: {  	s23 =	simm.s32 $0x1;
	s8 =	sadd.s32 s5, s0;
	s0 =	sadd.s32 s24, s0  }
0x14: {  	s11 =	sadd.s32 $0xFFFFFDC0, s11;
	s24 =	simm.s32 $0x2;
	s5 =	sadd.s32 $0x24C00, s8  }
0x15: {  	s6 =	sadd.s32 $0x15E00, s8;
	s8 =	sadd.s32 $0xFFFFFFFF, s1;
	s9 =	sadd.s32 $0x82400, s0  }
.LBB2_1:
0x16: {  	[tilespmem:s3], [sflag:$0x7] =	stream.strided.gather [hbm4b:s5+s12], $0x3B80, s13, s12, $0x38;
	[tilespmem:$0x1FB00] =	vst v63  }
0x17: {  	_ =	swait.ge [sflag:s14], $0x3B80  }
0x18: {  	[sflag:s14] =	ssyncset.done $0x0  }
0x19: {  	s0 =	simm.s32 $0x3B80;
	[sflag:s14] =	ssyncadd.s32 $0xFFFFC480  }
0x1a: {  	[tilespmem:s0], [sflag:$0x7] =	stream.strided.gather [hbm4b:s6+s12], $0x3B80, s13, s12, $0x38;
	[tilespmem:$0x1FB00] =	vst v63  }
0x1b: {  	_ =	swait.ge [sflag:s14], $0x3B80  }
0x1c: {  	[sflag:s14] =	ssyncset.done $0x0  }
0x1d: {  	[sflag:s14] =	ssyncadd.s32 $0xFFFFC480  }
0x1e: {  	[spmem:s17], [sflag:s16] =	dma.local [hbm:s7], $0x2780  }
0x1f: {  	_ =	swait.ge [sflag:s14], $0x2780  }
0x20: {  	[sflag:s14] =	ssyncset.done $0x0  }
0x21: {  	[sflag:s14] =	ssyncadd.s32 $0xFFFFD880  }
0x22: {  	[bflag:$0x0] =	sbarrier.arrive $0xFFFF  }
0x23: {  	[tilespmem:s19], [sflag:$0x1] =	stream.indirect.gather [hbm4b:s4+s18], $0x80, s3, s18, $0xb8;
	[tilespmem:$0x1FB00] =	vst v63  }
0x24: {  	_ = 	snop  }
0x25: {  	[tilespmem:s20], [sflag:$0x2] =	stream.indirect.gather [hbm4b:s4+s18], $0x80, s18, s18, $0xb8;
	[tilespmem:$0x1FB00] =	vst v63  }
0x26: {  	_ = 	snop  }
0x27: {  	[tilespmem:s22], [sflag:$0x3] =	stream.indirect.gather [hbm4b:s4+s18], $0x80, s21, s18, $0xb8;
	[tilespmem:$0x1FB00] =	vst v63  }
0x28: {  	_ =	swait.ge [sflag:s23], $0x1800  }
0x29: {  	[sflag:s23] =	ssyncset.done $0x0  }
0x2a: {  	s15 =	simm.s32 $0x3B80;
	[sflag:s23] =	ssyncadd.s32 $0xFFFFE800  }
0x2b: {  	[spmem:s2] =	stream.indirect.scatter.add.f32 [tilespmem:s19], [sflag:$0x4], $0x80, s15, s18, $0xb8;
	[tilespmem:$0x1FB00] =	vst v63  }
0x2c: {  	_ =	swait.ge [sflag:s24], $0x1800  }
0x2d: {  	[sflag:s24] =	ssyncset.done $0x0  }
0x2e: {  	s1 =	simm.s32 $0x3BB0;
	[sflag:s24] =	ssyncadd.s32 $0xFFFFE800  }
0x2f: {  	[spmem:s2] =	stream.indirect.scatter.add.f32 [tilespmem:s20], [sflag:$0x5], $0x80, s1, s18, $0xb8;
	[tilespmem:$0x1FB00] =	vst v63  }
0x30: {  	_ =	swait.ge [sflag:s25], $0x1800  }
0x31: {  	[sflag:s25] =	ssyncset.done $0x0  }
0x32: {  	s15 =	simm.s32 $0x3BE0;
	[sflag:s25] =	ssyncadd.s32 $0xFFFFE800  }
0x33: {  	[spmem:s2] =	stream.indirect.scatter.add.f32 [tilespmem:s22], [sflag:$0x6], $0x80, s15, s18, $0xb8;
	[tilespmem:$0x1FB00] =	vst v63  }
0x34: {  	_ =	swait.ge [sflag:s26], $0x1800  }
0x35: {  	[sflag:s26] =	ssyncset.done $0x0  }
0x36: {  	s1 =	simm.s32 $0x90;
	[sflag:s26] =	ssyncadd.s32 $0xFFFFE800  }
0x37: {  	[tilespmem:s19], [sflag:$0x1] =	stream.indirect.gather [hbm4b:s4+s18], $0x80, s1, s18, $0xb8;
	[tilespmem:$0x1FB00] =	vst v63  }
0x38: {  	_ =	swait.ge [sflag:s28], $0x1800  }
0x39: {  	p0 =	sne.s32 s11, $0x240;
	[sflag:s28] =	ssyncset.done $0x0  }
.Ltmp0:
0x3a: {  	s15 =	simm.s32 $0xC0;
	[sflag:s28] =	ssyncadd.s32 $0xFFFFE800;
	(pc) =	sbr.rel @!p0 .LBB2_3-.Ltmp0, $4  }
0x3b: {  	[tilespmem:s20], [sflag:$0x2] =	stream.indirect.gather [hbm4b:s4+s18], $0x80, s15, s18, $0xb8;
	[tilespmem:$0x1FB00] =	vst v63  }
0x3c: {  	_ =	swait.ge [sflag:s29], $0x1800  }
0x3d: {  	s31 =	simm.s32 $0x240;
	[sflag:s29] =	ssyncset.done $0x0  }
0x3e: {  	s0 =	simm.s32 $0x1;
	s1 =	simm.s32 $0xF0;
	[sflag:s29] =	ssyncadd.s32 $0xFFFFE800  }
.LBB2_2:
0x3f: {  	[tilespmem:s22], [sflag:$0x3] =	stream.indirect.gather [hbm4b:s4+s18], $0x80, s1, s18, $0xb8;
	[tilespmem:$0x1FB00] =	vst v63  }
0x40: {  	s1 =	smov.u32 s31;
	s31 =	sadd.s32 $0x240, s31;
	_ =	swait.ge [sflag:s23], $0x1800  }
0x41: {  	s1 =	sshra.s32 s1, $0x2;
	p0 =	sne.s32 s11, s31;
	[sflag:s23] =	ssyncset.done $0x0  }
0x42: {  	s15 =	sadd.s32 $0x3B80, s1;
	[sflag:s23] =	ssyncadd.s32 $0xFFFFE800  }
0x43: {  	[spmem:s2] =	stream.indirect.scatter.add.f32 [tilespmem:s19], [sflag:$0x4], $0x80, s15, s18, $0xb8;
	[tilespmem:$0x1FB00] =	vst v63  }
0x44: {  	_ =	swait.ge [sflag:s24], $0x1800  }
0x45: {  	[sflag:s24] =	ssyncset.done $0x0  }
0x46: {  	s15 =	sadd.s32 $0x3BB0, s1;
	[sflag:s24] =	ssyncadd.s32 $0xFFFFE800  }
0x47: {  	[spmem:s2] =	stream.indirect.scatter.add.f32 [tilespmem:s20], [sflag:$0x5], $0x80, s15, s18, $0xb8;
	[tilespmem:$0x1FB00] =	vst v63  }
0x48: {  	_ =	swait.ge [sflag:s25], $0x1800  }
0x49: {  	[sflag:s25] =	ssyncset.done $0x0  }
0x4a: {  	s15 =	sadd.s32 $0x3BE0, s1;
	[sflag:s25] =	ssyncadd.s32 $0xFFFFE800  }
0x4b: {  	[spmem:s2] =	stream.indirect.scatter.add.f32 [tilespmem:s22], [sflag:$0x6], $0x80, s15, s18, $0xb8;
	[tilespmem:$0x1FB00] =	vst v63  }
0x4c: {  	_ =	swait.ge [sflag:s26], $0x1800  }
0x4d: {  	[sflag:s26] =	ssyncset.done $0x0  }
0x4e: {  	s15 =	sadd.s32 $0x90, s1;
	[sflag:s26] =	ssyncadd.s32 $0xFFFFE800  }
0x4f: {  	[tilespmem:s19], [sflag:$0x1] =	stream.indirect.gather [hbm4b:s4+s18], $0x80, s15, s18, $0xb8;
	[tilespmem:$0x1FB00] =	vst v63  }
0x50: {  	_ =	swait.ge [sflag:s28], $0x1800  }
0x51: {  	[sflag:s28] =	ssyncset.done $0x0  }
.Ltmp1:
0x52: {  	s15 =	sadd.s32 $0xC0, s1;
	[sflag:s28] =	ssyncadd.s32 $0xFFFFE800;
	(pc) =	sbr.rel @p0 .LBB2_2-.Ltmp1, $4  }
0x53: {  	[tilespmem:s20], [sflag:$0x2] =	stream.indirect.gather [hbm4b:s4+s18], $0x80, s15, s18, $0xb8;
	[tilespmem:$0x1FB00] =	vst v63  }
0x54: {  	_ =	swait.ge [sflag:s29], $0x1800  }
0x55: {  	[sflag:s29] =	ssyncset.done $0x0  }
0x56: {  	s0 =	sadd.s32 $0x1, s0;
	s1 =	sadd.s32 $0xF0, s1;
	[sflag:s29] =	ssyncadd.s32 $0xFFFFE800  }
.LBB2_3:
0x57: {  	[tilespmem:s22], [sflag:$0x3] =	stream.indirect.gather [hbm4b:s4+s18], $0x80, s1, s18, $0xb8;
	[tilespmem:$0x1FB00] =	vst v63  }
0x58: {  	_ =	swait.ge [sflag:s23], $0x1800  }
0x59: {  	s1 =	sshra.s32 s31, $0x2;
	[sflag:s23] =	ssyncset.done $0x0  }
0x5a: {  	s15 =	sadd.s32 $0x3B80, s1;
	[sflag:s23] =	ssyncadd.s32 $0xFFFFE800  }
0x5b: {  	[spmem:s2] =	stream.indirect.scatter.add.f32 [tilespmem:s19], [sflag:$0x4], $0x80, s15, s18, $0xb8;
	[tilespmem:$0x1FB00] =	vst v63  }
0x5c: {  	_ =	swait.ge [sflag:s24], $0x1800  }
0x5d: {  	[sflag:s24] =	ssyncset.done $0x0  }
0x5e: {  	s15 =	sadd.s32 $0x3BB0, s1;
	[sflag:s24] =	ssyncadd.s32 $0xFFFFE800  }
0x5f: {  	[spmem:s2] =	stream.indirect.scatter.add.f32 [tilespmem:s20], [sflag:$0x5], $0x80, s15, s18, $0xb8;
	[tilespmem:$0x1FB00] =	vst v63  }
0x60: {  	_ =	swait.ge [sflag:s25], $0x1800  }
0x61: {  	[sflag:s25] =	ssyncset.done $0x0  }
0x62: {  	s1 =	sadd.s32 $0x3BE0, s1;
	[sflag:s25] =	ssyncadd.s32 $0xFFFFE800  }
0x63: {  	[spmem:s2] =	stream.indirect.scatter.add.f32 [tilespmem:s22], [sflag:$0x6], $0x80, s1, s18, $0xb8;
	[tilespmem:$0x1FB00] =	vst v63  }
0x64: {  	p0 =	slt.u32 s0, s8;
	_ =	swait.ge [sflag:s26], $0x1800  }
0x65: {  	s0 =	sshra.s32 @p0 s31, $0x2;
	s31 =	simm.s32 @p0 $0x7700;
	[sflag:s26] =	ssyncset.done $0x0  }
0x66: {  	s15 =	simm.s32 @p0 $0x30;
	s1 =	sadd.s32 @p0 $0x90, s0;
	[sflag:s26] =	ssyncadd.s32 $0xFFFFE800  }
0x67: {  	[tilespmem:s31], [sflag:$0x1] =	stream.indirect.gather @p0 [hbm4b:s4+s15], $0x80, s1, s15, $0xb8;
	[tilespmem:$0x1FB00] =	vst v63  }
0x68: {  	s1 =	simm.s32 @p0 $0x5  }
0x69: {  	_ =	swait.ge @p0 [sflag:s1], $0x1800  }
0x6a: {  	[sflag:s1] =	ssyncset.done @p0 $0x0  }
0x6b: {  	s31 =	simm.s32 @p0 $0x8F00;
	[sflag:s1] =	ssyncadd.s32 @p0 $0xFFFFE800;
	s1 =	sadd.s32 @p0 $0xC0, s0  }
0x6c: {  	[tilespmem:s31], [sflag:$0x2] =	stream.indirect.gather @p0 [hbm4b:s4+s15], $0x80, s1, s15, $0xb8;
	[tilespmem:$0x1FB00] =	vst v63  }
0x6d: {  	s1 =	simm.s32 @p0 $0x6  }
0x6e: {  	_ =	swait.ge @p0 [sflag:s1], $0x1800  }
0x6f: {  	[sflag:s1] =	ssyncset.done @p0 $0x0  }
0x70: {  	s0 =	sadd.s32 @p0 $0xF0, s0;
	[sflag:s1] =	ssyncadd.s32 @p0 $0xFFFFE800;
	s1 =	simm.s32 @p0 $0xA700  }
0x71: {  	[tilespmem:s1], [sflag:$0x3] =	stream.indirect.gather @p0 [hbm4b:s4+s15], $0x80, s0, s15, $0xb8;
	[tilespmem:$0x1FB00] =	vst v63  }
0x72: {  	s0 =	simm.s32 @!p0 $0x5  }
0x73: {  	_ =	swait.ge @!p0 [sflag:s0], $0x1800  }
0x74: {  	[sflag:s0] =	ssyncset.done @!p0 $0x0  }
0x75: {  	[sflag:s0] =	ssyncadd.s32 @!p0 $0xFFFFE800;
	s0 =	simm.s32 @!p0 $0x6  }
0x76: {  	_ =	swait.ge @!p0 [sflag:s0], $0x1800  }
0x77: {  	s30 =	sadd.s32 $0x1, s30;
	[sflag:s0] =	ssyncset.done @!p0 $0x0  }
0x78: {  	[sflag:s0] =	ssyncadd.s32 @!p0 $0xFFFFE800;
	p0 =	sne.s32 s30, s10  }
.Ltmp2:
0x79: {  	[bflag:$0x0] =	sbarrier.arrive $0xFFFF;
	(pc) =	sbr.rel @p0 .LBB2_1-.Ltmp2, $4  }
0x7a: {  	[hbm:s9], [sflag:s16] =	dma.local [spmem:s17], $0x2780  }
0x7b: {  	_ =	swait.ge [sflag:s14], $0x2780  }
0x7c: {  	[sflag:s14] =	ssyncset.done $0x0  }
0x7d: {  	[sflag:s14] =	ssyncadd.s32 $0xFFFFD880  }
0x7e: {  	_ =	sfence.sel $0x180000  }
0x7f: {  	[bflag:$0x0] =	sbarrier.arrive $0xFFFF  }
0x80: {  	_ =	strace $0x9000004A  }
0x81: {  	s0 =	stileid.u32;
	[bflag:$0x2] =	sbarrier.arrive $0xFFFF  }
0x82: {  	p0 =	sne.s32 s0, $0x0;
	s0 =	rddreg [dreg:$0x2]  }
0x83: {  	s0 =	sadd.s32 @!p0 $0x100000, s0  }
0x84: {  	[sflag:s0] =	ssyncadd.tile.s32 @!p0 $0x1;
	_ =	shalt  }
.Lfunc_end2:
_tile_overlayer_lowered:
.L_overlay_start_2:
0x85: {  	(tag) =	ssettag $0x2  }
0x86: {  	s0 =	rddreg [dreg:$0x0];
	s2 =	stileid.u32  }
0x87: {  	s1 =	rddreg [dreg:$0x1];
	p0 =	sne.s32 s2, $0x0  }
0x88: {  	s3 =	rddreg [dreg:$0x2];
	[bflag:$0x3] =	sbarrier.arrive $0xFFFF;
	s2 =	simm.s32 @!p0 $0x1C07  }
0x89: {  	[timem:s3], [sflag:s2] =	dma.local @!p0 [hbm:s0], s1  }
0x8a: {  	s0 =	simm.s32 @!p0 $0x7  }
0x8b: {  	_ =	swait.ge @!p0 [sflag:s0], s1  }
0x8c: {  	s1 =	ssub.s32 @!p0 $0x0, s1;
	[sflag:s0] =	ssyncset.done @!p0 $0x0  }
0x8d: {  	[sflag:s0] =	ssyncadd.s32 @!p0 s1  }
0x8e: {  	[bflag:$0x3] =	sbarrier.arrive $0xFFFF  }
0x8f: {  	_ =	shalt  }

// kernel: kernel.14.cloned.1.call-start
scs
__scs_entry_jumppad:
0x0: {  	(pc) =	sbr.rel $0x88, $3  }
0x1: {  	(tag) =	ssettag $0x0;
	lr =	simm.s32 $0x1  }
0x2: {  	[smem:$0x3F9A] =	sst lr;
	_ =	strace $0xD0000000  }
0x3: {  	_ = 	snop  }
0x4: {  	_ = 	snop  }
0x5: {  	_ = 	snop  }
0x6: {  	_ = 	snop  }
0x7: {  	_ = 	snop  }
__scs_overlays_trampoline_lowered:
0x8: {  	[smem:$0x3FA9] =	sst s0  }
0x9: {  	[smem:$0x3FAA] =	sst s1  }
0xa: {  	[smem:$0x3FAB] =	sst s2  }
0xb: {  	[smem:$0x3FAC] =	sst s3  }
0xc: {  	[smem:$0x3FAD] =	sst s4  }
0xd: {  	[smem:$0x3FAE] =	sst s5  }
0xe: {  	[smem:$0x3FAF] =	sst s6  }
0xf: {  	[smem:$0x3FB0] =	sst s7  }
0x10: {  	[smem:$0x3FB1] =	sst s8  }
0x11: {  	[smem:$0x3FB2] =	sst s9;
	s0 =	simm.s32 @!p0 $0x0  }
0x12: {  	s1 =	sld [smem:$0x3F98];
	s0 =	simm.s32 @p0 $0x1  }
0x13: {  	[smem:$0x3FB3] =	sst s0;
	s0 =	simm.s32 @!p1 $0x0  }
0x14: {  	s2 =	sld [smem:$0x3F97];
	s0 =	simm.s32 @p1 $0x1  }
0x15: {  	[smem:$0x3FB4] =	sst s0;
	s0 =	simm.s32 @!p2 $0x0  }
0x16: {  	s3 =	sld [smem:$0x3FDB];
	s0 =	simm.s32 @p2 $0x1  }
0x17: {  	s4 =	simm.s32 $0x1BF5;
	[smem:$0x3FB6] =	sst s0  }
0x18: {  	s0 =	sld [smem:$0x3F99];
	_ =	swait.ge [sflag:s4], $0x0  }
0x19: {  	s7 =	sld [smem:$0x3F9A]  }
0x1a: {  	s8 =	sadd.s32 $0xFFFFE003, lr  }
0x1b: {  	s9 =	sadd.s32 $0xFFFFFEF7, lr;
	s5 =	simm.s32 $0xFFFFFFFF;
	p2 =	slt.u32 s8, $0xFFFFF086  }
0x1c: {  	p1 =	slt.u32 s9, $0xF7A;
	s5 =	simm.s32 @!p2 $0x0  }
0x1d: {  	s5 =	simm.s32 @p1 $0x1;
	p0 =	seq.s32 s7, s2  }
0x1e: {  	s7 =	smul.u32 @!p0 $0xF7A, s2;
	p2 =	seq.s32 @!p0 s5, $0x0  }
0x1f: {  	s9 =	smul.u32 $0xF7A, s1;
	s8 =	simm.s32 @!p0 $0x1BF5;
	p2 =	por !p2, p0  }
0x20: {  	[sflag:s8] =	ssyncset.s32 @!p0 $0xFFFFF086;
	s6 =	sadd.s32 @!p0 s3, s7;
	s7 =	simm.s32 @!p0 $0x108  }
0x21: {  	s3 =	sadd.s32 s3, s9;
	s6 =	sadd.s32 @!p0 $0x88, s6;
	s7 =	simm.s32 @p2 $0x1082  }
0x22: {  	[simem:s7], [sflag:s8] =	dma.local @!p0 [hbm:s6], $0xF7A  }
0x23: {  	s9 =	sor.u32 $0xD0000000, s2;
	s6 =	simm.s32 $0x108;
	_ =	swait.ge @!p0 [sflag:s8], $0x0  }
0x24: {  	s3 =	sadd.s32 $0x88, s3;
	s6 =	simm.s32 @!p1 $0x1082;
	[sflag:s4] =	ssyncset.s32 $0xFFFFF086  }
0x25: {  	[simem:s6], [sflag:s4] =	dma.local [hbm:s3], $0xF7A  }
0x26: {  	[smem:$0x3F9A] =	sst s1;
	(tag) =	ssettag s2;
	_ =	strace s9  }
0x27: {  	s1 =	sld [smem:$0x3FAA]  }
0x28: {  	s2 =	sld [smem:$0x3FAB]  }
0x29: {  	s4 =	sld [smem:$0x3FAD]  }
0x2a: {  	p0 =	seq.s32 s5, $0x0;
	s5 =	sld [smem:$0x3FAE]  }
0x2b: {  	s6 =	sld [smem:$0x3FAF]  }
0x2c: {  	s7 =	sld [smem:$0x3FB0]  }
0x2d: {  	s3 =	simm.s32 $0x108;
	s8 =	sld [smem:$0x3FB1]  }
0x2e: {  	s3 =	simm.s32 @!p0 $0x1082;
	s9 =	sld [smem:$0x3FB2]  }
0x2f: {  	lr =	sadd.s32 s0, s3;
	s0 =	sld [smem:$0x3FA9]  }
0x30: {  	s3 =	sld [smem:$0x3FAC]  }
0x31: {  	[smem:$0x3FB5] =	sst s10  }
0x32: {  	s10 =	sld [smem:$0x3FB3];
	_ =	sdelay $0x3  }
0x33: {  	p0 =	seq.s32 s10, $0x1;
	s10 =	sld [smem:$0x3FB5];
	_ =	sdelay $0x3  }
0x34: {  	[smem:$0x3FB5] =	sst s10  }
0x35: {  	s10 =	sld [smem:$0x3FB4];
	_ =	sdelay $0x3  }
0x36: {  	p1 =	seq.s32 s10, $0x1;
	s10 =	sld [smem:$0x3FB5];
	_ =	sdelay $0x3  }
0x37: {  	[smem:$0x3FB5] =	sst s10  }
0x38: {  	s10 =	sld [smem:$0x3FB6]  }
0x39: {  	_ = 	snop;
	(pc) =	sbr.ind lr, $3  }
0x3a: {  	_ = 	snop  }
0x3b: {  	_ = 	snop  }
0x3c: {  	p2 =	seq.s32 s10, $0x1;
	s10 =	sld [smem:$0x3FB5]  }
0x3d: {  	_ =	shalt  }
0x3e: {  	_ =	shalt  }
0x3f: {  	_ =	shalt  }
0x40: {  	_ =	shalt  }
0x41: {  	_ =	shalt  }
0x42: {  	_ =	shalt  }
0x43: {  	_ =	shalt  }
0x44: {  	_ =	shalt  }
0x45: {  	_ =	shalt  }
0x46: {  	_ =	shalt  }
0x47: {  	_ =	shalt  }
0x48: {  	_ =	shalt  }
0x49: {  	_ =	shalt  }
0x4a: {  	_ =	shalt  }
0x4b: {  	_ =	shalt  }
0x4c: {  	_ =	shalt  }
0x4d: {  	_ =	shalt  }
0x4e: {  	_ =	shalt  }
0x4f: {  	_ =	shalt  }
0x50: {  	_ =	shalt  }
0x51: {  	_ =	shalt  }
0x52: {  	_ =	shalt  }
0x53: {  	_ =	shalt  }
0x54: {  	_ =	shalt  }
0x55: {  	_ =	shalt  }
0x56: {  	_ =	shalt  }
0x57: {  	_ =	shalt  }
0x58: {  	_ =	shalt  }
0x59: {  	_ =	shalt  }
0x5a: {  	_ =	shalt  }
0x5b: {  	_ =	shalt  }
0x5c: {  	_ =	shalt  }
0x5d: {  	_ =	shalt  }
0x5e: {  	_ =	shalt  }
0x5f: {  	_ =	shalt  }
0x60: {  	_ =	shalt  }
0x61: {  	_ =	shalt  }
0x62: {  	_ =	shalt  }
0x63: {  	_ =	shalt  }
0x64: {  	_ =	shalt  }
0x65: {  	_ =	shalt  }
0x66: {  	_ =	shalt  }
0x67: {  	_ =	shalt  }
0x68: {  	_ =	shalt  }
0x69: {  	_ =	shalt  }
0x6a: {  	_ =	shalt  }
0x6b: {  	_ =	shalt  }
0x6c: {  	_ =	shalt  }
0x6d: {  	_ =	shalt  }
0x6e: {  	_ =	shalt  }
0x6f: {  	_ =	shalt  }
0x70: {  	_ =	shalt  }
0x71: {  	_ =	shalt  }
0x72: {  	_ =	shalt  }
0x73: {  	_ =	shalt  }
0x74: {  	_ =	shalt  }
0x75: {  	_ =	shalt  }
0x76: {  	_ =	shalt  }
0x77: {  	_ =	shalt  }
0x78: {  	_ =	shalt  }
0x79: {  	_ =	shalt  }
0x7a: {  	_ =	shalt  }
0x7b: {  	_ =	shalt  }
0x7c: {  	_ =	shalt  }
0x7d: {  	_ =	shalt  }
0x7e: {  	_ =	shalt  }
0x7f: {  	_ =	shalt  }
0x80: {  	_ =	shalt  }
0x81: {  	_ =	shalt  }
0x82: {  	_ =	shalt  }
0x83: {  	_ =	shalt  }
0x84: {  	_ =	shalt  }
0x85: {  	_ =	shalt  }
0x86: {  	_ =	shalt  }
0x87: {  	_ =	shalt  }
.Lfunc_end0:
.L_simem_size_0:
called_computation.2_lowered:
.L_overlay_start_0:
0x88: {  	s2 =	sld [smem:$0x3FD9]  }
0x89: {  	s3 =	sld [smem:$0x3FFE];
	_ =	sdelay $0x1  }
0x8a: {  	s1 =	srdreg.scid  }
0x8b: {  	s0 =	sand.u32 $0x1, s1  }
0x8c: {  	s16 =	sshll.u32 s0, $0xA;
	s2 =	sadd.s32 s3, s2  }
0x8d: {  	s2 =	sadd.s32 s2, s16  }
0x8e: {  	[smem:$0x3FC1] =	sst s2  }
0x8f: {  	_ = 	snop  }
0x90: {  	(tm) =	ssettm $0x1  }
0x91: {  	s17 =	sld [smem:$0x3FFB];
	_ =	sdelay $0x3  }
0x92: {  	_ =	strace s17  }
0x93: {  	s2 =	sld [smem:$0x3FFC];
	_ =	sdelay $0x3  }
0x94: {  	_ =	strace s2  }
0x95: {  	s2 =	sld [smem:$0x3FFD];
	_ =	sdelay $0x3  }
0x96: {  	_ =	strace s2  }
0x97: {  	_ =	strace $0x8FFFFFFF  }
0x98: {  	s18 =	sld [smem:$0x3FDB];
	_ =	sdelay $0x1  }
0x99: {  	s19 =	simm.s32 $_scs_section_size  }
0x9a: {  	s4 =	simm.s32 $_size__tile_overlayer_lowered;
	s5 =	simm.s32 $_tile_overlayer_lowered  }
0x9b: {  	s22 =	simm.s32 $0x1BFF;
	s21 =	sshll.u32 s5, $0x1;
	s2 =	sadd.s32 s19, s18  }
0x9c: {  	s6 =	simm.s32 $0x0;
	s20 =	sshll.u32 s4, $0x1;
	s4 =	sadd.s32 s21, s2  }
0x9d: {  	[timem:s6], [sflag:s22] =	dma.local [hbm:s4], s20  }
0x9e: {  	_ =	swait.ge [sflag:s22], s20  }
0x9f: {  	s3 =	ssub.s32 $0x0, s20;
	[sflag:s22] =	ssyncset.done $0x0  }
0xa0: {  	[sflag:s22] =	ssyncadd.s32 s3;
	_ =	sdelay $0x1  }
0xa1: {  	s23 =	simm.s32 $0x1B8B  }
0xa2: {  	_ =	swait.ge [sflag:s23], $0x1  }
0xa3: {  	[sflag:s23] =	ssyncset.done $0x0  }
0xa4: {  	s25 =	simm.s32 $0x1B8E;
	s24 =	sld [smem:$0x3FFE];
	[sflag:s23] =	ssyncadd.s32 $0xFFFFFFFF  }
0xa5: {  	s26 =	simm.s32 $execute0_lowered;
	[smem:$0x3FD2] =	sst s25  }
0xa6: {  	s4 =	sshll.u32 s26, $0x1;
	_ =	strace $0x8000004C;
	[dreg:$0x1] =	wrdreg $0xFFFFFFFF  }
0xa7: {  	s28 =	simm.s32 $_size_execute0_lowered;
	s2 =	sadd.s32 s2, s4;
	[dreg:$0x0] =	wrdreg $0x0  }
0xa8: {  	s4 =	sshll.u32 s28, $0x1;
	[dreg:$0x2] =	wrdreg s2  }
0xa9: {  	[dreg:$0x3] =	wrdreg s4  }
0xaa: {  	[dreg:$0x4] =	wrdreg $0xC0  }
0xab: {  	_ =	task [dreg:s6], $0x5FFFF  }
0xac: {  	[dreg:$0x1] =	wrdreg $0xFFFFFFFF  }
0xad: {  	[dreg:$0x0] =	wrdreg $0x60  }
0xae: {  	[dreg:$0x2] =	wrdreg s24  }
0xaf: {  	[dreg:$0x3] =	wrdreg $0xBF000  }
0xb0: {  	[dreg:$0x4] =	wrdreg $0x9  }
0xb1: {  	_ =	task.clear_ibuf [dreg:s6], $0x5FFFF;
	_ =	strace $0x9000004C  }
0xb2: {  	s29 =	simm.s32 $0x9;
	_ =	strace $0x8000004E  }
0xb3: {  	_ =	swait.ge [sflag:s29], $0x1  }
0xb4: {  	[sflag:s29] =	ssyncadd.s32 $0xFFFFFFFF  }
0xb5: {  	_ =	strace $0x9000004E  }
0xb6: {  	_ =	sfence  }
0xb7: {  	s30 =	sld [smem:$0x0];
	_ =	sdelay $0x2  }
0xb8: {  	s31 =	sshll.u32 s1, $0xD;
	s1 =	sshrl.u32 s1, $0x2  }
0xb9: {  	s3 =	sand.u32 $0x4000, s31;
	s1 =	sadd.s32 s1, s30  }
0xba: {  	s0 =	sor.u32 s3, s0;
	s1 =	sshll.u32 s1, $0x11  }
0xbb: {  	s0 =	sor.u32 s1, s0  }
0xbc: {  	s0 =	sadd.s32 $0x8F2B, s0  }
0xbd: {  	[sflag:s0] =	ssyncadd.remote.s32 $0x1  }
0xbe: {  	_ =	sfence.sel $0xFFFF  }
0xbf: {  	[dreg:$0x0] =	wrdreg $0xFFFFFFFF;
	(pc) =	sbr.abs _section_cstart, $3  }
0xc0: {  	[dreg:$0x1] =	wrdreg $0xFFFFFFFF  }
0xc1: {  	_ =	task.clear_ibuf [dreg:s6], $0x2FFFF;
	_ =	strace $0x9FFFFFFF  }
0xc2: {  	(tm) =	ssettm $0x7FFFFFFF  }
0xc3: {  	_ =	shalt  }
tec
execute0_lowered:
.L_overlay_start_1:
0x0: {  	(tag) =	ssettag $0x1  }
0x1: {  	s0 =	rddreg [dreg:$0x0]  }
0x2: {  	s2 =	rddreg [dreg:$0x1];
	s1 =	srdreg.scid  }
0x3: {  	s15 =	stileid.u32;
	s12 =	simm.s32 $0x80;
	s13 =	simm.s32 $0x400  }
0x4: {  	s14 =	simm.s32 $0x7;
	s18 =	simm.s32 $0x30;
	s19 =	simm.s32 $0x7700  }
0x5: {  	s20 =	simm.s32 $0x8F00;
	s28 =	simm.s32 $0x5;
	s29 =	simm.s32 $0x6  }
0x6: {  	s30 =	simm.s32 $0x0;
	s1 =	sand.u32 $0x1, s1;
	s21 =	smul.u32 $0x13C00, s15  }
0x7: {  	s3 =	sshrl.u32 s15, $0x2;
	s4 =	sshll.u32 s15, $0x8;
	s9 =	smul.u32 $0x4F000, s15  }
0x8: {  	s31 =	sshll.u32 s15, $0x6;
	s5 =	smul.u32 $0x1DC00, s3;
	s6 =	sshll.u32 s1, $0x7  }
0x9: {  	s4 =	sand.u32 $0x300, s4;
	s3 =	simm.s32 $0x0;
	s7 =	smul.u32 $0x13C000, s1  }
0xa: {  	s25 =	ssub.s32 $0x2, s1;
	p0 =	seq.s32 s1, $0x0;
	s1 =	simm.s32 $0x69  }
0xb: {  	s16 =	sor.u32 $0x1C07, s31;
	s4 =	sor.u32 s6, s4;
	[smem:$0x7FF] =	sst s3  }
0xc: {  	s22 =	sshrl.u32 s21, $0x3;
	s26 =	sshrl.u32 s25, $0x1;
	s1 =	simm.s32 @!p0 $0x23  }
0xd: {  	s9 =	sshrl.u32 s9, $0x2;
	s5 =	sor.u32 s5, s4;
	_ =	strace $0x8000004D  }
0xe: {  	s4 =	sadd.s32 $0x33A00, s0;
	s6 =	sadd.s32 s21, s7;
	s23 =	sadd.s32 s22, s0  }
0xf: {  	s10 =	ssub.s32 s25, s26;
	s17 =	sadd.s32 s9, s2;
	s11 =	smul.u32 $0x240, s1  }
0x10: {  	s21 =	simm.s32 $0x60;
	s22 =	simm.s32 $0xA700;
	s25 =	simm.s32 $0x3  }
0x11: {  	s26 =	simm.s32 $0x4;
	s5 =	sshrl.u32 s5, $0x3;
	s24 =	sshrl.u32 s6, $0x3  }
0x12: {  	s7 =	sadd.s32 $0x5AC00, s23;
	s10 =	smax.u32 s10, $0x1;
	s17 =	sshrl.u32 s17, $0x3  }
0x13: {  	s23 =	simm.s32 $0x1;
	s8 =	sadd.s32 s5, s0;
	s0 =	sadd.s32 s24, s0  }
0x14: {  	s11 =	sadd.s32 $0xFFFFFDC0, s11;
	s24 =	simm.s32 $0x2;
	s5 =	sadd.s32 $0x24C00, s8  }
0x15: {  	s6 =	sadd.s32 $0x15E00, s8;
	s8 =	sadd.s32 $0xFFFFFFFF, s1;
	s9 =	sadd.s32 $0x82400, s0  }
.LBB2_1:
0x16: {  	[tilespmem:s3], [sflag:$0x7] =	stream.strided.gather [hbm4b:s5+s12], $0x3B80, s13, s12, $0x38;
	[tilespmem:$0x1FB00] =	vst v63  }
0x17: {  	_ =	swait.ge [sflag:s14], $0x3B80  }
0x18: {  	[sflag:s14] =	ssyncset.done $0x0  }
0x19: {  	s0 =	simm.s32 $0x3B80;
	[sflag:s14] =	ssyncadd.s32 $0xFFFFC480  }
0x1a: {  	[tilespmem:s0], [sflag:$0x7] =	stream.strided.gather [hbm4b:s6+s12], $0x3B80, s13, s12, $0x38;
	[tilespmem:$0x1FB00] =	vst v63  }
0x1b: {  	_ =	swait.ge [sflag:s14], $0x3B80  }
0x1c: {  	[sflag:s14] =	ssyncset.done $0x0  }
0x1d: {  	[sflag:s14] =	ssyncadd.s32 $0xFFFFC480  }
0x1e: {  	[spmem:s17], [sflag:s16] =	dma.local [hbm:s7], $0x2780  }
0x1f: {  	_ =	swait.ge [sflag:s14], $0x2780  }
0x20: {  	[sflag:s14] =	ssyncset.done $0x0  }
0x21: {  	[sflag:s14] =	ssyncadd.s32 $0xFFFFD880  }
0x22: {  	[bflag:$0x0] =	sbarrier.arrive $0xFFFF  }
0x23: {  	[tilespmem:s19], [sflag:$0x1] =	stream.indirect.gather [hbm4b:s4+s18], $0x80, s3, s18, $0xb8;
	[tilespmem:$0x1FB00] =	vst v63  }
0x24: {  	_ = 	snop  }
0x25: {  	[tilespmem:s20], [sflag:$0x2] =	stream.indirect.gather [hbm4b:s4+s18], $0x80, s18, s18, $0xb8;
	[tilespmem:$0x1FB00] =	vst v63  }
0x26: {  	_ = 	snop  }
0x27: {  	[tilespmem:s22], [sflag:$0x3] =	stream.indirect.gather [hbm4b:s4+s18], $0x80, s21, s18, $0xb8;
	[tilespmem:$0x1FB00] =	vst v63  }
0x28: {  	_ =	swait.ge [sflag:s23], $0x1800  }
0x29: {  	[sflag:s23] =	ssyncset.done $0x0  }
0x2a: {  	s15 =	simm.s32 $0x3B80;
	[sflag:s23] =	ssyncadd.s32 $0xFFFFE800  }
0x2b: {  	[spmem:s2] =	stream.indirect.scatter.add.f32 [tilespmem:s19], [sflag:$0x4], $0x80, s15, s18, $0xb8;
	[tilespmem:$0x1FB00] =	vst v63  }
0x2c: {  	_ =	swait.ge [sflag:s24], $0x1800  }
0x2d: {  	[sflag:s24] =	ssyncset.done $0x0  }
0x2e: {  	s1 =	simm.s32 $0x3BB0;
	[sflag:s24] =	ssyncadd.s32 $0xFFFFE800  }
0x2f: {  	[spmem:s2] =	stream.indirect.scatter.add.f32 [tilespmem:s20], [sflag:$0x5], $0x80, s1, s18, $0xb8;
	[tilespmem:$0x1FB00] =	vst v63  }
0x30: {  	_ =	swait.ge [sflag:s25], $0x1800  }
0x31: {  	[sflag:s25] =	ssyncset.done $0x0  }
0x32: {  	s15 =	simm.s32 $0x3BE0;
	[sflag:s25] =	ssyncadd.s32 $0xFFFFE800  }
0x33: {  	[spmem:s2] =	stream.indirect.scatter.add.f32 [tilespmem:s22], [sflag:$0x6], $0x80, s15, s18, $0xb8;
	[tilespmem:$0x1FB00] =	vst v63  }
0x34: {  	_ =	swait.ge [sflag:s26], $0x1800  }
0x35: {  	[sflag:s26] =	ssyncset.done $0x0  }
0x36: {  	s1 =	simm.s32 $0x90;
	[sflag:s26] =	ssyncadd.s32 $0xFFFFE800  }
0x37: {  	[tilespmem:s19], [sflag:$0x1] =	stream.indirect.gather [hbm4b:s4+s18], $0x80, s1, s18, $0xb8;
	[tilespmem:$0x1FB00] =	vst v63  }
0x38: {  	_ =	swait.ge [sflag:s28], $0x1800  }
0x39: {  	p0 =	sne.s32 s11, $0x240;
	[sflag:s28] =	ssyncset.done $0x0  }
.Ltmp0:
0x3a: {  	s15 =	simm.s32 $0xC0;
	[sflag:s28] =	ssyncadd.s32 $0xFFFFE800;
	(pc) =	sbr.rel @!p0 .LBB2_3-.Ltmp0, $4  }
0x3b: {  	[tilespmem:s20], [sflag:$0x2] =	stream.indirect.gather [hbm4b:s4+s18], $0x80, s15, s18, $0xb8;
	[tilespmem:$0x1FB00] =	vst v63  }
0x3c: {  	_ =	swait.ge [sflag:s29], $0x1800  }
0x3d: {  	s31 =	simm.s32 $0x240;
	[sflag:s29] =	ssyncset.done $0x0  }
0x3e: {  	s0 =	simm.s32 $0x1;
	s1 =	simm.s32 $0xF0;
	[sflag:s29] =	ssyncadd.s32 $0xFFFFE800  }
.LBB2_2:
0x3f: {  	[tilespmem:s22], [sflag:$0x3] =	stream.indirect.gather [hbm4b:s4+s18], $0x80, s1, s18, $0xb8;
	[tilespmem:$0x1FB00] =	vst v63  }
0x40: {  	s1 =	smov.u32 s31;
	s31 =	sadd.s32 $0x240, s31;
	_ =	swait.ge [sflag:s23], $0x1800  }
0x41: {  	s1 =	sshra.s32 s1, $0x2;
	p0 =	sne.s32 s11, s31;
	[sflag:s23] =	ssyncset.done $0x0  }
0x42: {  	s15 =	sadd.s32 $0x3B80, s1;
	[sflag:s23] =	ssyncadd.s32 $0xFFFFE800  }
0x43: {  	[spmem:s2] =	stream.indirect.scatter.add.f32 [tilespmem:s19], [sflag:$0x4], $0x80, s15, s18, $0xb8;
	[tilespmem:$0x1FB00] =	vst v63  }
0x44: {  	_ =	swait.ge [sflag:s24], $0x1800  }
0x45: {  	[sflag:s24] =	ssyncset.done $0x0  }
0x46: {  	s15 =	sadd.s32 $0x3BB0, s1;
	[sflag:s24] =	ssyncadd.s32 $0xFFFFE800  }
0x47: {  	[spmem:s2] =	stream.indirect.scatter.add.f32 [tilespmem:s20], [sflag:$0x5], $0x80, s15, s18, $0xb8;
	[tilespmem:$0x1FB00] =	vst v63  }
0x48: {  	_ =	swait.ge [sflag:s25], $0x1800  }
0x49: {  	[sflag:s25] =	ssyncset.done $0x0  }
0x4a: {  	s15 =	sadd.s32 $0x3BE0, s1;
	[sflag:s25] =	ssyncadd.s32 $0xFFFFE800  }
0x4b: {  	[spmem:s2] =	stream.indirect.scatter.add.f32 [tilespmem:s22], [sflag:$0x6], $0x80, s15, s18, $0xb8;
	[tilespmem:$0x1FB00] =	vst v63  }
0x4c: {  	_ =	swait.ge [sflag:s26], $0x1800  }
0x4d: {  	[sflag:s26] =	ssyncset.done $0x0  }
0x4e: {  	s15 =	sadd.s32 $0x90, s1;
	[sflag:s26] =	ssyncadd.s32 $0xFFFFE800  }
0x4f: {  	[tilespmem:s19], [sflag:$0x1] =	stream.indirect.gather [hbm4b:s4+s18], $0x80, s15, s18, $0xb8;
	[tilespmem:$0x1FB00] =	vst v63  }
0x50: {  	_ =	swait.ge [sflag:s28], $0x1800  }
0x51: {  	[sflag:s28] =	ssyncset.done $0x0  }
.Ltmp1:
0x52: {  	s15 =	sadd.s32 $0xC0, s1;
	[sflag:s28] =	ssyncadd.s32 $0xFFFFE800;
	(pc) =	sbr.rel @p0 .LBB2_2-.Ltmp1, $4  }
0x53: {  	[tilespmem:s20], [sflag:$0x2] =	stream.indirect.gather [hbm4b:s4+s18], $0x80, s15, s18, $0xb8;
	[tilespmem:$0x1FB00] =	vst v63  }
0x54: {  	_ =	swait.ge [sflag:s29], $0x1800  }
0x55: {  	[sflag:s29] =	ssyncset.done $0x0  }
0x56: {  	s0 =	sadd.s32 $0x1, s0;
	s1 =	sadd.s32 $0xF0, s1;
	[sflag:s29] =	ssyncadd.s32 $0xFFFFE800  }
.LBB2_3:
0x57: {  	[tilespmem:s22], [sflag:$0x3] =	stream.indirect.gather [hbm4b:s4+s18], $0x80, s1, s18, $0xb8;
	[tilespmem:$0x1FB00] =	vst v63  }
0x58: {  	_ =	swait.ge [sflag:s23], $0x1800  }
0x59: {  	s1 =	sshra.s32 s31, $0x2;
	[sflag:s23] =	ssyncset.done $0x0  }
0x5a: {  	s15 =	sadd.s32 $0x3B80, s1;
	[sflag:s23] =	ssyncadd.s32 $0xFFFFE800  }
0x5b: {  	[spmem:s2] =	stream.indirect.scatter.add.f32 [tilespmem:s19], [sflag:$0x4], $0x80, s15, s18, $0xb8;
	[tilespmem:$0x1FB00] =	vst v63  }
0x5c: {  	_ =	swait.ge [sflag:s24], $0x1800  }
0x5d: {  	[sflag:s24] =	ssyncset.done $0x0  }
0x5e: {  	s15 =	sadd.s32 $0x3BB0, s1;
	[sflag:s24] =	ssyncadd.s32 $0xFFFFE800  }
0x5f: {  	[spmem:s2] =	stream.indirect.scatter.add.f32 [tilespmem:s20], [sflag:$0x5], $0x80, s15, s18, $0xb8;
	[tilespmem:$0x1FB00] =	vst v63  }
0x60: {  	_ =	swait.ge [sflag:s25], $0x1800  }
0x61: {  	[sflag:s25] =	ssyncset.done $0x0  }
0x62: {  	s1 =	sadd.s32 $0x3BE0, s1;
	[sflag:s25] =	ssyncadd.s32 $0xFFFFE800  }
0x63: {  	[spmem:s2] =	stream.indirect.scatter.add.f32 [tilespmem:s22], [sflag:$0x6], $0x80, s1, s18, $0xb8;
	[tilespmem:$0x1FB00] =	vst v63  }
0x64: {  	p0 =	slt.u32 s0, s8;
	_ =	swait.ge [sflag:s26], $0x1800  }
0x65: {  	s0 =	sshra.s32 @p0 s31, $0x2;
	s31 =	simm.s32 @p0 $0x7700;
	[sflag:s26] =	ssyncset.done $0x0  }
0x66: {  	s15 =	simm.s32 @p0 $0x30;
	s1 =	sadd.s32 @p0 $0x90, s0;
	[sflag:s26] =	ssyncadd.s32 $0xFFFFE800  }
0x67: {  	[tilespmem:s31], [sflag:$0x1] =	stream.indirect.gather @p0 [hbm4b:s4+s15], $0x80, s1, s15, $0xb8;
	[tilespmem:$0x1FB00] =	vst v63  }
0x68: {  	s1 =	simm.s32 @p0 $0x5  }
0x69: {  	_ =	swait.ge @p0 [sflag:s1], $0x1800  }
0x6a: {  	[sflag:s1] =	ssyncset.done @p0 $0x0  }
0x6b: {  	s31 =	simm.s32 @p0 $0x8F00;
	[sflag:s1] =	ssyncadd.s32 @p0 $0xFFFFE800;
	s1 =	sadd.s32 @p0 $0xC0, s0  }
0x6c: {  	[tilespmem:s31], [sflag:$0x2] =	stream.indirect.gather @p0 [hbm4b:s4+s15], $0x80, s1, s15, $0xb8;
	[tilespmem:$0x1FB00] =	vst v63  }
0x6d: {  	s1 =	simm.s32 @p0 $0x6  }
0x6e: {  	_ =	swait.ge @p0 [sflag:s1], $0x1800  }
0x6f: {  	[sflag:s1] =	ssyncset.done @p0 $0x0  }
0x70: {  	s0 =	sadd.s32 @p0 $0xF0, s0;
	[sflag:s1] =	ssyncadd.s32 @p0 $0xFFFFE800;
	s1 =	simm.s32 @p0 $0xA700  }
0x71: {  	[tilespmem:s1], [sflag:$0x3] =	stream.indirect.gather @p0 [hbm4b:s4+s15], $0x80, s0, s15, $0xb8;
	[tilespmem:$0x1FB00] =	vst v63  }
0x72: {  	s0 =	simm.s32 @!p0 $0x5  }
0x73: {  	_ =	swait.ge @!p0 [sflag:s0], $0x1800  }
0x74: {  	[sflag:s0] =	ssyncset.done @!p0 $0x0  }
0x75: {  	[sflag:s0] =	ssyncadd.s32 @!p0 $0xFFFFE800;
	s0 =	simm.s32 @!p0 $0x6  }
0x76: {  	_ =	swait.ge @!p0 [sflag:s0], $0x1800  }
0x77: {  	s30 =	sadd.s32 $0x1, s30;
	[sflag:s0] =	ssyncset.done @!p0 $0x0  }
0x78: {  	[sflag:s0] =	ssyncadd.s32 @!p0 $0xFFFFE800;
	p0 =	sne.s32 s30, s10  }
.Ltmp2:
0x79: {  	[bflag:$0x0] =	sbarrier.arrive $0xFFFF;
	(pc) =	sbr.rel @p0 .LBB2_1-.Ltmp2, $4  }
0x7a: {  	[hbm:s9], [sflag:s16] =	dma.local [spmem:s17], $0x2780  }
0x7b: {  	_ =	swait.ge [sflag:s14], $0x2780  }
0x7c: {  	[sflag:s14] =	ssyncset.done $0x0  }
0x7d: {  	[sflag:s14] =	ssyncadd.s32 $0xFFFFD880  }
0x7e: {  	_ =	sfence.sel $0x180000  }
0x7f: {  	[bflag:$0x0] =	sbarrier.arrive $0xFFFF  }
0x80: {  	_ =	strace $0x9000004D  }
0x81: {  	s0 =	stileid.u32;
	[bflag:$0x2] =	sbarrier.arrive $0xFFFF  }
0x82: {  	p0 =	sne.s32 s0, $0x0;
	s0 =	rddreg [dreg:$0x2]  }
0x83: {  	s0 =	sadd.s32 @!p0 $0x100000, s0  }
0x84: {  	[sflag:s0] =	ssyncadd.tile.s32 @!p0 $0x1;
	_ =	shalt  }
.Lfunc_end2:
_tile_overlayer_lowered:
.L_overlay_start_2:
0x85: {  	(tag) =	ssettag $0x2  }
0x86: {  	s0 =	rddreg [dreg:$0x0];
	s2 =	stileid.u32  }
0x87: {  	s1 =	rddreg [dreg:$0x1];
	p0 =	sne.s32 s2, $0x0  }
0x88: {  	s3 =	rddreg [dreg:$0x2];
	[bflag:$0x3] =	sbarrier.arrive $0xFFFF;
	s2 =	simm.s32 @!p0 $0x1C07  }
0x89: {  	[timem:s3], [sflag:s2] =	dma.local @!p0 [hbm:s0], s1  }
0x8a: {  	s0 =	simm.s32 @!p0 $0x7  }
0x8b: {  	_ =	swait.ge @!p0 [sflag:s0], s1  }
0x8c: {  	s1 =	ssub.s32 @!p0 $0x0, s1;
	[sflag:s0] =	ssyncset.done @!p0 $0x0  }
0x8d: {  	[sflag:s0] =	ssyncadd.s32 @!p0 s1  }
0x8e: {  	[bflag:$0x3] =	sbarrier.arrive $0xFFFF  }
0x8f: {  	_ =	shalt  }

// kernel: kernel.8.cloned.1.call-start
scs
__scs_entry_jumppad:
0x0: {  	(pc) =	sbr.rel $0x88, $3  }
0x1: {  	(tag) =	ssettag $0x0;
	lr =	simm.s32 $0x1  }
0x2: {  	[smem:$0x3F9A] =	sst lr;
	_ =	strace $0xD0000000  }
0x3: {  	_ = 	snop  }
0x4: {  	_ = 	snop  }
0x5: {  	_ = 	snop  }
0x6: {  	_ = 	snop  }
0x7: {  	_ = 	snop  }
__scs_overlays_trampoline_lowered:
0x8: {  	[smem:$0x3FA9] =	sst s0  }
0x9: {  	[smem:$0x3FAA] =	sst s1  }
0xa: {  	[smem:$0x3FAB] =	sst s2  }
0xb: {  	[smem:$0x3FAC] =	sst s3  }
0xc: {  	[smem:$0x3FAD] =	sst s4  }
0xd: {  	[smem:$0x3FAE] =	sst s5  }
0xe: {  	[smem:$0x3FAF] =	sst s6  }
0xf: {  	[smem:$0x3FB0] =	sst s7  }
0x10: {  	[smem:$0x3FB1] =	sst s8  }
0x11: {  	[smem:$0x3FB2] =	sst s9;
	s0 =	simm.s32 @!p0 $0x0  }
0x12: {  	s1 =	sld [smem:$0x3F98];
	s0 =	simm.s32 @p0 $0x1  }
0x13: {  	[smem:$0x3FB3] =	sst s0;
	s0 =	simm.s32 @!p1 $0x0  }
0x14: {  	s2 =	sld [smem:$0x3F97];
	s0 =	simm.s32 @p1 $0x1  }
0x15: {  	[smem:$0x3FB4] =	sst s0;
	s0 =	simm.s32 @!p2 $0x0  }
0x16: {  	s3 =	sld [smem:$0x3FDB];
	s0 =	simm.s32 @p2 $0x1  }
0x17: {  	s4 =	simm.s32 $0x1BF5;
	[smem:$0x3FB6] =	sst s0  }
0x18: {  	s0 =	sld [smem:$0x3F99];
	_ =	swait.ge [sflag:s4], $0x0  }
0x19: {  	s7 =	sld [smem:$0x3F9A]  }
0x1a: {  	s8 =	sadd.s32 $0xFFFFE003, lr  }
0x1b: {  	s9 =	sadd.s32 $0xFFFFFEF7, lr;
	s5 =	simm.s32 $0xFFFFFFFF;
	p2 =	slt.u32 s8, $0xFFFFF086  }
0x1c: {  	p1 =	slt.u32 s9, $0xF7A;
	s5 =	simm.s32 @!p2 $0x0  }
0x1d: {  	s5 =	simm.s32 @p1 $0x1;
	p0 =	seq.s32 s7, s2  }
0x1e: {  	s7 =	smul.u32 @!p0 $0xF7A, s2;
	p2 =	seq.s32 @!p0 s5, $0x0  }
0x1f: {  	s9 =	smul.u32 $0xF7A, s1;
	s8 =	simm.s32 @!p0 $0x1BF5;
	p2 =	por !p2, p0  }
0x20: {  	[sflag:s8] =	ssyncset.s32 @!p0 $0xFFFFF086;
	s6 =	sadd.s32 @!p0 s3, s7;
	s7 =	simm.s32 @!p0 $0x108  }
0x21: {  	s3 =	sadd.s32 s3, s9;
	s6 =	sadd.s32 @!p0 $0x88, s6;
	s7 =	simm.s32 @p2 $0x1082  }
0x22: {  	[simem:s7], [sflag:s8] =	dma.local @!p0 [hbm:s6], $0xF7A  }
0x23: {  	s9 =	sor.u32 $0xD0000000, s2;
	s6 =	simm.s32 $0x108;
	_ =	swait.ge @!p0 [sflag:s8], $0x0  }
0x24: {  	s3 =	sadd.s32 $0x88, s3;
	s6 =	simm.s32 @!p1 $0x1082;
	[sflag:s4] =	ssyncset.s32 $0xFFFFF086  }
0x25: {  	[simem:s6], [sflag:s4] =	dma.local [hbm:s3], $0xF7A  }
0x26: {  	[smem:$0x3F9A] =	sst s1;
	(tag) =	ssettag s2;
	_ =	strace s9  }
0x27: {  	s1 =	sld [smem:$0x3FAA]  }
0x28: {  	s2 =	sld [smem:$0x3FAB]  }
0x29: {  	s4 =	sld [smem:$0x3FAD]  }
0x2a: {  	p0 =	seq.s32 s5, $0x0;
	s5 =	sld [smem:$0x3FAE]  }
0x2b: {  	s6 =	sld [smem:$0x3FAF]  }
0x2c: {  	s7 =	sld [smem:$0x3FB0]  }
0x2d: {  	s3 =	simm.s32 $0x108;
	s8 =	sld [smem:$0x3FB1]  }
0x2e: {  	s3 =	simm.s32 @!p0 $0x1082;
	s9 =	sld [smem:$0x3FB2]  }
0x2f: {  	lr =	sadd.s32 s0, s3;
	s0 =	sld [smem:$0x3FA9]  }
0x30: {  	s3 =	sld [smem:$0x3FAC]  }
0x31: {  	[smem:$0x3FB5] =	sst s10  }
0x32: {  	s10 =	sld [smem:$0x3FB3];
	_ =	sdelay $0x3  }
0x33: {  	p0 =	seq.s32 s10, $0x1;
	s10 =	sld [smem:$0x3FB5];
	_ =	sdelay $0x3  }
0x34: {  	[smem:$0x3FB5] =	sst s10  }
0x35: {  	s10 =	sld [smem:$0x3FB4];
	_ =	sdelay $0x3  }
0x36: {  	p1 =	seq.s32 s10, $0x1;
	s10 =	sld [smem:$0x3FB5];
	_ =	sdelay $0x3  }
0x37: {  	[smem:$0x3FB5] =	sst s10  }
0x38: {  	s10 =	sld [smem:$0x3FB6]  }
0x39: {  	_ = 	snop;
	(pc) =	sbr.ind lr, $3  }
0x3a: {  	_ = 	snop  }
0x3b: {  	_ = 	snop  }
0x3c: {  	p2 =	seq.s32 s10, $0x1;
	s10 =	sld [smem:$0x3FB5]  }
0x3d: {  	_ =	shalt  }
0x3e: {  	_ =	shalt  }
0x3f: {  	_ =	shalt  }
0x40: {  	_ =	shalt  }
0x41: {  	_ =	shalt  }
0x42: {  	_ =	shalt  }
0x43: {  	_ =	shalt  }
0x44: {  	_ =	shalt  }
0x45: {  	_ =	shalt  }
0x46: {  	_ =	shalt  }
0x47: {  	_ =	shalt  }
0x48: {  	_ =	shalt  }
0x49: {  	_ =	shalt  }
0x4a: {  	_ =	shalt  }
0x4b: {  	_ =	shalt  }
0x4c: {  	_ =	shalt  }
0x4d: {  	_ =	shalt  }
0x4e: {  	_ =	shalt  }
0x4f: {  	_ =	shalt  }
0x50: {  	_ =	shalt  }
0x51: {  	_ =	shalt  }
0x52: {  	_ =	shalt  }
0x53: {  	_ =	shalt  }
0x54: {  	_ =	shalt  }
0x55: {  	_ =	shalt  }
0x56: {  	_ =	shalt  }
0x57: {  	_ =	shalt  }
0x58: {  	_ =	shalt  }
0x59: {  	_ =	shalt  }
0x5a: {  	_ =	shalt  }
0x5b: {  	_ =	shalt  }
0x5c: {  	_ =	shalt  }
0x5d: {  	_ =	shalt  }
0x5e: {  	_ =	shalt  }
0x5f: {  	_ =	shalt  }
0x60: {  	_ =	shalt  }
0x61: {  	_ =	shalt  }
0x62: {  	_ =	shalt  }
0x63: {  	_ =	shalt  }
0x64: {  	_ =	shalt  }
0x65: {  	_ =	shalt  }
0x66: {  	_ =	shalt  }
0x67: {  	_ =	shalt  }
0x68: {  	_ =	shalt  }
0x69: {  	_ =	shalt  }
0x6a: {  	_ =	shalt  }
0x6b: {  	_ =	shalt  }
0x6c: {  	_ =	shalt  }
0x6d: {  	_ =	shalt  }
0x6e: {  	_ =	shalt  }
0x6f: {  	_ =	shalt  }
0x70: {  	_ =	shalt  }
0x71: {  	_ =	shalt  }
0x72: {  	_ =	shalt  }
0x73: {  	_ =	shalt  }
0x74: {  	_ =	shalt  }
0x75: {  	_ =	shalt  }
0x76: {  	_ =	shalt  }
0x77: {  	_ =	shalt  }
0x78: {  	_ =	shalt  }
0x79: {  	_ =	shalt  }
0x7a: {  	_ =	shalt  }
0x7b: {  	_ =	shalt  }
0x7c: {  	_ =	shalt  }
0x7d: {  	_ =	shalt  }
0x7e: {  	_ =	shalt  }
0x7f: {  	_ =	shalt  }
0x80: {  	_ =	shalt  }
0x81: {  	_ =	shalt  }
0x82: {  	_ =	shalt  }
0x83: {  	_ =	shalt  }
0x84: {  	_ =	shalt  }
0x85: {  	_ =	shalt  }
0x86: {  	_ =	shalt  }
0x87: {  	_ =	shalt  }
.Lfunc_end0:
.L_simem_size_0:
called_computation_lowered:
.L_overlay_start_0:
0x88: {  	s2 =	sld [smem:$0x3FD9]  }
0x89: {  	s3 =	sld [smem:$0x3FFE];
	_ =	sdelay $0x1  }
0x8a: {  	s1 =	srdreg.scid  }
0x8b: {  	s0 =	sand.u32 $0x1, s1  }
0x8c: {  	s16 =	sshll.u32 s0, $0xA;
	s2 =	sadd.s32 s3, s2  }
0x8d: {  	s2 =	sadd.s32 s2, s16  }
0x8e: {  	[smem:$0x3FC1] =	sst s2  }
0x8f: {  	_ = 	snop  }
0x90: {  	(tm) =	ssettm $0x1  }
0x91: {  	s17 =	sld [smem:$0x3FFB];
	_ =	sdelay $0x3  }
0x92: {  	_ =	strace s17  }
0x93: {  	s2 =	sld [smem:$0x3FFC];
	_ =	sdelay $0x3  }
0x94: {  	_ =	strace s2  }
0x95: {  	s2 =	sld [smem:$0x3FFD];
	_ =	sdelay $0x3  }
0x96: {  	_ =	strace s2  }
0x97: {  	_ =	strace $0x8FFFFFFF  }
0x98: {  	s18 =	sld [smem:$0x3FDB];
	_ =	sdelay $0x1  }
0x99: {  	s19 =	simm.s32 $_scs_section_size  }
0x9a: {  	s4 =	simm.s32 $_size__tile_overlayer_lowered;
	s5 =	simm.s32 $_tile_overlayer_lowered  }
0x9b: {  	s22 =	simm.s32 $0x1BFF;
	s21 =	sshll.u32 s5, $0x1;
	s2 =	sadd.s32 s19, s18  }
0x9c: {  	s6 =	simm.s32 $0x0;
	s20 =	sshll.u32 s4, $0x1;
	s4 =	sadd.s32 s21, s2  }
0x9d: {  	[timem:s6], [sflag:s22] =	dma.local [hbm:s4], s20  }
0x9e: {  	_ =	swait.ge [sflag:s22], s20  }
0x9f: {  	s3 =	ssub.s32 $0x0, s20;
	[sflag:s22] =	ssyncset.done $0x0  }
0xa0: {  	[sflag:s22] =	ssyncadd.s32 s3;
	_ =	sdelay $0x1  }
0xa1: {  	s23 =	simm.s32 $0x1B8B  }
0xa2: {  	_ =	swait.ge [sflag:s23], $0x1  }
0xa3: {  	[sflag:s23] =	ssyncset.done $0x0  }
0xa4: {  	s25 =	simm.s32 $0x1B8E;
	s24 =	sld [smem:$0x3FFE];
	[sflag:s23] =	ssyncadd.s32 $0xFFFFFFFF  }
0xa5: {  	s26 =	simm.s32 $execute0_lowered;
	[smem:$0x3FD2] =	sst s25  }
0xa6: {  	s4 =	sshll.u32 s26, $0x1;
	_ =	strace $0x80000046;
	[dreg:$0x1] =	wrdreg $0xFFFFFFFF  }
0xa7: {  	s28 =	simm.s32 $_size_execute0_lowered;
	s2 =	sadd.s32 s2, s4;
	[dreg:$0x0] =	wrdreg $0x0  }
0xa8: {  	s4 =	sshll.u32 s28, $0x1;
	[dreg:$0x2] =	wrdreg s2  }
0xa9: {  	[dreg:$0x3] =	wrdreg s4  }
0xaa: {  	[dreg:$0x4] =	wrdreg $0xC0  }
0xab: {  	_ =	task [dreg:s6], $0x5FFFF  }
0xac: {  	[dreg:$0x1] =	wrdreg $0xFFFFFFFF  }
0xad: {  	[dreg:$0x0] =	wrdreg $0x60  }
0xae: {  	[dreg:$0x2] =	wrdreg s24  }
0xaf: {  	[dreg:$0x3] =	wrdreg $0x9  }
0xb0: {  	_ =	task.clear_ibuf [dreg:s6], $0x4FFFF;
	_ =	strace $0x90000046  }
0xb1: {  	s29 =	simm.s32 $0x9;
	_ =	strace $0x80000048  }
0xb2: {  	_ =	swait.ge [sflag:s29], $0x1  }
0xb3: {  	[sflag:s29] =	ssyncadd.s32 $0xFFFFFFFF  }
0xb4: {  	_ =	strace $0x90000048  }
0xb5: {  	_ =	sfence  }
0xb6: {  	s30 =	sld [smem:$0x0];
	_ =	sdelay $0x2  }
0xb7: {  	s31 =	sshll.u32 s1, $0xD;
	s1 =	sshrl.u32 s1, $0x2  }
0xb8: {  	s3 =	sand.u32 $0x4000, s31;
	s1 =	sadd.s32 s1, s30  }
0xb9: {  	s0 =	sor.u32 s3, s0;
	s1 =	sshll.u32 s1, $0x11  }
0xba: {  	s0 =	sor.u32 s1, s0  }
0xbb: {  	s0 =	sadd.s32 $0x8F2B, s0  }
0xbc: {  	[sflag:s0] =	ssyncadd.remote.s32 $0x1  }
0xbd: {  	_ =	sfence.sel $0xFFFF  }
0xbe: {  	[dreg:$0x0] =	wrdreg $0xFFFFFFFF;
	(pc) =	sbr.abs _section_cstart, $3  }
0xbf: {  	[dreg:$0x1] =	wrdreg $0xFFFFFFFF  }
0xc0: {  	_ =	task.clear_ibuf [dreg:s6], $0x2FFFF;
	_ =	strace $0x9FFFFFFF  }
0xc1: {  	(tm) =	ssettm $0x7FFFFFFF  }
tec
execute0_lowered:
.L_overlay_start_1:
0x0: {  	(tag) =	ssettag $0x1  }
0x1: {  	s1 =	srdreg.scid  }
0x2: {  	s0 =	stileid.u32;
	s5 =	rddreg [dreg:$0x0]  }
0x3: {  	s2 =	simm.s32 $0x0;
	s8 =	simm.s32 $0x80;
	s9 =	simm.s32 $0x400  }
0x4: {  	s10 =	simm.s32 $0x0;
	s3 =	sand.u32 $0x1, s1;
	s29 =	sshll.u32 s0, $0x1  }
0x5: {  	s30 =	sshrl.u32 s0, $0x2;
	s1 =	rddreg [dreg:$0x1];
	s4 =	sor.u32 s3, s29  }
0x6: {  	[smem:$0x7FF] =	sst s2;
	s6 =	smul.u32 $0x13C00, s30;
	s7 =	sshll.u32 s4, $0x7  }
0x7: {  	s3 =	ssub.s32 $0x2, s3;
	s4 =	smul.u32 $0x4E2, s4;
	s7 =	sand.u32 $0x380, s7  }
0x8: {  	_ =	strace $0x80000047;
	s31 =	sshrl.u32 s3, $0x1;
	s6 =	sor.u32 s6, s7  }
0x9: {  	s4 =	sadd.s32 s4, s5;
	s7 =	simm.s32 $0x2780;
	s6 =	sshrl.u32 s6, $0x3  }
0xa: {  	s5 =	sadd.s32 s6, s5;
	s6 =	ssub.s32 s3, s31;
	s3 =	sadd.s32 $0x2200, s4  }
0xb: {  	v0 =	vimm.f32 $0.0e+00;
	v1 =	vimm.f32 $1.000000000e+00;
	s4 =	sadd.s32 $0xC000, s5;
	s5 =	smax.u32 s6, $0x1;
	s6 =	simm.s32 $0x1  }
.LBB2_1:
0xc: {  	[tilespmem:s2], [sflag:$0x1] =	stream.linear.gather [hbm4b:s3+s2], $0x2710, $0x38;
	[tilespmem:$0x4F00] =	vst v63  }
0xd: {  	_ =	swait.ge [sflag:s6], $0x2710  }
0xe: {  	[sflag:s6] =	ssyncset.done $0x0  }
0xf: {  	s11 =	simm.s32 $0x0;
	[sflag:s6] =	ssyncadd.s32 $0xFFFFD8F0  }
.LBB2_2:
0x10: {  	p0 =	sne.s32 s11, $0x9C00  }
.Ltmp0:
0x11: {  	_ = 	snop;
	(pc) =	sbr.rel @p0 .LBB2_2-.Ltmp0, $3  }
0x12: {  	_ =	sdelay $0x1  }
0x13: {  	s12 =	sshra.s32 s11, $0x2  }
0x14: {  	s11 =	sadd.s32 $0x40, s11;
	[tilespmem:s12+$0x2780] =	vst v0  }
0x15: {  	s12 =	simm.s32 $0x0;
	s11 =	simm.s32 $0x40  }
.LBB2_4:
0x16: {  	p0 =	sne.s32 s11, $0x9C00;
	v2 =	vld [tilespmem:s12+$0x0];
	_ =	sdelay $0x3  }
.Ltmp1:
0x17: {  	(pc) =	sbr.rel @p0 .LBB2_4-.Ltmp1, $2  }
0x18: {  	_ =	sdelay $0x2  }
0x19: {  	s12 =	sshra.s32 s11, $0x2;
	s11 =	sadd.s32 $0x40, s11;
	[tilespmem:v2+s7+$0x0] =	vst.idx.add.f32.msk $0xffff, v1  }
0x1a: {  	v2 =	vld [tilespmem:s12+$0x0];
	_ =	sdelay $0x5  }
0x1b: {  	s10 =	sadd.s32 $0x1, s10  }
0x1c: {  	p0 =	sne.s32 s10, s5  }
.Ltmp2:
0x1d: {  	[tilespmem:v2+s7+$0x0] =	vst.idx.add.f32.msk $0xffff, v1;
	(pc) =	sbr.rel @p0 .LBB2_1-.Ltmp2, $4  }
0x1e: {  	[hbm4b:s4+s8] =	stream.strided.scatter [tilespmem:s7], [sflag:$0x1], $0x2780, s9, s8, $0x38;
	[tilespmem:$0x4F00] =	vst v63  }
0x1f: {  	_ =	swait.ge [sflag:s6], $0x2780  }
0x20: {  	[sflag:s6] =	ssyncset.done $0x0  }
0x21: {  	[sflag:s6] =	ssyncadd.s32 $0xFFFFD880  }
0x22: {  	_ =	sfence.sel $0x180000  }
0x23: {  	[bflag:$0x0] =	sbarrier.arrive $0xFFFF  }
0x24: {  	p0 =	sne.s32 s0, $0x0;
	_ =	strace $0x90000047  }
0x25: {  	s0 =	sadd.s32 @!p0 $0x100000, s1;
	[bflag:$0x2] =	sbarrier.arrive $0xFFFF  }
0x26: {  	[sflag:s0] =	ssyncadd.tile.s32 @!p0 $0x1;
	_ =	shalt  }
.Lfunc_end2:
_tile_overlayer_lowered:
.L_overlay_start_2:
0x27: {  	(tag) =	ssettag $0x2  }
0x28: {  	s0 =	rddreg [dreg:$0x0];
	s2 =	stileid.u32  }
0x29: {  	s1 =	rddreg [dreg:$0x1];
	p0 =	sne.s32 s2, $0x0  }
0x2a: {  	s3 =	rddreg [dreg:$0x2];
	[bflag:$0x3] =	sbarrier.arrive $0xFFFF;
	s2 =	simm.s32 @!p0 $0x1C01  }
0x2b: {  	[timem:s3], [sflag:s2] =	dma.local @!p0 [hbm:s0], s1  }
0x2c: {  	s0 =	simm.s32 @!p0 $0x1  }
0x2d: {  	_ =	swait.ge @!p0 [sflag:s0], s1  }
0x2e: {  	s1 =	ssub.s32 @!p0 $0x0, s1;
	[sflag:s0] =	ssyncset.done @!p0 $0x0  }
0x2f: {  	[sflag:s0] =	ssyncadd.s32 @!p0 s1  }
0x30: {  	[bflag:$0x3] =	sbarrier.arrive $0xFFFF  }
0x31: {  	_ =	shalt  }

</sc_bundles>
